<compile_context>
chip_gen: v7x
topology: tpu7x:2x2x1
jax: 0.10.2.dev20260603
libtpu: 0.0.44.dev20260713+nightly
codegen_flags: <defaults>
</compile_context>

<pallas_src>
import functools

import jax
import jax.numpy as jnp
import numpy as np
from jax import lax
from jax.experimental import pallas as pl
from jax.experimental.pallas import tpu as pltpu
from jax.experimental.pallas import tpu_sc as plsc

N = 10000
D = 128
EPS = 1e-5

NC = 2
NS = 16
NW = NC * NS
BATCH = 128

ACC_PER_TILE = 632
ACC_ROWS = NS * ACC_PER_TILE
DEG_PER_TILE = 640
DEG_ROWS = NS * DEG_PER_TILE

_mesh = plsc.VectorSubcoreMesh(core_axis_name="c", subcore_axis_name="s")


CH = 40
NPAIR = CH // 2
NB0 = 80
NB1 = 80
TB = NS * (NB0 + NB1)


def _sc_body(with_deg, tbm, h_hbm, e3_hbm, pad3_hbm, *rest):
    if with_deg:
        (acc_out, deg_out, ebuf, rows_a, rows_b, ones_v,
         acc_sh, deg_sh, semA0, semA1, semB0, semB1, semD) = rest
    else:
        (acc_out, ebuf, rows_a, rows_b,
         acc_sh, semA0, semA1, semB0, semB1) = rest
    mix = tbm % CH
    c = lax.axis_index("c")
    s = lax.axis_index("s")

    zeros16 = jnp.zeros((16,), jnp.float32)
    ones16 = jnp.ones((16,), jnp.float32)

    def _zero_row_body(i, carry):
        for k in range(D // 16):
            rows_a[i, pl.ds(k * 16, 16)] = zeros16
        return carry

    lax.fori_loop(0, BATCH, _zero_row_body, 0)
    if with_deg:
        for k in range(BATCH // 16):
            ones_v[pl.ds(k * 16, 16)] = ones16

    base = s * ACC_PER_TILE
    n_full = ACC_PER_TILE // BATCH
    rem = ACC_PER_TILE - n_full * BATCH
    zcopies = []
    for k in range(n_full):
        zcopies.append(pltpu.async_copy(
            rows_a, acc_sh.at[pl.ds(base + k * BATCH, BATCH)], semB0))
    if rem:
        zcopies.append(pltpu.async_copy(
            rows_a.at[pl.ds(0, rem)],
            acc_sh.at[pl.ds(base + n_full * BATCH, rem)], semB0))
    if with_deg:
        dbase = s * DEG_PER_TILE
        for k in range(DEG_PER_TILE // BATCH):
            zcopies.append(pltpu.async_copy(
                rows_a.at[0], deg_sh.at[pl.ds(dbase + k * BATCH, BATCH)], semB0))
    for cp in zcopies:
        cp.wait()
    plsc.subcore_barrier()

    nchunks = jnp.where(c == 0, NB0 // CH, NB1 // CH)
    base_b = jnp.where(c == 0, s * NB0, NS * NB0 + s * NB1)

    def _chunk_body(kc, carry):
        c0 = base_b + kc * CH

        @pl.when(c0 + CH <= tbm)
        def _():
            pltpu.sync_copy(e3_hbm.at[pl.ds(c0, CH)], ebuf)

        if mix:
            @pl.when(c0 == tbm - mix)
            def _():
                pltpu.sync_copy(e3_hbm.at[pl.ds(tbm - mix, mix)],
                                ebuf.at[pl.ds(0, mix)])
                pltpu.sync_copy(pad3_hbm.at[pl.ds(0, CH - mix)],
                                ebuf.at[pl.ds(mix, CH - mix)])

        @pl.when(c0 >= tbm + (CH - mix if mix else 0))
        def _():
            pltpu.sync_copy(pad3_hbm.at[pl.ds(c0 - tbm, CH)], ebuf)

        pltpu.async_copy(h_hbm.at[ebuf.at[0].at[0]], rows_a, semA0)

        def _pair_body(p, carry):
            j0 = 2 * p
            j1 = j0 + 1

            @pl.when(p > 0)
            def _():
                pltpu.make_async_copy(
                    rows_b, acc_sh.at[ebuf.at[j0 - 1].at[1]], semB1).wait()

            pltpu.async_copy(h_hbm.at[ebuf.at[j1].at[0]], rows_b, semA1)
            pltpu.make_async_copy(h_hbm.at[ebuf.at[j0].at[0]], rows_a, semA0).wait()
            pltpu.async_copy(rows_a, acc_sh.at[ebuf.at[j0].at[1]], semB0, add=True)
            if with_deg:
                pltpu.async_copy(ones_v, deg_sh.at[ebuf.at[j0].at[1]], semD, add=True)
            pltpu.make_async_copy(h_hbm.at[ebuf.at[j1].at[0]], rows_b, semA1).wait()
            pltpu.make_async_copy(rows_a, acc_sh.at[ebuf.at[j0].at[1]], semB0).wait()

            @pl.when(p + 1 < NPAIR)
            def _():
                pltpu.async_copy(h_hbm.at[ebuf.at[j0 + 2].at[0]], rows_a, semA0)

            pltpu.async_copy(rows_b, acc_sh.at[ebuf.at[j1].at[1]], semB1, add=True)
            if with_deg:
                pltpu.async_copy(ones_v, deg_sh.at[ebuf.at[j1].at[1]], semD, add=True)
            return carry

        lax.fori_loop(0, NPAIR, _pair_body, 0)
        pltpu.make_async_copy(rows_b, acc_sh.at[ebuf.at[CH - 1].at[1]], semB1).wait()
        if with_deg:
            def _deg_drain(p, carry2):
                pltpu.make_async_copy(ones_v, deg_sh.at[ebuf.at[0].at[1]], semD).wait()
                return carry2

            lax.fori_loop(0, CH, _deg_drain, 0)
        return carry

    lax.fori_loop(0, nchunks, _chunk_body, 0)
    plsc.subcore_barrier()

    pltpu.sync_copy(acc_sh.at[pl.ds(base, ACC_PER_TILE)],
                    acc_out.at[c].at[pl.ds(base, ACC_PER_TILE)])
    if with_deg:
        pltpu.sync_copy(deg_sh.at[pl.ds(dbase, DEG_PER_TILE)],
                        deg_out.at[c].at[pl.ds(dbase, DEG_PER_TILE)])


def _make_sc_segment_sum(with_deg, tbm):
    out_type = [jax.ShapeDtypeStruct((NC, ACC_ROWS, D), jnp.float32)]
    scratch = [
        pltpu.VMEM((CH, 2, BATCH), jnp.int32),
        pltpu.VMEM((BATCH, D), jnp.float32),
        pltpu.VMEM((BATCH, D), jnp.float32),
    ]
    if with_deg:
        out_type.append(jax.ShapeDtypeStruct((NC, DEG_ROWS), jnp.float32))
        scratch.append(pltpu.VMEM((BATCH,), jnp.float32))
    scratch.append(pltpu.VMEM_SHARED((ACC_ROWS, D), jnp.float32))
    if with_deg:
        scratch.append(pltpu.VMEM_SHARED((DEG_ROWS,), jnp.float32))
    scratch += [pltpu.SemaphoreType.DMA] * (5 if with_deg else 4)
    return functools.partial(
        pl.kernel,
        mesh=_mesh,
        out_type=out_type,
        scratch_types=scratch,
    )(functools.partial(_sc_body, with_deg, tbm))


def _dense_body(accA_ref, accB_ref, degs_ref, h_ref,
                Wl_ref, Wr_ref, b_ref, z_ref, stats_ref):
    i = pl.program_id(0)
    deg = degs_ref[:, 0:1] + degs_ref[:, 1:2]
    inv = 1.0 / jnp.maximum(deg, 1.0)
    S = (accA_ref[0] + accB_ref[0]) * inv
    z = lax.dot_general(S, Wl_ref[...], (((1,), (1,)), ((), ())),
                        preferred_element_type=jnp.float32)
    z = z + lax.dot_general(h_ref[...], Wr_ref[...], (((1,), (1,)), ((), ())),
                            preferred_element_type=jnp.float32)
    z = z + b_ref[...]
    z_ref[...] = z
    s0 = jnp.sum(z, axis=0, keepdims=True)
    s1 = jnp.sum(z * z, axis=0, keepdims=True)
    upd = jnp.concatenate([s0, s1, jnp.zeros((6, D), jnp.float32)], axis=0)

    @pl.when(i == 0)
    def _():
        stats_ref[...] = jnp.zeros((8, D), jnp.float32)

    stats_ref[...] += upd


def _bn_body(z_ref, stats_ref, gamma_ref, beta_ref, out_ref):
    st = stats_ref[...]
    mu = st[0:1, :] * (1.0 / N)
    var = st[1:2, :] * (1.0 / N) - mu * mu
    a = gamma_ref[...] * lax.rsqrt(var + EPS)
    out_ref[...] = jnp.maximum((z_ref[...] - mu) * a + beta_ref[...], 0.0)


def _dense_bn_relu(acc3d, degs, h, Wl, Wr, b, gamma, beta):
    R = 2000
    G = N // R
    row = lambda i: (i, 0)
    const = lambda i: (0, 0)
    z, stats = pl.pallas_call(
        _dense_body,
        grid=(G,),
        in_specs=[
            pl.BlockSpec((1, R, D), lambda i: (0, i, 0)),
            pl.BlockSpec((1, R, D), lambda i: (1, i, 0)),
            pl.BlockSpec((R, NC), lambda i: (i, 0)),
            pl.BlockSpec((R, D), row),
            pl.BlockSpec((D, D), const),
            pl.BlockSpec((D, D), const),
            pl.BlockSpec((1, D), const),
        ],
        out_specs=[
            pl.BlockSpec((R, D), row),
            pl.BlockSpec((8, D), const),
        ],
        out_shape=[
            jax.ShapeDtypeStruct((N, D), jnp.float32),
            jax.ShapeDtypeStruct((8, D), jnp.float32),
        ],
    )(acc3d, acc3d, degs, h, Wl, Wr, b)
    return pl.pallas_call(
        _bn_body,
        grid=(G,),
        in_specs=[
            pl.BlockSpec((R, D), row),
            pl.BlockSpec((8, D), const),
            pl.BlockSpec((1, D), const),
            pl.BlockSpec((1, D), const),
        ],
        out_specs=pl.BlockSpec((R, D), row),
        out_shape=jax.ShapeDtypeStruct((N, D), jnp.float32),
    )(z, stats, gamma, beta)


def kernel(x, edge_index, W1l, W1r, b1, gamma1, beta1, W2l, W2r, b2, gamma2, beta2):
    E = edge_index.shape[1]
    tbm = E // BATCH
    npad = TB * BATCH - E
    e3 = jnp.transpose(edge_index.reshape(2, tbm, BATCH), (1, 0, 2))
    pad_src = (np.arange(npad, dtype=np.int64) * 97 % N).astype(np.int32)
    pad_dst = (N + np.arange(npad, dtype=np.int64) % (ACC_ROWS - N)).astype(np.int32)
    pad3 = jnp.asarray(np.stack(
        [pad_src.reshape(-1, BATCH), pad_dst.reshape(-1, BATCH)], axis=1))

    seg_deg = _make_sc_segment_sum(True, tbm)
    seg = _make_sc_segment_sum(False, tbm)

    def dense(acc, deg, h, Wl, Wr, b, gamma, beta):
        return _dense_bn_relu(
            acc, jnp.transpose(deg),
            h, Wl, Wr, b.reshape(1, D), gamma.reshape(1, D), beta.reshape(1, D))

    acc1, deg = seg_deg(x, e3, pad3)
    h1 = dense(acc1, deg, x, W1l, W1r, b1, gamma1, beta1)
    acc2, = seg(h1, e3, pad3)
    return dense(acc2, deg, h1, W2l, W2r, b2, gamma2, beta2)

# --- scband reference (transcript-rebuilt; emitter-appended) ---
"""Pipeline reference for scband-graph-encoder-9311489098332 (READ-ONLY COPY).

The authoritative reference and input builder live on the scoring server;
editing this copy changes nothing except your own understanding.
"""

import jax, jax.numpy as jnp
import numpy as np

N = 10000
E = 320000
D = 128
H = 128
OUT = 128
EPS = 1e-5


def setup_inputs(seed: int = 0) -> dict:
    key = jax.random.key(seed)
    ks = jax.random.split(key, 12)
    x = jax.random.normal(ks[0], (N, D), dtype=jnp.float32)
    edge_index = jax.random.randint(ks[1], (2, E), 0, N, dtype=jnp.int32)
    s1 = 1.0 / np.sqrt(D)
    s2 = 1.0 / np.sqrt(H)
    W1l = jax.random.uniform(ks[2], (H, D), jnp.float32, -s1, s1)
    W1r = jax.random.uniform(ks[3], (H, D), jnp.float32, -s1, s1)
    b1 = jnp.zeros((H,), jnp.float32)
    gamma1 = jnp.ones((H,), jnp.float32)
    beta1 = jnp.zeros((H,), jnp.float32)
    W2l = jax.random.uniform(ks[4], (OUT, H), jnp.float32, -s2, s2)
    W2r = jax.random.uniform(ks[5], (OUT, H), jnp.float32, -s2, s2)
    b2 = jnp.zeros((OUT,), jnp.float32)
    gamma2 = jnp.ones((OUT,), jnp.float32)
    beta2 = jnp.zeros((OUT,), jnp.float32)
    return {
        "x": x,
        "edge_index": edge_index,
        "W1l": W1l, "W1r": W1r, "b1": b1, "gamma1": gamma1, "beta1": beta1,
        "W2l": W2l, "W2r": W2r, "b2": b2, "gamma2": gamma2, "beta2": beta2,
    }


def _sage(h, src, dst, Wl, Wr, b):
    # PyG SAGEConv with mean aggregation: lin_l(mean_{j in N(i)} x_j) + lin_r(x_i)
    msgs = h[src]
    agg = jax.ops.segment_sum(msgs, dst, num_segments=N)
    deg = jax.ops.segment_sum(jnp.ones((msgs.shape[0],), h.dtype), dst, num_segments=N)
    mean = agg / jnp.clip(deg, 1.0)[:, None]
    return mean @ Wl.T + h @ Wr.T + b


def _bn(h, gamma, beta):
    mu = jnp.mean(h, axis=0)
    var = jnp.var(h, axis=0)
    return (h - mu) / jnp.sqrt(var + EPS) * gamma + beta


def reference(x, edge_index, W1l, W1r, b1, gamma1, beta1, W2l, W2r, b2, gamma2, beta2):
    src = edge_index[0]
    dst = edge_index[1]
    h = _sage(x, src, dst, W1l, W1r, b1)
    h = _bn(h, gamma1, beta1)
    h = jax.nn.relu(h)
    # dropout is identity in eval / deterministic reference
    h = _sage(h, src, dst, W2l, W2r, b2)
    h = _bn(h, gamma2, beta2)
    h = jax.nn.relu(h)
    return h

if __name__ == "__main__":
    import jax
    _d = setup_inputs()
    print(jax.jit(kernel)(*tuple(_d.values())))

</pallas_src>

<mosaic_0001>
#map = affine_map<(d0, d1) -> (0, 0)>
#map1 = affine_map<(d0, d1) -> (0, 0, 0)>
module attributes {stable_mosaic.version = 14 : i64} {
  func.func @_sc_body(%arg0: i32, %arg1: i32, %arg2: memref<10000x128xf32, #tpu.memory_space<hbm>>, %arg3: memref<2500x2x128xi32, #tpu.memory_space<hbm>>, %arg4: memref<60x2x128xi32, #tpu.memory_space<hbm>>, %arg5: memref<2x10112x128xf32, #tpu.memory_space<hbm>>, %arg6: memref<2x10240xf32, #tpu.memory_space<hbm>>, %arg7: memref<40x2x128xi32, #tpu.memory_space<vmem>>, %arg8: memref<128x128xf32, #tpu.memory_space<vmem>>, %arg9: memref<128x128xf32, #tpu.memory_space<vmem>>, %arg10: memref<128xf32, #tpu.memory_space<vmem>>, %arg11: memref<10112x128xf32, #tpu.memory_space<vmem_shared>>, %arg12: memref<10240xf32, #tpu.memory_space<vmem_shared>>, %arg13: memref<!tpu.dma_semaphore, #tpu.memory_space<semaphore_mem>>, %arg14: memref<!tpu.dma_semaphore, #tpu.memory_space<semaphore_mem>>, %arg15: memref<!tpu.dma_semaphore, #tpu.memory_space<semaphore_mem>>, %arg16: memref<!tpu.dma_semaphore, #tpu.memory_space<semaphore_mem>>, %arg17: memref<!tpu.dma_semaphore, #tpu.memory_space<semaphore_mem>>) attributes {dimension_semantics = [#tpu.dimension_semantics<core_parallel>, #tpu.dimension_semantics<subcore_parallel>], iteration_bounds = array<i64: 2, 16>, scalar_prefetch = 0 : i64, scratch_operands = 11 : i64, tpu.core_type = #tpu.core_type<sc_vector_subcore>, window_params = [{transform_indices = #map}, {transform_indices = #map1}, {transform_indices = #map1}, {transform_indices = #map1}, {transform_indices = #map}]} {
    %broadcast_in_dim3A = arith.constant 0.000000e+00 : f32
    %broadcast_in_dim3A_0 = vector.broadcast %broadcast_in_dim3A : f32 to vector<16xf32>
    %broadcast_in_dim3A_1 = arith.constant 1.000000e+00 : f32
    %broadcast_in_dim3A_2 = vector.broadcast %broadcast_in_dim3A_1 : f32 to vector<16xf32>
    %scan3A = arith.constant 0 : i32
    %scan3A_3 = arith.constant 0 : i32
    %scan3A_4 = arith.constant 128 : i32
    %scan3A_5 = arith.addi %scan3A_3, %scan3A_4 : i32
    %scan3A_6 = arith.constant 1 : i32
    scf.for %scan3A_222 = %scan3A_3 to %scan3A_5 step %scan3A_6  : i32 {
      %swap3A_223 = arith.index_cast %scan3A_222 : i32 to index
      %swap3A_224 = arith.constant 0 : index
      %swap3A_225 = tpu.vector_load %arg8[%swap3A_223, %swap3A_224] {strides = array<i32>} : memref<128x128xf32, #tpu.memory_space<vmem>>, vector<1x16xf32>,
      %swap3A_226 = vector.shape_cast %swap3A_225 : vector<1x16xf32> to vector<16xf32>
      %swap3A_227 = vector.shape_cast %broadcast_in_dim3A_0 : vector<16xf32> to vector<1x16xf32>
      tpu.vector_store %arg8[%swap3A_223, %swap3A_224], %swap3A_227 {strides = array<i32>} : memref<128x128xf32, #tpu.memory_space<vmem>>, vector<1x16xf32>,
      %swap3A_228 = arith.index_cast %scan3A_222 : i32 to index
      %swap3A_229 = arith.constant 16 : index
      %swap3A_230 = tpu.vector_load %arg8[%swap3A_228, %swap3A_229] {strides = array<i32>} : memref<128x128xf32, #tpu.memory_space<vmem>>, vector<1x16xf32>,
      %swap3A_231 = vector.shape_cast %swap3A_230 : vector<1x16xf32> to vector<16xf32>
      %swap3A_232 = vector.shape_cast %broadcast_in_dim3A_0 : vector<16xf32> to vector<1x16xf32>
      tpu.vector_store %arg8[%swap3A_228, %swap3A_229], %swap3A_232 {strides = array<i32>} : memref<128x128xf32, #tpu.memory_space<vmem>>, vector<1x16xf32>,
      %swap3A_233 = arith.index_cast %scan3A_222 : i32 to index
      %swap3A_234 = arith.constant 32 : index
      %swap3A_235 = tpu.vector_load %arg8[%swap3A_233, %swap3A_234] {strides = array<i32>} : memref<128x128xf32, #tpu.memory_space<vmem>>, vector<1x16xf32>,
      %swap3A_236 = vector.shape_cast %swap3A_235 : vector<1x16xf32> to vector<16xf32>
      %swap3A_237 = vector.shape_cast %broadcast_in_dim3A_0 : vector<16xf32> to vector<1x16xf32>
      tpu.vector_store %arg8[%swap3A_233, %swap3A_234], %swap3A_237 {strides = array<i32>} : memref<128x128xf32, #tpu.memory_space<vmem>>, vector<1x16xf32>,
      %swap3A_238 = arith.index_cast %scan3A_222 : i32 to index
      %swap3A_239 = arith.constant 48 : index
      %swap3A_240 = tpu.vector_load %arg8[%swap3A_238, %swap3A_239] {strides = array<i32>} : memref<128x128xf32, #tpu.memory_space<vmem>>, vector<1x16xf32>,
      %swap3A_241 = vector.shape_cast %swap3A_240 : vector<1x16xf32> to vector<16xf32>
      %swap3A_242 = vector.shape_cast %broadcast_in_dim3A_0 : vector<16xf32> to vector<1x16xf32>
      tpu.vector_store %arg8[%swap3A_238, %swap3A_239], %swap3A_242 {strides = array<i32>} : memref<128x128xf32, #tpu.memory_space<vmem>>, vector<1x16xf32>,
      %swap3A_243 = arith.index_cast %scan3A_222 : i32 to index
      %swap3A_244 = arith.constant 64 : index
      %swap3A_245 = tpu.vector_load %arg8[%swap3A_243, %swap3A_244] {strides = array<i32>} : memref<128x128xf32, #tpu.memory_space<vmem>>, vector<1x16xf32>,
      %swap3A_246 = vector.shape_cast %swap3A_245 : vector<1x16xf32> to vector<16xf32>
      %swap3A_247 = vector.shape_cast %broadcast_in_dim3A_0 : vector<16xf32> to vector<1x16xf32>
      tpu.vector_store %arg8[%swap3A_243, %swap3A_244], %swap3A_247 {strides = array<i32>} : memref<128x128xf32, #tpu.memory_space<vmem>>, vector<1x16xf32>,
      %swap3A_248 = arith.index_cast %scan3A_222 : i32 to index
      %swap3A_249 = arith.constant 80 : index
      %swap3A_250 = tpu.vector_load %arg8[%swap3A_248, %swap3A_249] {strides = array<i32>} : memref<128x128xf32, #tpu.memory_space<vmem>>, vector<1x16xf32>,
      %swap3A_251 = vector.shape_cast %swap3A_250 : vector<1x16xf32> to vector<16xf32>
      %swap3A_252 = vector.shape_cast %broadcast_in_dim3A_0 : vector<16xf32> to vector<1x16xf32>
      tpu.vector_store %arg8[%swap3A_248, %swap3A_249], %swap3A_252 {strides = array<i32>} : memref<128x128xf32, #tpu.memory_space<vmem>>, vector<1x16xf32>,
      %swap3A_253 = arith.index_cast %scan3A_222 : i32 to index
      %swap3A_254 = arith.constant 96 : index
      %swap3A_255 = tpu.vector_load %arg8[%swap3A_253, %swap3A_254] {strides = array<i32>} : memref<128x128xf32, #tpu.memory_space<vmem>>, vector<1x16xf32>,
      %swap3A_256 = vector.shape_cast %swap3A_255 : vector<1x16xf32> to vector<16xf32>
      %swap3A_257 = vector.shape_cast %broadcast_in_dim3A_0 : vector<16xf32> to vector<1x16xf32>
      tpu.vector_store %arg8[%swap3A_253, %swap3A_254], %swap3A_257 {strides = array<i32>} : memref<128x128xf32, #tpu.memory_space<vmem>>, vector<1x16xf32>,
      %swap3A_258 = arith.index_cast %scan3A_222 : i32 to index
      %swap3A_259 = arith.constant 112 : index
      %swap3A_260 = tpu.vector_load %arg8[%swap3A_258, %swap3A_259] {strides = array<i32>} : memref<128x128xf32, #tpu.memory_space<vmem>>, vector<1x16xf32>,
      %swap3A_261 = vector.shape_cast %swap3A_260 : vector<1x16xf32> to vector<16xf32>
      %swap3A_262 = vector.shape_cast %broadcast_in_dim3A_0 : vector<16xf32> to vector<1x16xf32>
      tpu.vector_store %arg8[%swap3A_258, %swap3A_259], %swap3A_262 {strides = array<i32>} : memref<128x128xf32, #tpu.memory_space<vmem>>, vector<1x16xf32>,
    }
    %scan3A_7 = arith.constant 128 : i32
    %swap3A = arith.constant 0 : index
    %swap3A_8 = tpu.vector_load %arg10[%swap3A] {strides = array<i32>} : memref<128xf32, #tpu.memory_space<vmem>>, vector<16xf32>,
    %swap3A_9 = vector.shape_cast %swap3A_8 : vector<16xf32> to vector<16xf32>
    %swap3A_10 = vector.shape_cast %broadcast_in_dim3A_2 : vector<16xf32> to vector<16xf32>
    tpu.vector_store %arg10[%swap3A], %swap3A_10 {strides = array<i32>} : memref<128xf32, #tpu.memory_space<vmem>>, vector<16xf32>,
    %swap3A_11 = arith.constant 16 : index
    %swap3A_12 = tpu.vector_load %arg10[%swap3A_11] {strides = array<i32>} : memref<128xf32, #tpu.memory_space<vmem>>, vector<16xf32>,
    %swap3A_13 = vector.shape_cast %swap3A_12 : vector<16xf32> to vector<16xf32>
    %swap3A_14 = vector.shape_cast %broadcast_in_dim3A_2 : vector<16xf32> to vector<16xf32>
    tpu.vector_store %arg10[%swap3A_11], %swap3A_14 {strides = array<i32>} : memref<128xf32, #tpu.memory_space<vmem>>, vector<16xf32>,
    %swap3A_15 = arith.constant 32 : index
    %swap3A_16 = tpu.vector_load %arg10[%swap3A_15] {strides = array<i32>} : memref<128xf32, #tpu.memory_space<vmem>>, vector<16xf32>,
    %swap3A_17 = vector.shape_cast %swap3A_16 : vector<16xf32> to vector<16xf32>
    %swap3A_18 = vector.shape_cast %broadcast_in_dim3A_2 : vector<16xf32> to vector<16xf32>
    tpu.vector_store %arg10[%swap3A_15], %swap3A_18 {strides = array<i32>} : memref<128xf32, #tpu.memory_space<vmem>>, vector<16xf32>,
    %swap3A_19 = arith.constant 48 : index
    %swap3A_20 = tpu.vector_load %arg10[%swap3A_19] {strides = array<i32>} : memref<128xf32, #tpu.memory_space<vmem>>, vector<16xf32>,
    %swap3A_21 = vector.shape_cast %swap3A_20 : vector<16xf32> to vector<16xf32>
    %swap3A_22 = vector.shape_cast %broadcast_in_dim3A_2 : vector<16xf32> to vector<16xf32>
    tpu.vector_store %arg10[%swap3A_19], %swap3A_22 {strides = array<i32>} : memref<128xf32, #tpu.memory_space<vmem>>, vector<16xf32>,
    %swap3A_23 = arith.constant 64 : index
    %swap3A_24 = tpu.vector_load %arg10[%swap3A_23] {strides = array<i32>} : memref<128xf32, #tpu.memory_space<vmem>>, vector<16xf32>,
    %swap3A_25 = vector.shape_cast %swap3A_24 : vector<16xf32> to vector<16xf32>
    %swap3A_26 = vector.shape_cast %broadcast_in_dim3A_2 : vector<16xf32> to vector<16xf32>
    tpu.vector_store %arg10[%swap3A_23], %swap3A_26 {strides = array<i32>} : memref<128xf32, #tpu.memory_space<vmem>>, vector<16xf32>,
    %swap3A_27 = arith.constant 80 : index
    %swap3A_28 = tpu.vector_load %arg10[%swap3A_27] {strides = array<i32>} : memref<128xf32, #tpu.memory_space<vmem>>, vector<16xf32>,
    %swap3A_29 = vector.shape_cast %swap3A_28 : vector<16xf32> to vector<16xf32>
    %swap3A_30 = vector.shape_cast %broadcast_in_dim3A_2 : vector<16xf32> to vector<16xf32>
    tpu.vector_store %arg10[%swap3A_27], %swap3A_30 {strides = array<i32>} : memref<128xf32, #tpu.memory_space<vmem>>, vector<16xf32>,
    %swap3A_31 = arith.constant 96 : index
    %swap3A_32 = tpu.vector_load %arg10[%swap3A_31] {strides = array<i32>} : memref<128xf32, #tpu.memory_space<vmem>>, vector<16xf32>,
    %swap3A_33 = vector.shape_cast %swap3A_32 : vector<16xf32> to vector<16xf32>
    %swap3A_34 = vector.shape_cast %broadcast_in_dim3A_2 : vector<16xf32> to vector<16xf32>
    tpu.vector_store %arg10[%swap3A_31], %swap3A_34 {strides = array<i32>} : memref<128xf32, #tpu.memory_space<vmem>>, vector<16xf32>,
    %swap3A_35 = arith.constant 112 : index
    %swap3A_36 = tpu.vector_load %arg10[%swap3A_35] {strides = array<i32>} : memref<128xf32, #tpu.memory_space<vmem>>, vector<16xf32>,
    %swap3A_37 = vector.shape_cast %swap3A_36 : vector<16xf32> to vector<16xf32>
    %swap3A_38 = vector.shape_cast %broadcast_in_dim3A_2 : vector<16xf32> to vector<16xf32>
    tpu.vector_store %arg10[%swap3A_35], %swap3A_38 {strides = array<i32>} : memref<128xf32, #tpu.memory_space<vmem>>, vector<16xf32>,
    %mul3A = arith.constant 632 : i32
    %mul3A_39 = arith.muli %arg1, %mul3A : i32
    %add3A = arith.constant 0 : i32
    %add3A_40 = arith.addi %mul3A_39, %add3A : i32
    %dma_start3A = arith.constant 0 : i32
    %dma_start3A_41 = tpu.memref_slice %arg11[%add3A_40, %dma_start3A] : memref<10112x128xf32, #tpu.memory_space<vmem_shared>> -> memref<128x128xf32, #tpu.memory_space<vmem_shared>>
    %dma_start3A_42 = arith.constant 0 : i32
    %dma_start3A_43 = tpu.memref_slice %arg11[%add3A_40, %dma_start3A_42] : memref<10112x128xf32, #tpu.memory_space<vmem_shared>> -> memref<128x128xf32, #tpu.memory_space<vmem_shared>>
    tpu.enqueue_dma source(%arg8 : memref<128x128xf32, #tpu.memory_space<vmem>>) target(%dma_start3A_43 : memref<128x128xf32, #tpu.memory_space<vmem_shared>>) target_semaphore(%arg15 : memref<!tpu.dma_semaphore, #tpu.memory_space<semaphore_mem>>)
    %add3A_44 = arith.constant 128 : i32
    %add3A_45 = arith.addi %mul3A_39, %add3A_44 : i32
    %dma_start3A_46 = arith.constant 0 : i32
    %dma_start3A_47 = tpu.memref_slice %arg11[%add3A_45, %dma_start3A_46] : memref<10112x128xf32, #tpu.memory_space<vmem_shared>> -> memref<128x128xf32, #tpu.memory_space<vmem_shared>>
    %dma_start3A_48 = arith.constant 0 : i32
    %dma_start3A_49 = tpu.memref_slice %arg11[%add3A_45, %dma_start3A_48] : memref<10112x128xf32, #tpu.memory_space<vmem_shared>> -> memref<128x128xf32, #tpu.memory_space<vmem_shared>>
    tpu.enqueue_dma source(%arg8 : memref<128x128xf32, #tpu.memory_space<vmem>>) target(%dma_start3A_49 : memref<128x128xf32, #tpu.memory_space<vmem_shared>>) target_semaphore(%arg15 : memref<!tpu.dma_semaphore, #tpu.memory_space<semaphore_mem>>)
    %add3A_50 = arith.constant 256 : i32
    %add3A_51 = arith.addi %mul3A_39, %add3A_50 : i32
    %dma_start3A_52 = arith.constant 0 : i32
    %dma_start3A_53 = tpu.memref_slice %arg11[%add3A_51, %dma_start3A_52] : memref<10112x128xf32, #tpu.memory_space<vmem_shared>> -> memref<128x128xf32, #tpu.memory_space<vmem_shared>>
    %dma_start3A_54 = arith.constant 0 : i32
    %dma_start3A_55 = tpu.memref_slice %arg11[%add3A_51, %dma_start3A_54] : memref<10112x128xf32, #tpu.memory_space<vmem_shared>> -> memref<128x128xf32, #tpu.memory_space<vmem_shared>>
    tpu.enqueue_dma source(%arg8 : memref<128x128xf32, #tpu.memory_space<vmem>>) target(%dma_start3A_55 : memref<128x128xf32, #tpu.memory_space<vmem_shared>>) target_semaphore(%arg15 : memref<!tpu.dma_semaphore, #tpu.memory_space<semaphore_mem>>)
    %add3A_56 = arith.constant 384 : i32
    %add3A_57 = arith.addi %mul3A_39, %add3A_56 : i32
    %dma_start3A_58 = arith.constant 0 : i32
    %dma_start3A_59 = tpu.memref_slice %arg11[%add3A_57, %dma_start3A_58] : memref<10112x128xf32, #tpu.memory_space<vmem_shared>> -> memref<128x128xf32, #tpu.memory_space<vmem_shared>>
    %dma_start3A_60 = arith.constant 0 : i32
    %dma_start3A_61 = tpu.memref_slice %arg11[%add3A_57, %dma_start3A_60] : memref<10112x128xf32, #tpu.memory_space<vmem_shared>> -> memref<128x128xf32, #tpu.memory_space<vmem_shared>>
    tpu.enqueue_dma source(%arg8 : memref<128x128xf32, #tpu.memory_space<vmem>>) target(%dma_start3A_61 : memref<128x128xf32, #tpu.memory_space<vmem_shared>>) target_semaphore(%arg15 : memref<!tpu.dma_semaphore, #tpu.memory_space<semaphore_mem>>)
    %add3A_62 = arith.constant 512 : i32
    %add3A_63 = arith.addi %mul3A_39, %add3A_62 : i32
    %dma_start3A_64 = arith.constant 0 : i32
    %dma_start3A_65 = arith.constant 0 : i32
    %dma_start3A_66 = tpu.memref_slice %arg8[%dma_start3A_64, %dma_start3A_65] : memref<128x128xf32, #tpu.memory_space<vmem>> -> memref<120x128xf32, #tpu.memory_space<vmem>>
    %dma_start3A_67 = arith.constant 0 : i32
    %dma_start3A_68 = tpu.memref_slice %arg11[%add3A_63, %dma_start3A_67] : memref<10112x128xf32, #tpu.memory_space<vmem_shared>> -> memref<120x128xf32, #tpu.memory_space<vmem_shared>>
    %dma_start3A_69 = arith.constant 0 : i32
    %dma_start3A_70 = tpu.memref_slice %arg11[%add3A_63, %dma_start3A_69] : memref<10112x128xf32, #tpu.memory_space<vmem_shared>> -> memref<120x128xf32, #tpu.memory_space<vmem_shared>>
    %dma_start3A_71 = arith.constant 0 : i32
    %dma_start3A_72 = arith.constant 0 : i32
    %dma_start3A_73 = tpu.memref_slice %arg8[%dma_start3A_71, %dma_start3A_72] : memref<128x128xf32, #tpu.memory_space<vmem>> -> memref<120x128xf32, #tpu.memory_space<vmem>>
    tpu.enqueue_dma source(%dma_start3A_73 : memref<120x128xf32, #tpu.memory_space<vmem>>) target(%dma_start3A_70 : memref<120x128xf32, #tpu.memory_space<vmem_shared>>) target_semaphore(%arg15 : memref<!tpu.dma_semaphore, #tpu.memory_space<semaphore_mem>>)
    %mul3A_74 = arith.constant 640 : i32
    %mul3A_75 = arith.muli %arg1, %mul3A_74 : i32
    %add3A_76 = arith.constant 0 : i32
    %add3A_77 = arith.addi %mul3A_75, %add3A_76 : i32
    %dma_start3A_78 = arith.constant 0 : i32
    %dma_start3A_79 = arith.constant 0 : i32
    %dma_start3A_80 = tpu.memref_slice %arg8[%dma_start3A_78, %dma_start3A_79] : memref<128x128xf32, #tpu.memory_space<vmem>> -> memref<1x128xf32, #tpu.memory_space<vmem>>
    %dma_start3A_81 = tpu.memref_squeeze %dma_start3A_80 : memref<1x128xf32, #tpu.memory_space<vmem>> -> memref<128xf32, #tpu.memory_space<vmem>>
    %dma_start3A_82 = tpu.memref_slice %arg12[%add3A_77] : memref<10240xf32, #tpu.memory_space<vmem_shared>> -> memref<128xf32, #tpu.memory_space<vmem_shared>>
    %dma_start3A_83 = tpu.memref_slice %arg12[%add3A_77] : memref<10240xf32, #tpu.memory_space<vmem_shared>> -> memref<128xf32, #tpu.memory_space<vmem_shared>>
    %dma_start3A_84 = arith.constant 0 : i32
    %dma_start3A_85 = tpu.memref_slice %arg8[%dma_start3A_78, %dma_start3A_84] : memref<128x128xf32, #tpu.memory_space<vmem>> -> memref<1x128xf32, #tpu.memory_space<vmem>>
    %dma_start3A_86 = tpu.memref_squeeze %dma_start3A_85 : memref<1x128xf32, #tpu.memory_space<vmem>> -> memref<128xf32, #tpu.memory_space<vmem>>
    tpu.enqueue_dma source(%dma_start3A_86 : memref<128xf32, #tpu.memory_space<vmem>>) target(%dma_start3A_83 : memref<128xf32, #tpu.memory_space<vmem_shared>>) target_semaphore(%arg15 : memref<!tpu.dma_semaphore, #tpu.memory_space<semaphore_mem>>)
    %add3A_87 = arith.constant 128 : i32
    %add3A_88 = arith.addi %mul3A_75, %add3A_87 : i32
    %dma_start3A_89 = arith.constant 0 : i32
    %dma_start3A_90 = arith.constant 0 : i32
    %dma_start3A_91 = tpu.memref_slice %arg8[%dma_start3A_89, %dma_start3A_90] : memref<128x128xf32, #tpu.memory_space<vmem>> -> memref<1x128xf32, #tpu.memory_space<vmem>>
    %dma_start3A_92 = tpu.memref_squeeze %dma_start3A_91 : memref<1x128xf32, #tpu.memory_space<vmem>> -> memref<128xf32, #tpu.memory_space<vmem>>
    %dma_start3A_93 = tpu.memref_slice %arg12[%add3A_88] : memref<10240xf32, #tpu.memory_space<vmem_shared>> -> memref<128xf32, #tpu.memory_space<vmem_shared>>
    %dma_start3A_94 = tpu.memref_slice %arg12[%add3A_88] : memref<10240xf32, #tpu.memory_space<vmem_shared>> -> memref<128xf32, #tpu.memory_space<vmem_shared>>
    %dma_start3A_95 = arith.constant 0 : i32
    %dma_start3A_96 = tpu.memref_slice %arg8[%dma_start3A_89, %dma_start3A_95] : memref<128x128xf32, #tpu.memory_space<vmem>> -> memref<1x128xf32, #tpu.memory_space<vmem>>
    %dma_start3A_97 = tpu.memref_squeeze %dma_start3A_96 : memref<1x128xf32, #tpu.memory_space<vmem>> -> memref<128xf32, #tpu.memory_space<vmem>>
    tpu.enqueue_dma source(%dma_start3A_97 : memref<128xf32, #tpu.memory_space<vmem>>) target(%dma_start3A_94 : memref<128xf32, #tpu.memory_space<vmem_shared>>) target_semaphore(%arg15 : memref<!tpu.dma_semaphore, #tpu.memory_space<semaphore_mem>>)
    %add3A_98 = arith.constant 256 : i32
    %add3A_99 = arith.addi %mul3A_75, %add3A_98 : i32
    %dma_start3A_100 = arith.constant 0 : i32
    %dma_start3A_101 = arith.constant 0 : i32
    %dma_start3A_102 = tpu.memref_slice %arg8[%dma_start3A_100, %dma_start3A_101] : memref<128x128xf32, #tpu.memory_space<vmem>> -> memref<1x128xf32, #tpu.memory_space<vmem>>
    %dma_start3A_103 = tpu.memref_squeeze %dma_start3A_102 : memref<1x128xf32, #tpu.memory_space<vmem>> -> memref<128xf32, #tpu.memory_space<vmem>>
    %dma_start3A_104 = tpu.memref_slice %arg12[%add3A_99] : memref<10240xf32, #tpu.memory_space<vmem_shared>> -> memref<128xf32, #tpu.memory_space<vmem_shared>>
    %dma_start3A_105 = tpu.memref_slice %arg12[%add3A_99] : memref<10240xf32, #tpu.memory_space<vmem_shared>> -> memref<128xf32, #tpu.memory_space<vmem_shared>>
    %dma_start3A_106 = arith.constant 0 : i32
    %dma_start3A_107 = tpu.memref_slice %arg8[%dma_start3A_100, %dma_start3A_106] : memref<128x128xf32, #tpu.memory_space<vmem>> -> memref<1x128xf32, #tpu.memory_space<vmem>>
    %dma_start3A_108 = tpu.memref_squeeze %dma_start3A_107 : memref<1x128xf32, #tpu.memory_space<vmem>> -> memref<128xf32, #tpu.memory_space<vmem>>
    tpu.enqueue_dma source(%dma_start3A_108 : memref<128xf32, #tpu.memory_space<vmem>>) target(%dma_start3A_105 : memref<128xf32, #tpu.memory_space<vmem_shared>>) target_semaphore(%arg15 : memref<!tpu.dma_semaphore, #tpu.memory_space<semaphore_mem>>)
    %add3A_109 = arith.constant 384 : i32
    %add3A_110 = arith.addi %mul3A_75, %add3A_109 : i32
    %dma_start3A_111 = arith.constant 0 : i32
    %dma_start3A_112 = arith.constant 0 : i32
    %dma_start3A_113 = tpu.memref_slice %arg8[%dma_start3A_111, %dma_start3A_112] : memref<128x128xf32, #tpu.memory_space<vmem>> -> memref<1x128xf32, #tpu.memory_space<vmem>>
    %dma_start3A_114 = tpu.memref_squeeze %dma_start3A_113 : memref<1x128xf32, #tpu.memory_space<vmem>> -> memref<128xf32, #tpu.memory_space<vmem>>
    %dma_start3A_115 = tpu.memref_slice %arg12[%add3A_110] : memref<10240xf32, #tpu.memory_space<vmem_shared>> -> memref<128xf32, #tpu.memory_space<vmem_shared>>
    %dma_start3A_116 = tpu.memref_slice %arg12[%add3A_110] : memref<10240xf32, #tpu.memory_space<vmem_shared>> -> memref<128xf32, #tpu.memory_space<vmem_shared>>
    %dma_start3A_117 = arith.constant 0 : i32
    %dma_start3A_118 = tpu.memref_slice %arg8[%dma_start3A_111, %dma_start3A_117] : memref<128x128xf32, #tpu.memory_space<vmem>> -> memref<1x128xf32, #tpu.memory_space<vmem>>
    %dma_start3A_119 = tpu.memref_squeeze %dma_start3A_118 : memref<1x128xf32, #tpu.memory_space<vmem>> -> memref<128xf32, #tpu.memory_space<vmem>>
    tpu.enqueue_dma source(%dma_start3A_119 : memref<128xf32, #tpu.memory_space<vmem>>) target(%dma_start3A_116 : memref<128xf32, #tpu.memory_space<vmem_shared>>) target_semaphore(%arg15 : memref<!tpu.dma_semaphore, #tpu.memory_space<semaphore_mem>>)
    %add3A_120 = arith.constant 512 : i32
    %add3A_121 = arith.addi %mul3A_75, %add3A_120 : i32
    %dma_start3A_122 = arith.constant 0 : i32
    %dma_start3A_123 = arith.constant 0 : i32
    %dma_start3A_124 = tpu.memref_slice %arg8[%dma_start3A_122, %dma_start3A_123] : memref<128x128xf32, #tpu.memory_space<vmem>> -> memref<1x128xf32, #tpu.memory_space<vmem>>
    %dma_start3A_125 = tpu.memref_squeeze %dma_start3A_124 : memref<1x128xf32, #tpu.memory_space<vmem>> -> memref<128xf32, #tpu.memory_space<vmem>>
    %dma_start3A_126 = tpu.memref_slice %arg12[%add3A_121] : memref<10240xf32, #tpu.memory_space<vmem_shared>> -> memref<128xf32, #tpu.memory_space<vmem_shared>>
    %dma_start3A_127 = tpu.memref_slice %arg12[%add3A_121] : memref<10240xf32, #tpu.memory_space<vmem_shared>> -> memref<128xf32, #tpu.memory_space<vmem_shared>>
    %dma_start3A_128 = arith.constant 0 : i32
    %dma_start3A_129 = tpu.memref_slice %arg8[%dma_start3A_122, %dma_start3A_128] : memref<128x128xf32, #tpu.memory_space<vmem>> -> memref<1x128xf32, #tpu.memory_space<vmem>>
    %dma_start3A_130 = tpu.memref_squeeze %dma_start3A_129 : memref<1x128xf32, #tpu.memory_space<vmem>> -> memref<128xf32, #tpu.memory_space<vmem>>
    tpu.enqueue_dma source(%dma_start3A_130 : memref<128xf32, #tpu.memory_space<vmem>>) target(%dma_start3A_127 : memref<128xf32, #tpu.memory_space<vmem_shared>>) target_semaphore(%arg15 : memref<!tpu.dma_semaphore, #tpu.memory_space<semaphore_mem>>)
    %dma_wait3A = arith.constant 0 : i32
    %dma_wait3A_131 = tpu.memref_slice %arg11[%add3A_40, %dma_wait3A] : memref<10112x128xf32, #tpu.memory_space<vmem_shared>> -> memref<128x128xf32, #tpu.memory_space<vmem_shared>>
    %dma_wait3A_132 = arith.constant 0 : i32
    %dma_wait3A_133 = tpu.memref_slice %arg11[%add3A_40, %dma_wait3A_132] : memref<10112x128xf32, #tpu.memory_space<vmem_shared>> -> memref<128x128xf32, #tpu.memory_space<vmem_shared>>
    tpu.wait_dma2 semaphore(%arg15 : memref<!tpu.dma_semaphore, #tpu.memory_space<semaphore_mem>>) src(%arg8 : memref<128x128xf32, #tpu.memory_space<vmem>>) dst(%dma_wait3A_133 : memref<128x128xf32, #tpu.memory_space<vmem_shared>>)
    %dma_wait3A_134 = arith.constant 0 : i32
    %dma_wait3A_135 = tpu.memref_slice %arg11[%add3A_45, %dma_wait3A_134] : memref<10112x128xf32, #tpu.memory_space<vmem_shared>> -> memref<128x128xf32, #tpu.memory_space<vmem_shared>>
    %dma_wait3A_136 = arith.constant 0 : i32
    %dma_wait3A_137 = tpu.memref_slice %arg11[%add3A_45, %dma_wait3A_136] : memref<10112x128xf32, #tpu.memory_space<vmem_shared>> -> memref<128x128xf32, #tpu.memory_space<vmem_shared>>
    tpu.wait_dma2 semaphore(%arg15 : memref<!tpu.dma_semaphore, #tpu.memory_space<semaphore_mem>>) src(%arg8 : memref<128x128xf32, #tpu.memory_space<vmem>>) dst(%dma_wait3A_137 : memref<128x128xf32, #tpu.memory_space<vmem_shared>>)
    %dma_wait3A_138 = arith.constant 0 : i32
    %dma_wait3A_139 = tpu.memref_slice %arg11[%add3A_51, %dma_wait3A_138] : memref<10112x128xf32, #tpu.memory_space<vmem_shared>> -> memref<128x128xf32, #tpu.memory_space<vmem_shared>>
    %dma_wait3A_140 = arith.constant 0 : i32
    %dma_wait3A_141 = tpu.memref_slice %arg11[%add3A_51, %dma_wait3A_140] : memref<10112x128xf32, #tpu.memory_space<vmem_shared>> -> memref<128x128xf32, #tpu.memory_space<vmem_shared>>
    tpu.wait_dma2 semaphore(%arg15 : memref<!tpu.dma_semaphore, #tpu.memory_space<semaphore_mem>>) src(%arg8 : memref<128x128xf32, #tpu.memory_space<vmem>>) dst(%dma_wait3A_141 : memref<128x128xf32, #tpu.memory_space<vmem_shared>>)
    %dma_wait3A_142 = arith.constant 0 : i32
    %dma_wait3A_143 = tpu.memref_slice %arg11[%add3A_57, %dma_wait3A_142] : memref<10112x128xf32, #tpu.memory_space<vmem_shared>> -> memref<128x128xf32, #tpu.memory_space<vmem_shared>>
    %dma_wait3A_144 = arith.constant 0 : i32
    %dma_wait3A_145 = tpu.memref_slice %arg11[%add3A_57, %dma_wait3A_144] : memref<10112x128xf32, #tpu.memory_space<vmem_shared>> -> memref<128x128xf32, #tpu.memory_space<vmem_shared>>
    tpu.wait_dma2 semaphore(%arg15 : memref<!tpu.dma_semaphore, #tpu.memory_space<semaphore_mem>>) src(%arg8 : memref<128x128xf32, #tpu.memory_space<vmem>>) dst(%dma_wait3A_145 : memref<128x128xf32, #tpu.memory_space<vmem_shared>>)
    %dma_wait3A_146 = arith.constant 0 : i32
    %dma_wait3A_147 = arith.constant 0 : i32
    %dma_wait3A_148 = tpu.memref_slice %arg8[%dma_wait3A_146, %dma_wait3A_147] : memref<128x128xf32, #tpu.memory_space<vmem>> -> memref<120x128xf32, #tpu.memory_space<vmem>>
    %dma_wait3A_149 = arith.constant 0 : i32
    %dma_wait3A_150 = tpu.memref_slice %arg11[%add3A_63, %dma_wait3A_149] : memref<10112x128xf32, #tpu.memory_space<vmem_shared>> -> memref<120x128xf32, #tpu.memory_space<vmem_shared>>
    %dma_wait3A_151 = arith.constant 0 : i32
    %dma_wait3A_152 = tpu.memref_slice %arg11[%add3A_63, %dma_wait3A_151] : memref<10112x128xf32, #tpu.memory_space<vmem_shared>> -> memref<120x128xf32, #tpu.memory_space<vmem_shared>>
    %dma_wait3A_153 = arith.constant 0 : i32
    %dma_wait3A_154 = arith.constant 0 : i32
    %dma_wait3A_155 = tpu.memref_slice %arg8[%dma_wait3A_153, %dma_wait3A_154] : memref<128x128xf32, #tpu.memory_space<vmem>> -> memref<120x128xf32, #tpu.memory_space<vmem>>
    tpu.wait_dma2 semaphore(%arg15 : memref<!tpu.dma_semaphore, #tpu.memory_space<semaphore_mem>>) src(%dma_wait3A_155 : memref<120x128xf32, #tpu.memory_space<vmem>>) dst(%dma_wait3A_152 : memref<120x128xf32, #tpu.memory_space<vmem_shared>>)
    %dma_wait3A_156 = arith.constant 0 : i32
    %dma_wait3A_157 = arith.constant 0 : i32
    %dma_wait3A_158 = tpu.memref_slice %arg8[%dma_wait3A_156, %dma_wait3A_157] : memref<128x128xf32, #tpu.memory_space<vmem>> -> memref<1x128xf32, #tpu.memory_space<vmem>>
    %dma_wait3A_159 = tpu.memref_squeeze %dma_wait3A_158 : memref<1x128xf32, #tpu.memory_space<vmem>> -> memref<128xf32, #tpu.memory_space<vmem>>
    %dma_wait3A_160 = tpu.memref_slice %arg12[%add3A_77] : memref<10240xf32, #tpu.memory_space<vmem_shared>> -> memref<128xf32, #tpu.memory_space<vmem_shared>>
    %dma_wait3A_161 = tpu.memref_slice %arg12[%add3A_77] : memref<10240xf32, #tpu.memory_space<vmem_shared>> -> memref<128xf32, #tpu.memory_space<vmem_shared>>
    %dma_wait3A_162 = arith.constant 0 : i32
    %dma_wait3A_163 = tpu.memref_slice %arg8[%dma_wait3A_156, %dma_wait3A_162] : memref<128x128xf32, #tpu.memory_space<vmem>> -> memref<1x128xf32, #tpu.memory_space<vmem>>
    %dma_wait3A_164 = tpu.memref_squeeze %dma_wait3A_163 : memref<1x128xf32, #tpu.memory_space<vmem>> -> memref<128xf32, #tpu.memory_space<vmem>>
    tpu.wait_dma2 semaphore(%arg15 : memref<!tpu.dma_semaphore, #tpu.memory_space<semaphore_mem>>) src(%dma_wait3A_164 : memref<128xf32, #tpu.memory_space<vmem>>) dst(%dma_wait3A_161 : memref<128xf32, #tpu.memory_space<vmem_shared>>)
    %dma_wait3A_165 = arith.constant 0 : i32
    %dma_wait3A_166 = arith.constant 0 : i32
    %dma_wait3A_167 = tpu.memref_slice %arg8[%dma_wait3A_165, %dma_wait3A_166] : memref<128x128xf32, #tpu.memory_space<vmem>> -> memref<1x128xf32, #tpu.memory_space<vmem>>
    %dma_wait3A_168 = tpu.memref_squeeze %dma_wait3A_167 : memref<1x128xf32, #tpu.memory_space<vmem>> -> memref<128xf32, #tpu.memory_space<vmem>>
    %dma_wait3A_169 = tpu.memref_slice %arg12[%add3A_88] : memref<10240xf32, #tpu.memory_space<vmem_shared>> -> memref<128xf32, #tpu.memory_space<vmem_shared>>
    %dma_wait3A_170 = tpu.memref_slice %arg12[%add3A_88] : memref<10240xf32, #tpu.memory_space<vmem_shared>> -> memref<128xf32, #tpu.memory_space<vmem_shared>>
    %dma_wait3A_171 = arith.constant 0 : i32
    %dma_wait3A_172 = tpu.memref_slice %arg8[%dma_wait3A_165, %dma_wait3A_171] : memref<128x128xf32, #tpu.memory_space<vmem>> -> memref<1x128xf32, #tpu.memory_space<vmem>>
    %dma_wait3A_173 = tpu.memref_squeeze %dma_wait3A_172 : memref<1x128xf32, #tpu.memory_space<vmem>> -> memref<128xf32, #tpu.memory_space<vmem>>
    tpu.wait_dma2 semaphore(%arg15 : memref<!tpu.dma_semaphore, #tpu.memory_space<semaphore_mem>>) src(%dma_wait3A_173 : memref<128xf32, #tpu.memory_space<vmem>>) dst(%dma_wait3A_170 : memref<128xf32, #tpu.memory_space<vmem_shared>>)
    %dma_wait3A_174 = arith.constant 0 : i32
    %dma_wait3A_175 = arith.constant 0 : i32
    %dma_wait3A_176 = tpu.memref_slice %arg8[%dma_wait3A_174, %dma_wait3A_175] : memref<128x128xf32, #tpu.memory_space<vmem>> -> memref<1x128xf32, #tpu.memory_space<vmem>>
    %dma_wait3A_177 = tpu.memref_squeeze %dma_wait3A_176 : memref<1x128xf32, #tpu.memory_space<vmem>> -> memref<128xf32, #tpu.memory_space<vmem>>
    %dma_wait3A_178 = tpu.memref_slice %arg12[%add3A_99] : memref<10240xf32, #tpu.memory_space<vmem_shared>> -> memref<128xf32, #tpu.memory_space<vmem_shared>>
    %dma_wait3A_179 = tpu.memref_slice %arg12[%add3A_99] : memref<10240xf32, #tpu.memory_space<vmem_shared>> -> memref<128xf32, #tpu.memory_space<vmem_shared>>
    %dma_wait3A_180 = arith.constant 0 : i32
    %dma_wait3A_181 = tpu.memref_slice %arg8[%dma_wait3A_174, %dma_wait3A_180] : memref<128x128xf32, #tpu.memory_space<vmem>> -> memref<1x128xf32, #tpu.memory_space<vmem>>
    %dma_wait3A_182 = tpu.memref_squeeze %dma_wait3A_181 : memref<1x128xf32, #tpu.memory_space<vmem>> -> memref<128xf32, #tpu.memory_space<vmem>>
    tpu.wait_dma2 semaphore(%arg15 : memref<!tpu.dma_semaphore, #tpu.memory_space<semaphore_mem>>) src(%dma_wait3A_182 : memref<128xf32, #tpu.memory_space<vmem>>) dst(%dma_wait3A_179 : memref<128xf32, #tpu.memory_space<vmem_shared>>)
    %dma_wait3A_183 = arith.constant 0 : i32
    %dma_wait3A_184 = arith.constant 0 : i32
    %dma_wait3A_185 = tpu.memref_slice %arg8[%dma_wait3A_183, %dma_wait3A_184] : memref<128x128xf32, #tpu.memory_space<vmem>> -> memref<1x128xf32, #tpu.memory_space<vmem>>
    %dma_wait3A_186 = tpu.memref_squeeze %dma_wait3A_185 : memref<1x128xf32, #tpu.memory_space<vmem>> -> memref<128xf32, #tpu.memory_space<vmem>>
    %dma_wait3A_187 = tpu.memref_slice %arg12[%add3A_110] : memref<10240xf32, #tpu.memory_space<vmem_shared>> -> memref<128xf32, #tpu.memory_space<vmem_shared>>
    %dma_wait3A_188 = tpu.memref_slice %arg12[%add3A_110] : memref<10240xf32, #tpu.memory_space<vmem_shared>> -> memref<128xf32, #tpu.memory_space<vmem_shared>>
    %dma_wait3A_189 = arith.constant 0 : i32
    %dma_wait3A_190 = tpu.memref_slice %arg8[%dma_wait3A_183, %dma_wait3A_189] : memref<128x128xf32, #tpu.memory_space<vmem>> -> memref<1x128xf32, #tpu.memory_space<vmem>>
    %dma_wait3A_191 = tpu.memref_squeeze %dma_wait3A_190 : memref<1x128xf32, #tpu.memory_space<vmem>> -> memref<128xf32, #tpu.memory_space<vmem>>
    tpu.wait_dma2 semaphore(%arg15 : memref<!tpu.dma_semaphore, #tpu.memory_space<semaphore_mem>>) src(%dma_wait3A_191 : memref<128xf32, #tpu.memory_space<vmem>>) dst(%dma_wait3A_188 : memref<128xf32, #tpu.memory_space<vmem_shared>>)
    %dma_wait3A_192 = arith.constant 0 : i32
    %dma_wait3A_193 = arith.constant 0 : i32
    %dma_wait3A_194 = tpu.memref_slice %arg8[%dma_wait3A_192, %dma_wait3A_193] : memref<128x128xf32, #tpu.memory_space<vmem>> -> memref<1x128xf32, #tpu.memory_space<vmem>>
    %dma_wait3A_195 = tpu.memref_squeeze %dma_wait3A_194 : memref<1x128xf32, #tpu.memory_space<vmem>> -> memref<128xf32, #tpu.memory_space<vmem>>
    %dma_wait3A_196 = tpu.memref_slice %arg12[%add3A_121] : memref<10240xf32, #tpu.memory_space<vmem_shared>> -> memref<128xf32, #tpu.memory_space<vmem_shared>>
    %dma_wait3A_197 = tpu.memref_slice %arg12[%add3A_121] : memref<10240xf32, #tpu.memory_space<vmem_shared>> -> memref<128xf32, #tpu.memory_space<vmem_shared>>
    %dma_wait3A_198 = arith.constant 0 : i32
    %dma_wait3A_199 = tpu.memref_slice %arg8[%dma_wait3A_192, %dma_wait3A_198] : memref<128x128xf32, #tpu.memory_space<vmem>> -> memref<1x128xf32, #tpu.memory_space<vmem>>
    %dma_wait3A_200 = tpu.memref_squeeze %dma_wait3A_199 : memref<1x128xf32, #tpu.memory_space<vmem>> -> memref<128xf32, #tpu.memory_space<vmem>>
    tpu.wait_dma2 semaphore(%arg15 : memref<!tpu.dma_semaphore, #tpu.memory_space<semaphore_mem>>) src(%dma_wait3A_200 : memref<128xf32, #tpu.memory_space<vmem>>) dst(%dma_wait3A_197 : memref<128xf32, #tpu.memory_space<vmem_shared>>)
    %barrier3A = arith.constant 0 : index
    tpu.barrier barrier_id(%barrier3A)
    %eq3A = arith.constant 0 : i32
    %eq3A_201 = arith.cmpi eq, %arg0, %eq3A : i32
    %jit3A = arith.constant 2 : i32
    %jit3A_202 = arith.constant 2 : i32
    %select_n3A = arith.select %eq3A_201, %jit3A, %jit3A_202 : i32
    %eq3A_203 = arith.constant 0 : i32
    %eq3A_204 = arith.cmpi eq, %arg0, %eq3A_203 : i32
    %mul3A_205 = arith.constant 80 : i32
    %mul3A_206 = arith.muli %arg1, %mul3A_205 : i32
    %mul3A_207 = arith.constant 80 : i32
    %mul3A_208 = arith.muli %arg1, %mul3A_207 : i32
    %add3A_209 = arith.constant 1280 : i32
    %add3A_210 = arith.addi %add3A_209, %mul3A_208 : i32
    %select_n3A_211 = arith.select %eq3A_204, %mul3A_206, %add3A_210 : i32
    %while3A = arith.constant 0 : i32
    %while3A_212 = arith.constant 0 : i32
    %while3A_213 = arith.subi %select_n3A, %while3A_212 : i32
    %while3A_214 = arith.addi %while3A_212, %while3A_213 : i32
    %while3A_215 = arith.constant 1 : i32
    %while3A_216 = arith.divsi %while3A_213, %while3A_215 : i32
    %while3A_217 = arith.muli %while3A_216, %while3A_215 : i32
    %while3A_218 = arith.addi %while3A_212, %while3A_217 : i32
    %while3A_219 = arith.constant 1 : i32
    scf.for %while3A_222 = %while3A_212 to %while3A_218 step %while3A_219  : i32 {
      %mul3A_223 = arith.constant 40 : i32
      %mul3A_224 = arith.muli %while3A_222, %mul3A_223 : i32
      %add3A_225 = arith.addi %select_n3A_211, %mul3A_224 : i32
      %add3A_226 = arith.constant 40 : i32
      %add3A_227 = arith.addi %add3A_225, %add3A_226 : i32
      %le3A = arith.constant 2500 : i32
      %le3A_228 = arith.cmpi sle, %add3A_227, %le3A : i32
      %convert_element_type3A = arith.extui %le3A_228 : i1 to i32
      %cond3A = arith.constant 0 : i32
      %cond3A_229 = arith.cmpi ne, %convert_element_type3A, %cond3A : i32
      scf.if %cond3A_229 {
        "tpu.region"() ({
          %run_scoped3A = tpu.sem_alloc : memref<!tpu.dma_semaphore, #tpu.memory_space<semaphore_mem>>
          %dma_start3A_275 = arith.constant 0 : i32
          %dma_start3A_276 = arith.constant 0 : i32
          %dma_start3A_277 = tpu.memref_slice %arg3[%add3A_225, %dma_start3A_275, %dma_start3A_276] : memref<2500x2x128xi32, #tpu.memory_space<hbm>> -> memref<40x2x128xi32, #tpu.memory_space<hbm>>
          %dma_start3A_278 = arith.constant 0 : i32
          %dma_start3A_279 = arith.constant 0 : i32
          %dma_start3A_280 = tpu.memref_slice %arg3[%add3A_225, %dma_start3A_278, %dma_start3A_279] : memref<2500x2x128xi32, #tpu.memory_space<hbm>> -> memref<40x2x128xi32, #tpu.memory_space<hbm>>
          tpu.enqueue_dma source(%dma_start3A_280 : memref<40x2x128xi32, #tpu.memory_space<hbm>>) target(%arg7 : memref<40x2x128xi32, #tpu.memory_space<vmem>>) target_semaphore(%run_scoped3A : memref<!tpu.dma_semaphore, #tpu.memory_space<semaphore_mem>>)
          %dma_wait3A_281 = arith.constant 0 : i32
          %dma_wait3A_282 = arith.constant 0 : i32
          %dma_wait3A_283 = tpu.memref_slice %arg3[%add3A_225, %dma_wait3A_281, %dma_wait3A_282] : memref<2500x2x128xi32, #tpu.memory_space<hbm>> -> memref<40x2x128xi32, #tpu.memory_space<hbm>>
          %dma_wait3A_284 = arith.constant 0 : i32
          %dma_wait3A_285 = arith.constant 0 : i32
          %dma_wait3A_286 = tpu.memref_slice %arg3[%add3A_225, %dma_wait3A_284, %dma_wait3A_285] : memref<2500x2x128xi32, #tpu.memory_space<hbm>> -> memref<40x2x128xi32, #tpu.memory_space<hbm>>
          tpu.wait_dma2 semaphore(%run_scoped3A : memref<!tpu.dma_semaphore, #tpu.memory_space<semaphore_mem>>) src(%dma_wait3A_286 : memref<40x2x128xi32, #tpu.memory_space<hbm>>) dst(%arg7 : memref<40x2x128xi32, #tpu.memory_space<vmem>>)
          tpu.yield
        }) : () -> ()
      } else {
      }
      %eq3A_230 = arith.constant 2480 : i32
      %eq3A_231 = arith.cmpi eq, %add3A_225, %eq3A_230 : i32
      %convert_element_type3A_232 = arith.extui %eq3A_231 : i1 to i32
      %cond3A_233 = arith.constant 0 : i32
      %cond3A_234 = arith.cmpi ne, %convert_element_type3A_232, %cond3A_233 : i32
      scf.if %cond3A_234 {
        "tpu.region"() ({
          %run_scoped3A = tpu.sem_alloc : memref<!tpu.dma_semaphore, #tpu.memory_space<semaphore_mem>>
          %dma_start3A_275 = arith.constant 0 : i32
          %dma_start3A_276 = arith.constant 0 : i32
          %dma_start3A_277 = arith.constant 0 : i32
          %dma_start3A_278 = tpu.memref_slice %arg7[%dma_start3A_275, %dma_start3A_276, %dma_start3A_277] : memref<40x2x128xi32, #tpu.memory_space<vmem>> -> memref<20x2x128xi32, #tpu.memory_space<vmem>>
          %dma_start3A_279 = arith.constant 2480 : i32
          %dma_start3A_280 = arith.constant 0 : i32
          %dma_start3A_281 = arith.constant 0 : i32
          %dma_start3A_282 = tpu.memref_slice %arg3[%dma_start3A_279, %dma_start3A_280, %dma_start3A_281] : memref<2500x2x128xi32, #tpu.memory_space<hbm>> -> memref<20x2x128xi32, #tpu.memory_space<hbm>>
          %dma_start3A_283 = arith.constant 0 : i32
          %dma_start3A_284 = arith.constant 0 : i32
          %dma_start3A_285 = arith.constant 0 : i32
          %dma_start3A_286 = tpu.memref_slice %arg7[%dma_start3A_283, %dma_start3A_284, %dma_start3A_285] : memref<40x2x128xi32, #tpu.memory_space<vmem>> -> memref<20x2x128xi32, #tpu.memory_space<vmem>>
          %dma_start3A_287 = arith.constant 2480 : i32
          %dma_start3A_288 = arith.constant 0 : i32
          %dma_start3A_289 = arith.constant 0 : i32
          %dma_start3A_290 = tpu.memref_slice %arg3[%dma_start3A_287, %dma_start3A_288, %dma_start3A_289] : memref<2500x2x128xi32, #tpu.memory_space<hbm>> -> memref<20x2x128xi32, #tpu.memory_space<hbm>>
          tpu.enqueue_dma source(%dma_start3A_290 : memref<20x2x128xi32, #tpu.memory_space<hbm>>) target(%dma_start3A_286 : memref<20x2x128xi32, #tpu.memory_space<vmem>>) target_semaphore(%run_scoped3A : memref<!tpu.dma_semaphore, #tpu.memory_space<semaphore_mem>>)
          %dma_wait3A_291 = arith.constant 0 : i32
          %dma_wait3A_292 = arith.constant 0 : i32
          %dma_wait3A_293 = arith.constant 0 : i32
          %dma_wait3A_294 = tpu.memref_slice %arg7[%dma_wait3A_291, %dma_wait3A_292, %dma_wait3A_293] : memref<40x2x128xi32, #tpu.memory_space<vmem>> -> memref<20x2x128xi32, #tpu.memory_space<vmem>>
          %dma_wait3A_295 = arith.constant 2480 : i32
          %dma_wait3A_296 = arith.constant 0 : i32
          %dma_wait3A_297 = arith.constant 0 : i32
          %dma_wait3A_298 = tpu.memref_slice %arg3[%dma_wait3A_295, %dma_wait3A_296, %dma_wait3A_297] : memref<2500x2x128xi32, #tpu.memory_space<hbm>> -> memref<20x2x128xi32, #tpu.memory_space<hbm>>
          %dma_wait3A_299 = arith.constant 0 : i32
          %dma_wait3A_300 = arith.constant 0 : i32
          %dma_wait3A_301 = arith.constant 0 : i32
          %dma_wait3A_302 = tpu.memref_slice %arg7[%dma_wait3A_299, %dma_wait3A_300, %dma_wait3A_301] : memref<40x2x128xi32, #tpu.memory_space<vmem>> -> memref<20x2x128xi32, #tpu.memory_space<vmem>>
          %dma_wait3A_303 = arith.constant 2480 : i32
          %dma_wait3A_304 = arith.constant 0 : i32
          %dma_wait3A_305 = arith.constant 0 : i32
          %dma_wait3A_306 = tpu.memref_slice %arg3[%dma_wait3A_303, %dma_wait3A_304, %dma_wait3A_305] : memref<2500x2x128xi32, #tpu.memory_space<hbm>> -> memref<20x2x128xi32, #tpu.memory_space<hbm>>
          tpu.wait_dma2 semaphore(%run_scoped3A : memref<!tpu.dma_semaphore, #tpu.memory_space<semaphore_mem>>) src(%dma_wait3A_306 : memref<20x2x128xi32, #tpu.memory_space<hbm>>) dst(%dma_wait3A_302 : memref<20x2x128xi32, #tpu.memory_space<vmem>>)
          tpu.yield
        }) : () -> ()
        "tpu.region"() ({
          %run_scoped3A = tpu.sem_alloc : memref<!tpu.dma_semaphore, #tpu.memory_space<semaphore_mem>>
          %dma_start3A_275 = arith.constant 20 : i32
          %dma_start3A_276 = arith.constant 0 : i32
          %dma_start3A_277 = arith.constant 0 : i32
          %dma_start3A_278 = tpu.memref_slice %arg7[%dma_start3A_275, %dma_start3A_276, %dma_start3A_277] : memref<40x2x128xi32, #tpu.memory_space<vmem>> -> memref<20x2x128xi32, #tpu.memory_space<vmem>>
          %dma_start3A_279 = arith.constant 0 : i32
          %dma_start3A_280 = arith.constant 0 : i32
          %dma_start3A_281 = arith.constant 0 : i32
          %dma_start3A_282 = tpu.memref_slice %arg4[%dma_start3A_279, %dma_start3A_280, %dma_start3A_281] : memref<60x2x128xi32, #tpu.memory_space<hbm>> -> memref<20x2x128xi32, #tpu.memory_space<hbm>>
          %dma_start3A_283 = arith.constant 20 : i32
          %dma_start3A_284 = arith.constant 0 : i32
          %dma_start3A_285 = arith.constant 0 : i32
          %dma_start3A_286 = tpu.memref_slice %arg7[%dma_start3A_283, %dma_start3A_284, %dma_start3A_285] : memref<40x2x128xi32, #tpu.memory_space<vmem>> -> memref<20x2x128xi32, #tpu.memory_space<vmem>>
          %dma_start3A_287 = arith.constant 0 : i32
          %dma_start3A_288 = arith.constant 0 : i32
          %dma_start3A_289 = arith.constant 0 : i32
          %dma_start3A_290 = tpu.memref_slice %arg4[%dma_start3A_287, %dma_start3A_288, %dma_start3A_289] : memref<60x2x128xi32, #tpu.memory_space<hbm>> -> memref<20x2x128xi32, #tpu.memory_space<hbm>>
          tpu.enqueue_dma source(%dma_start3A_290 : memref<20x2x128xi32, #tpu.memory_space<hbm>>) target(%dma_start3A_286 : memref<20x2x128xi32, #tpu.memory_space<vmem>>) target_semaphore(%run_scoped3A : memref<!tpu.dma_semaphore, #tpu.memory_space<semaphore_mem>>)
          %dma_wait3A_291 = arith.constant 20 : i32
          %dma_wait3A_292 = arith.constant 0 : i32
          %dma_wait3A_293 = arith.constant 0 : i32
          %dma_wait3A_294 = tpu.memref_slice %arg7[%dma_wait3A_291, %dma_wait3A_292, %dma_wait3A_293] : memref<40x2x128xi32, #tpu.memory_space<vmem>> -> memref<20x2x128xi32, #tpu.memory_space<vmem>>
          %dma_wait3A_295 = arith.constant 0 : i32
          %dma_wait3A_296 = arith.constant 0 : i32
          %dma_wait3A_297 = arith.constant 0 : i32
          %dma_wait3A_298 = tpu.memref_slice %arg4[%dma_wait3A_295, %dma_wait3A_296, %dma_wait3A_297] : memref<60x2x128xi32, #tpu.memory_space<hbm>> -> memref<20x2x128xi32, #tpu.memory_space<hbm>>
          %dma_wait3A_299 = arith.constant 20 : i32
          %dma_wait3A_300 = arith.constant 0 : i32
          %dma_wait3A_301 = arith.constant 0 : i32
          %dma_wait3A_302 = tpu.memref_slice %arg7[%dma_wait3A_299, %dma_wait3A_300, %dma_wait3A_301] : memref<40x2x128xi32, #tpu.memory_space<vmem>> -> memref<20x2x128xi32, #tpu.memory_space<vmem>>
          %dma_wait3A_303 = arith.constant 0 : i32
          %dma_wait3A_304 = arith.constant 0 : i32
          %dma_wait3A_305 = arith.constant 0 : i32
          %dma_wait3A_306 = tpu.memref_slice %arg4[%dma_wait3A_303, %dma_wait3A_304, %dma_wait3A_305] : memref<60x2x128xi32, #tpu.memory_space<hbm>> -> memref<20x2x128xi32, #tpu.memory_space<hbm>>
          tpu.wait_dma2 semaphore(%run_scoped3A : memref<!tpu.dma_semaphore, #tpu.memory_space<semaphore_mem>>) src(%dma_wait3A_306 : memref<20x2x128xi32, #tpu.memory_space<hbm>>) dst(%dma_wait3A_302 : memref<20x2x128xi32, #tpu.memory_space<vmem>>)
          tpu.yield
        }) : () -> ()
      } else {
      }
      %ge3A = arith.constant 2520 : i32
      %ge3A_235 = arith.cmpi sge, %add3A_225, %ge3A : i32
      %convert_element_type3A_236 = arith.extui %ge3A_235 : i1 to i32
      %cond3A_237 = arith.constant 0 : i32
      %cond3A_238 = arith.cmpi ne, %convert_element_type3A_236, %cond3A_237 : i32
      scf.if %cond3A_238 {
        %sub3A = arith.constant 2500 : i32
        %sub3A_275 = arith.subi %add3A_225, %sub3A : i32
        "tpu.region"() ({
          %run_scoped3A = tpu.sem_alloc : memref<!tpu.dma_semaphore, #tpu.memory_space<semaphore_mem>>
          %dma_start3A_276 = arith.constant 0 : i32
          %dma_start3A_277 = arith.constant 0 : i32
          %dma_start3A_278 = tpu.memref_slice %arg4[%sub3A_275, %dma_start3A_276, %dma_start3A_277] : memref<60x2x128xi32, #tpu.memory_space<hbm>> -> memref<40x2x128xi32, #tpu.memory_space<hbm>>
          %dma_start3A_279 = arith.constant 0 : i32
          %dma_start3A_280 = arith.constant 0 : i32
          %dma_start3A_281 = tpu.memref_slice %arg4[%sub3A_275, %dma_start3A_279, %dma_start3A_280] : memref<60x2x128xi32, #tpu.memory_space<hbm>> -> memref<40x2x128xi32, #tpu.memory_space<hbm>>
          tpu.enqueue_dma source(%dma_start3A_281 : memref<40x2x128xi32, #tpu.memory_space<hbm>>) target(%arg7 : memref<40x2x128xi32, #tpu.memory_space<vmem>>) target_semaphore(%run_scoped3A : memref<!tpu.dma_semaphore, #tpu.memory_space<semaphore_mem>>)
          %dma_wait3A_282 = arith.constant 0 : i32
          %dma_wait3A_283 = arith.constant 0 : i32
          %dma_wait3A_284 = tpu.memref_slice %arg4[%sub3A_275, %dma_wait3A_282, %dma_wait3A_283] : memref<60x2x128xi32, #tpu.memory_space<hbm>> -> memref<40x2x128xi32, #tpu.memory_space<hbm>>
          %dma_wait3A_285 = arith.constant 0 : i32
          %dma_wait3A_286 = arith.constant 0 : i32
          %dma_wait3A_287 = tpu.memref_slice %arg4[%sub3A_275, %dma_wait3A_285, %dma_wait3A_286] : memref<60x2x128xi32, #tpu.memory_space<hbm>> -> memref<40x2x128xi32, #tpu.memory_space<hbm>>
          tpu.wait_dma2 semaphore(%run_scoped3A : memref<!tpu.dma_semaphore, #tpu.memory_space<semaphore_mem>>) src(%dma_wait3A_287 : memref<40x2x128xi32, #tpu.memory_space<hbm>>) dst(%arg7 : memref<40x2x128xi32, #tpu.memory_space<vmem>>)
          tpu.yield
        }) : () -> ()
      } else {
      }
      %dma_start3A_239 = arith.constant 0 : i32
      %dma_start3A_240 = arith.constant 0 : i32
      %dma_start3A_241 = arith.constant 0 : i32
      %dma_start3A_242 = arith.constant 0 : i32
      %dma_start3A_243 = tpu.memref_slice %arg7[%dma_start3A_239, %dma_start3A_241, %dma_start3A_242] : memref<40x2x128xi32, #tpu.memory_space<vmem>> -> memref<1x2x128xi32, #tpu.memory_space<vmem>>
      %dma_start3A_244 = tpu.memref_squeeze %dma_start3A_243 : memref<1x2x128xi32, #tpu.memory_space<vmem>> -> memref<2x128xi32, #tpu.memory_space<vmem>>
      %dma_start3A_245 = arith.constant 0 : i32
      %dma_start3A_246 = tpu.memref_slice %dma_start3A_244[%dma_start3A_240, %dma_start3A_245] : memref<2x128xi32, #tpu.memory_space<vmem>> -> memref<1x128xi32, #tpu.memory_space<vmem>>
      %dma_start3A_247 = tpu.memref_squeeze %dma_start3A_246 : memref<1x128xi32, #tpu.memory_space<vmem>> -> memref<128xi32, #tpu.memory_space<vmem>>
      %dma_start3A_248 = arith.constant 0 : i32
      %dma_start3A_249 = arith.constant 0 : i32
      %dma_start3A_250 = tpu.memref_slice %arg2[%dma_start3A_248, %dma_start3A_249] : memref<10000x128xf32, #tpu.memory_space<hbm>> -> memref<10000x128xf32, #tpu.memory_space<hbm>>
      tpu.enqueue_indirect_dma source(%dma_start3A_250 : memref<10000x128xf32, #tpu.memory_space<hbm>>) target(%arg8 : memref<128x128xf32, #tpu.memory_space<vmem>>) offsets(%dma_start3A_247 : memref<128xi32, #tpu.memory_space<vmem>>) semaphore(%arg13 : memref<!tpu.dma_semaphore, #tpu.memory_space<semaphore_mem>>)
      %scan3A_251 = arith.constant 0 : i32
      %scan3A_252 = arith.constant 0 : i32
      %scan3A_253 = arith.constant 20 : i32
      %scan3A_254 = arith.addi %scan3A_252, %scan3A_253 : i32
      %scan3A_255 = arith.constant 1 : i32
      scf.for %scan3A_275 = %scan3A_252 to %scan3A_254 step %scan3A_255  : i32 {
        %mul3A_276 = arith.constant 2 : i32
        %mul3A_277 = arith.muli %mul3A_276, %scan3A_275 : i32
        %add3A_278 = arith.constant 1 : i32
        %add3A_279 = arith.addi %mul3A_277, %add3A_278 : i32
        %gt3A = arith.constant 0 : i32
        %gt3A_280 = arith.cmpi sgt, %scan3A_275, %gt3A : i32
        %convert_element_type3A_281 = arith.extui %gt3A_280 : i1 to i32
        %cond3A_282 = arith.constant 0 : i32
        %cond3A_283 = arith.cmpi ne, %convert_element_type3A_281, %cond3A_282 : i32
        scf.if %cond3A_283 {
          %sub3A = arith.constant 1 : i32
          %sub3A_376 = arith.subi %mul3A_277, %sub3A : i32
          %dma_wait3A_377 = arith.constant 1 : i32
          %dma_wait3A_378 = arith.constant 0 : i32
          %dma_wait3A_379 = arith.constant 0 : i32
          %dma_wait3A_380 = tpu.memref_slice %arg7[%sub3A_376, %dma_wait3A_378, %dma_wait3A_379] : memref<40x2x128xi32, #tpu.memory_space<vmem>> -> memref<1x2x128xi32, #tpu.memory_space<vmem>>
          %dma_wait3A_381 = tpu.memref_squeeze %dma_wait3A_380 : memref<1x2x128xi32, #tpu.memory_space<vmem>> -> memref<2x128xi32, #tpu.memory_space<vmem>>
          %dma_wait3A_382 = arith.constant 0 : i32
          %dma_wait3A_383 = tpu.memref_slice %dma_wait3A_381[%dma_wait3A_377, %dma_wait3A_382] : memref<2x128xi32, #tpu.memory_space<vmem>> -> memref<1x128xi32, #tpu.memory_space<vmem>>
          %dma_wait3A_384 = tpu.memref_squeeze %dma_wait3A_383 : memref<1x128xi32, #tpu.memory_space<vmem>> -> memref<128xi32, #tpu.memory_space<vmem>>
          %dma_wait3A_385 = arith.constant 0 : i32
          %dma_wait3A_386 = arith.constant 0 : i32
          %dma_wait3A_387 = tpu.memref_slice %arg11[%dma_wait3A_385, %dma_wait3A_386] : memref<10112x128xf32, #tpu.memory_space<vmem_shared>> -> memref<10112x128xf32, #tpu.memory_space<vmem_shared>>
          tpu.wait_indirect_dma semaphore(%arg16 : memref<!tpu.dma_semaphore, #tpu.memory_space<semaphore_mem>>) src(%arg9 : memref<128x128xf32, #tpu.memory_space<vmem>>) dst(%dma_wait3A_387 : memref<10112x128xf32, #tpu.memory_space<vmem_shared>>)
        } else {
        }
        %dma_start3A_284 = arith.constant 0 : i32
        %dma_start3A_285 = arith.constant 0 : i32
        %dma_start3A_286 = arith.constant 0 : i32
        %dma_start3A_287 = tpu.memref_slice %arg7[%add3A_279, %dma_start3A_285, %dma_start3A_286] : memref<40x2x128xi32, #tpu.memory_space<vmem>> -> memref<1x2x128xi32, #tpu.memory_space<vmem>>
        %dma_start3A_288 = tpu.memref_squeeze %dma_start3A_287 : memref<1x2x128xi32, #tpu.memory_space<vmem>> -> memref<2x128xi32, #tpu.memory_space<vmem>>
        %dma_start3A_289 = arith.constant 0 : i32
        %dma_start3A_290 = tpu.memref_slice %dma_start3A_288[%dma_start3A_284, %dma_start3A_289] : memref<2x128xi32, #tpu.memory_space<vmem>> -> memref<1x128xi32, #tpu.memory_space<vmem>>
        %dma_start3A_291 = tpu.memref_squeeze %dma_start3A_290 : memref<1x128xi32, #tpu.memory_space<vmem>> -> memref<128xi32, #tpu.memory_space<vmem>>
        %dma_start3A_292 = arith.constant 0 : i32
        %dma_start3A_293 = arith.constant 0 : i32
        %dma_start3A_294 = tpu.memref_slice %arg2[%dma_start3A_292, %dma_start3A_293] : memref<10000x128xf32, #tpu.memory_space<hbm>> -> memref<10000x128xf32, #tpu.memory_space<hbm>>
        tpu.enqueue_indirect_dma source(%dma_start3A_294 : memref<10000x128xf32, #tpu.memory_space<hbm>>) target(%arg9 : memref<128x128xf32, #tpu.memory_space<vmem>>) offsets(%dma_start3A_291 : memref<128xi32, #tpu.memory_space<vmem>>) semaphore(%arg14 : memref<!tpu.dma_semaphore, #tpu.memory_space<semaphore_mem>>)
        %dma_wait3A_295 = arith.constant 0 : i32
        %dma_wait3A_296 = arith.constant 0 : i32
        %dma_wait3A_297 = arith.constant 0 : i32
        %dma_wait3A_298 = tpu.memref_slice %arg7[%mul3A_277, %dma_wait3A_296, %dma_wait3A_297] : memref<40x2x128xi32, #tpu.memory_space<vmem>> -> memref<1x2x128xi32, #tpu.memory_space<vmem>>
        %dma_wait3A_299 = tpu.memref_squeeze %dma_wait3A_298 : memref<1x2x128xi32, #tpu.memory_space<vmem>> -> memref<2x128xi32, #tpu.memory_space<vmem>>
        %dma_wait3A_300 = arith.constant 0 : i32
        %dma_wait3A_301 = tpu.memref_slice %dma_wait3A_299[%dma_wait3A_295, %dma_wait3A_300] : memref<2x128xi32, #tpu.memory_space<vmem>> -> memref<1x128xi32, #tpu.memory_space<vmem>>
        %dma_wait3A_302 = tpu.memref_squeeze %dma_wait3A_301 : memref<1x128xi32, #tpu.memory_space<vmem>> -> memref<128xi32, #tpu.memory_space<vmem>>
        %dma_wait3A_303 = arith.constant 0 : i32
        %dma_wait3A_304 = arith.constant 0 : i32
        %dma_wait3A_305 = tpu.memref_slice %arg2[%dma_wait3A_303, %dma_wait3A_304] : memref<10000x128xf32, #tpu.memory_space<hbm>> -> memref<10000x128xf32, #tpu.memory_space<hbm>>
        tpu.wait_indirect_dma semaphore(%arg13 : memref<!tpu.dma_semaphore, #tpu.memory_space<semaphore_mem>>) src(%dma_wait3A_305 : memref<10000x128xf32, #tpu.memory_space<hbm>>) dst(%arg8 : memref<128x128xf32, #tpu.memory_space<vmem>>)
        %dma_start3A_306 = arith.constant 1 : i32
        %dma_start3A_307 = arith.constant 0 : i32
        %dma_start3A_308 = arith.constant 0 : i32
        %dma_start3A_309 = tpu.memref_slice %arg7[%mul3A_277, %dma_start3A_307, %dma_start3A_308] : memref<40x2x128xi32, #tpu.memory_space<vmem>> -> memref<1x2x128xi32, #tpu.memory_space<vmem>>
        %dma_start3A_310 = tpu.memref_squeeze %dma_start3A_309 : memref<1x2x128xi32, #tpu.memory_space<vmem>> -> memref<2x128xi32, #tpu.memory_space<vmem>>
        %dma_start3A_311 = arith.constant 0 : i32
        %dma_start3A_312 = tpu.memref_slice %dma_start3A_310[%dma_start3A_306, %dma_start3A_311] : memref<2x128xi32, #tpu.memory_space<vmem>> -> memref<1x128xi32, #tpu.memory_space<vmem>>
        %dma_start3A_313 = tpu.memref_squeeze %dma_start3A_312 : memref<1x128xi32, #tpu.memory_space<vmem>> -> memref<128xi32, #tpu.memory_space<vmem>>
        %dma_start3A_314 = arith.constant 0 : i32
        %dma_start3A_315 = arith.constant 0 : i32
        %dma_start3A_316 = tpu.memref_slice %arg11[%dma_start3A_314, %dma_start3A_315] : memref<10112x128xf32, #tpu.memory_space<vmem_shared>> -> memref<10112x128xf32, #tpu.memory_space<vmem_shared>>
        tpu.enqueue_indirect_dma source(%arg8 : memref<128x128xf32, #tpu.memory_space<vmem>>) target(%dma_start3A_316 : memref<10112x128xf32, #tpu.memory_space<vmem_shared>>) offsets(%dma_start3A_313 : memref<128xi32, #tpu.memory_space<vmem>>) semaphore(%arg15 : memref<!tpu.dma_semaphore, #tpu.memory_space<semaphore_mem>>) {add = true}
        %dma_start3A_317 = arith.constant 1 : i32
        %dma_start3A_318 = arith.constant 0 : i32
        %dma_start3A_319 = arith.constant 0 : i32
        %dma_start3A_320 = tpu.memref_slice %arg7[%mul3A_277, %dma_start3A_318, %dma_start3A_319] : memref<40x2x128xi32, #tpu.memory_space<vmem>> -> memref<1x2x128xi32, #tpu.memory_space<vmem>>
        %dma_start3A_321 = tpu.memref_squeeze %dma_start3A_320 : memref<1x2x128xi32, #tpu.memory_space<vmem>> -> memref<2x128xi32, #tpu.memory_space<vmem>>
        %dma_start3A_322 = arith.constant 0 : i32
        %dma_start3A_323 = tpu.memref_slice %dma_start3A_321[%dma_start3A_317, %dma_start3A_322] : memref<2x128xi32, #tpu.memory_space<vmem>> -> memref<1x128xi32, #tpu.memory_space<vmem>>
        %dma_start3A_324 = tpu.memref_squeeze %dma_start3A_323 : memref<1x128xi32, #tpu.memory_space<vmem>> -> memref<128xi32, #tpu.memory_space<vmem>>
        %dma_start3A_325 = arith.constant 0 : i32
        %dma_start3A_326 = tpu.memref_slice %arg12[%dma_start3A_325] : memref<10240xf32, #tpu.memory_space<vmem_shared>> -> memref<10240xf32, #tpu.memory_space<vmem_shared>>
        tpu.enqueue_indirect_dma source(%arg10 : memref<128xf32, #tpu.memory_space<vmem>>) target(%dma_start3A_326 : memref<10240xf32, #tpu.memory_space<vmem_shared>>) offsets(%dma_start3A_324 : memref<128xi32, #tpu.memory_space<vmem>>) semaphore(%arg17 : memref<!tpu.dma_semaphore, #tpu.memory_space<semaphore_mem>>) {add = true}
        %dma_wait3A_327 = arith.constant 0 : i32
        %dma_wait3A_328 = arith.constant 0 : i32
        %dma_wait3A_329 = arith.constant 0 : i32
        %dma_wait3A_330 = tpu.memref_slice %arg7[%add3A_279, %dma_wait3A_328, %dma_wait3A_329] : memref<40x2x128xi32, #tpu.memory_space<vmem>> -> memref<1x2x128xi32, #tpu.memory_space<vmem>>
        %dma_wait3A_331 = tpu.memref_squeeze %dma_wait3A_330 : memref<1x2x128xi32, #tpu.memory_space<vmem>> -> memref<2x128xi32, #tpu.memory_space<vmem>>
        %dma_wait3A_332 = arith.constant 0 : i32
        %dma_wait3A_333 = tpu.memref_slice %dma_wait3A_331[%dma_wait3A_327, %dma_wait3A_332] : memref<2x128xi32, #tpu.memory_space<vmem>> -> memref<1x128xi32, #tpu.memory_space<vmem>>
        %dma_wait3A_334 = tpu.memref_squeeze %dma_wait3A_333 : memref<1x128xi32, #tpu.memory_space<vmem>> -> memref<128xi32, #tpu.memory_space<vmem>>
        %dma_wait3A_335 = arith.constant 0 : i32
        %dma_wait3A_336 = arith.constant 0 : i32
        %dma_wait3A_337 = tpu.memref_slice %arg2[%dma_wait3A_335, %dma_wait3A_336] : memref<10000x128xf32, #tpu.memory_space<hbm>> -> memref<10000x128xf32, #tpu.memory_space<hbm>>
        tpu.wait_indirect_dma semaphore(%arg14 : memref<!tpu.dma_semaphore, #tpu.memory_space<semaphore_mem>>) src(%dma_wait3A_337 : memref<10000x128xf32, #tpu.memory_space<hbm>>) dst(%arg9 : memref<128x128xf32, #tpu.memory_space<vmem>>)
        %dma_wait3A_338 = arith.constant 1 : i32
        %dma_wait3A_339 = arith.constant 0 : i32
        %dma_wait3A_340 = arith.constant 0 : i32
        %dma_wait3A_341 = tpu.memref_slice %arg7[%mul3A_277, %dma_wait3A_339, %dma_wait3A_340] : memref<40x2x128xi32, #tpu.memory_space<vmem>> -> memref<1x2x128xi32, #tpu.memory_space<vmem>>
        %dma_wait3A_342 = tpu.memref_squeeze %dma_wait3A_341 : memref<1x2x128xi32, #tpu.memory_space<vmem>> -> memref<2x128xi32, #tpu.memory_space<vmem>>
        %dma_wait3A_343 = arith.constant 0 : i32
        %dma_wait3A_344 = tpu.memref_slice %dma_wait3A_342[%dma_wait3A_338, %dma_wait3A_343] : memref<2x128xi32, #tpu.memory_space<vmem>> -> memref<1x128xi32, #tpu.memory_space<vmem>>
        %dma_wait3A_345 = tpu.memref_squeeze %dma_wait3A_344 : memref<1x128xi32, #tpu.memory_space<vmem>> -> memref<128xi32, #tpu.memory_space<vmem>>
        %dma_wait3A_346 = arith.constant 0 : i32
        %dma_wait3A_347 = arith.constant 0 : i32
        %dma_wait3A_348 = tpu.memref_slice %arg11[%dma_wait3A_346, %dma_wait3A_347] : memref<10112x128xf32, #tpu.memory_space<vmem_shared>> -> memref<10112x128xf32, #tpu.memory_space<vmem_shared>>
        tpu.wait_indirect_dma semaphore(%arg15 : memref<!tpu.dma_semaphore, #tpu.memory_space<semaphore_mem>>) src(%arg8 : memref<128x128xf32, #tpu.memory_space<vmem>>) dst(%dma_wait3A_348 : memref<10112x128xf32, #tpu.memory_space<vmem_shared>>)
        %add3A_349 = arith.constant 1 : i32
        %add3A_350 = arith.addi %scan3A_275, %add3A_349 : i32
        %lt3A = arith.constant 20 : i32
        %lt3A_351 = arith.cmpi slt, %add3A_350, %lt3A : i32
        %convert_element_type3A_352 = arith.extui %lt3A_351 : i1 to i32
        %cond3A_353 = arith.constant 0 : i32
        %cond3A_354 = arith.cmpi ne, %convert_element_type3A_352, %cond3A_353 : i32
        scf.if %cond3A_354 {
          %add3A_376 = arith.constant 2 : i32
          %add3A_377 = arith.addi %mul3A_277, %add3A_376 : i32
          %dma_start3A_378 = arith.constant 0 : i32
          %dma_start3A_379 = arith.constant 0 : i32
          %dma_start3A_380 = arith.constant 0 : i32
          %dma_start3A_381 = tpu.memref_slice %arg7[%add3A_377, %dma_start3A_379, %dma_start3A_380] : memref<40x2x128xi32, #tpu.memory_space<vmem>> -> memref<1x2x128xi32, #tpu.memory_space<vmem>>
          %dma_start3A_382 = tpu.memref_squeeze %dma_start3A_381 : memref<1x2x128xi32, #tpu.memory_space<vmem>> -> memref<2x128xi32, #tpu.memory_space<vmem>>
          %dma_start3A_383 = arith.constant 0 : i32
          %dma_start3A_384 = tpu.memref_slice %dma_start3A_382[%dma_start3A_378, %dma_start3A_383] : memref<2x128xi32, #tpu.memory_space<vmem>> -> memref<1x128xi32, #tpu.memory_space<vmem>>
          %dma_start3A_385 = tpu.memref_squeeze %dma_start3A_384 : memref<1x128xi32, #tpu.memory_space<vmem>> -> memref<128xi32, #tpu.memory_space<vmem>>
          %dma_start3A_386 = arith.constant 0 : i32
          %dma_start3A_387 = arith.constant 0 : i32
          %dma_start3A_388 = tpu.memref_slice %arg2[%dma_start3A_386, %dma_start3A_387] : memref<10000x128xf32, #tpu.memory_space<hbm>> -> memref<10000x128xf32, #tpu.memory_space<hbm>>
          tpu.enqueue_indirect_dma source(%dma_start3A_388 : memref<10000x128xf32, #tpu.memory_space<hbm>>) target(%arg8 : memref<128x128xf32, #tpu.memory_space<vmem>>) offsets(%dma_start3A_385 : memref<128xi32, #tpu.memory_space<vmem>>) semaphore(%arg13 : memref<!tpu.dma_semaphore, #tpu.memory_space<semaphore_mem>>)
        } else {
        }
        %dma_start3A_355 = arith.constant 1 : i32
        %dma_start3A_356 = arith.constant 0 : i32
        %dma_start3A_357 = arith.constant 0 : i32
        %dma_start3A_358 = tpu.memref_slice %arg7[%add3A_279, %dma_start3A_356, %dma_start3A_357] : memref<40x2x128xi32, #tpu.memory_space<vmem>> -> memref<1x2x128xi32, #tpu.memory_space<vmem>>
        %dma_start3A_359 = tpu.memref_squeeze %dma_start3A_358 : memref<1x2x128xi32, #tpu.memory_space<vmem>> -> memref<2x128xi32, #tpu.memory_space<vmem>>
        %dma_start3A_360 = arith.constant 0 : i32
        %dma_start3A_361 = tpu.memref_slice %dma_start3A_359[%dma_start3A_355, %dma_start3A_360] : memref<2x128xi32, #tpu.memory_space<vmem>> -> memref<1x128xi32, #tpu.memory_space<vmem>>
        %dma_start3A_362 = tpu.memref_squeeze %dma_start3A_361 : memref<1x128xi32, #tpu.memory_space<vmem>> -> memref<128xi32, #tpu.memory_space<vmem>>
        %dma_start3A_363 = arith.constant 0 : i32
        %dma_start3A_364 = arith.constant 0 : i32
        %dma_start3A_365 = tpu.memref_slice %arg11[%dma_start3A_363, %dma_start3A_364] : memref<10112x128xf32, #tpu.memory_space<vmem_shared>> -> memref<10112x128xf32, #tpu.memory_space<vmem_shared>>
        tpu.enqueue_indirect_dma source(%arg9 : memref<128x128xf32, #tpu.memory_space<vmem>>) target(%dma_start3A_365 : memref<10112x128xf32, #tpu.memory_space<vmem_shared>>) offsets(%dma_start3A_362 : memref<128xi32, #tpu.memory_space<vmem>>) semaphore(%arg16 : memref<!tpu.dma_semaphore, #tpu.memory_space<semaphore_mem>>) {add = true}
        %dma_start3A_366 = arith.constant 1 : i32
        %dma_start3A_367 = arith.constant 0 : i32
        %dma_start3A_368 = arith.constant 0 : i32
        %dma_start3A_369 = tpu.memref_slice %arg7[%add3A_279, %dma_start3A_367, %dma_start3A_368] : memref<40x2x128xi32, #tpu.memory_space<vmem>> -> memref<1x2x128xi32, #tpu.memory_space<vmem>>
        %dma_start3A_370 = tpu.memref_squeeze %dma_start3A_369 : memref<1x2x128xi32, #tpu.memory_space<vmem>> -> memref<2x128xi32, #tpu.memory_space<vmem>>
        %dma_start3A_371 = arith.constant 0 : i32
        %dma_start3A_372 = tpu.memref_slice %dma_start3A_370[%dma_start3A_366, %dma_start3A_371] : memref<2x128xi32, #tpu.memory_space<vmem>> -> memref<1x128xi32, #tpu.memory_space<vmem>>
        %dma_start3A_373 = tpu.memref_squeeze %dma_start3A_372 : memref<1x128xi32, #tpu.memory_space<vmem>> -> memref<128xi32, #tpu.memory_space<vmem>>
        %dma_start3A_374 = arith.constant 0 : i32
        %dma_start3A_375 = tpu.memref_slice %arg12[%dma_start3A_374] : memref<10240xf32, #tpu.memory_space<vmem_shared>> -> memref<10240xf32, #tpu.memory_space<vmem_shared>>
        tpu.enqueue_indirect_dma source(%arg10 : memref<128xf32, #tpu.memory_space<vmem>>) target(%dma_start3A_375 : memref<10240xf32, #tpu.memory_space<vmem_shared>>) offsets(%dma_start3A_373 : memref<128xi32, #tpu.memory_space<vmem>>) semaphore(%arg17 : memref<!tpu.dma_semaphore, #tpu.memory_space<semaphore_mem>>) {add = true}
      }
      %scan3A_256 = arith.constant 20 : i32
      %dma_wait3A_257 = arith.constant 39 : i32
      %dma_wait3A_258 = arith.constant 1 : i32
      %dma_wait3A_259 = arith.constant 0 : i32
      %dma_wait3A_260 = arith.constant 0 : i32
      %dma_wait3A_261 = tpu.memref_slice %arg7[%dma_wait3A_257, %dma_wait3A_259, %dma_wait3A_260] : memref<40x2x128xi32, #tpu.memory_space<vmem>> -> memref<1x2x128xi32, #tpu.memory_space<vmem>>
      %dma_wait3A_262 = tpu.memref_squeeze %dma_wait3A_261 : memref<1x2x128xi32, #tpu.memory_space<vmem>> -> memref<2x128xi32, #tpu.memory_space<vmem>>
      %dma_wait3A_263 = arith.constant 0 : i32
      %dma_wait3A_264 = tpu.memref_slice %dma_wait3A_262[%dma_wait3A_258, %dma_wait3A_263] : memref<2x128xi32, #tpu.memory_space<vmem>> -> memref<1x128xi32, #tpu.memory_space<vmem>>
      %dma_wait3A_265 = tpu.memref_squeeze %dma_wait3A_264 : memref<1x128xi32, #tpu.memory_space<vmem>> -> memref<128xi32, #tpu.memory_space<vmem>>
      %dma_wait3A_266 = arith.constant 0 : i32
      %dma_wait3A_267 = arith.constant 0 : i32
      %dma_wait3A_268 = tpu.memref_slice %arg11[%dma_wait3A_266, %dma_wait3A_267] : memref<10112x128xf32, #tpu.memory_space<vmem_shared>> -> memref<10112x128xf32, #tpu.memory_space<vmem_shared>>
      tpu.wait_indirect_dma semaphore(%arg16 : memref<!tpu.dma_semaphore, #tpu.memory_space<semaphore_mem>>) src(%arg9 : memref<128x128xf32, #tpu.memory_space<vmem>>) dst(%dma_wait3A_268 : memref<10112x128xf32, #tpu.memory_space<vmem_shared>>)
      %scan3A_269 = arith.constant 0 : i32
      %scan3A_270 = arith.constant 0 : i32
      %scan3A_271 = arith.constant 40 : i32
      %scan3A_272 = arith.addi %scan3A_270, %scan3A_271 : i32
      %scan3A_273 = arith.constant 1 : i32
      scf.for %scan3A_275 = %scan3A_270 to %scan3A_272 step %scan3A_273  : i32 {
        %dma_wait3A_276 = arith.constant 0 : i32
        %dma_wait3A_277 = arith.constant 1 : i32
        %dma_wait3A_278 = arith.constant 0 : i32
        %dma_wait3A_279 = arith.constant 0 : i32
        %dma_wait3A_280 = tpu.memref_slice %arg7[%dma_wait3A_276, %dma_wait3A_278, %dma_wait3A_279] : memref<40x2x128xi32, #tpu.memory_space<vmem>> -> memref<1x2x128xi32, #tpu.memory_space<vmem>>
        %dma_wait3A_281 = tpu.memref_squeeze %dma_wait3A_280 : memref<1x2x128xi32, #tpu.memory_space<vmem>> -> memref<2x128xi32, #tpu.memory_space<vmem>>
        %dma_wait3A_282 = arith.constant 0 : i32
        %dma_wait3A_283 = tpu.memref_slice %dma_wait3A_281[%dma_wait3A_277, %dma_wait3A_282] : memref<2x128xi32, #tpu.memory_space<vmem>> -> memref<1x128xi32, #tpu.memory_space<vmem>>
        %dma_wait3A_284 = tpu.memref_squeeze %dma_wait3A_283 : memref<1x128xi32, #tpu.memory_space<vmem>> -> memref<128xi32, #tpu.memory_space<vmem>>
        %dma_wait3A_285 = arith.constant 0 : i32
        %dma_wait3A_286 = tpu.memref_slice %arg12[%dma_wait3A_285] : memref<10240xf32, #tpu.memory_space<vmem_shared>> -> memref<10240xf32, #tpu.memory_space<vmem_shared>>
        tpu.wait_indirect_dma semaphore(%arg17 : memref<!tpu.dma_semaphore, #tpu.memory_space<semaphore_mem>>) src(%arg10 : memref<128xf32, #tpu.memory_space<vmem>>) dst(%dma_wait3A_286 : memref<10240xf32, #tpu.memory_space<vmem_shared>>)
      }
      %scan3A_274 = arith.constant 40 : i32
    }
    %while3A_220 = arith.constant 1 : i32
    scf.for %while3A_222 = %while3A_218 to %while3A_214 step %while3A_220  : i32 {
      %mul3A_223 = arith.constant 40 : i32
      %mul3A_224 = arith.muli %while3A_222, %mul3A_223 : i32
      %add3A_225 = arith.addi %select_n3A_211, %mul3A_224 : i32
      %add3A_226 = arith.constant 40 : i32
      %add3A_227 = arith.addi %add3A_225, %add3A_226 : i32
      %le3A = arith.constant 2500 : i32
      %le3A_228 = arith.cmpi sle, %add3A_227, %le3A : i32
      %convert_element_type3A = arith.extui %le3A_228 : i1 to i32
      %cond3A = arith.constant 0 : i32
      %cond3A_229 = arith.cmpi ne, %convert_element_type3A, %cond3A : i32
      scf.if %cond3A_229 {
        "tpu.region"() ({
          %run_scoped3A = tpu.sem_alloc : memref<!tpu.dma_semaphore, #tpu.memory_space<semaphore_mem>>
          %dma_start3A_275 = arith.constant 0 : i32
          %dma_start3A_276 = arith.constant 0 : i32
          %dma_start3A_277 = tpu.memref_slice %arg3[%add3A_225, %dma_start3A_275, %dma_start3A_276] : memref<2500x2x128xi32, #tpu.memory_space<hbm>> -> memref<40x2x128xi32, #tpu.memory_space<hbm>>
          %dma_start3A_278 = arith.constant 0 : i32
          %dma_start3A_279 = arith.constant 0 : i32
          %dma_start3A_280 = tpu.memref_slice %arg3[%add3A_225, %dma_start3A_278, %dma_start3A_279] : memref<2500x2x128xi32, #tpu.memory_space<hbm>> -> memref<40x2x128xi32, #tpu.memory_space<hbm>>
          tpu.enqueue_dma source(%dma_start3A_280 : memref<40x2x128xi32, #tpu.memory_space<hbm>>) target(%arg7 : memref<40x2x128xi32, #tpu.memory_space<vmem>>) target_semaphore(%run_scoped3A : memref<!tpu.dma_semaphore, #tpu.memory_space<semaphore_mem>>)
          %dma_wait3A_281 = arith.constant 0 : i32
          %dma_wait3A_282 = arith.constant 0 : i32
          %dma_wait3A_283 = tpu.memref_slice %arg3[%add3A_225, %dma_wait3A_281, %dma_wait3A_282] : memref<2500x2x128xi32, #tpu.memory_space<hbm>> -> memref<40x2x128xi32, #tpu.memory_space<hbm>>
          %dma_wait3A_284 = arith.constant 0 : i32
          %dma_wait3A_285 = arith.constant 0 : i32
          %dma_wait3A_286 = tpu.memref_slice %arg3[%add3A_225, %dma_wait3A_284, %dma_wait3A_285] : memref<2500x2x128xi32, #tpu.memory_space<hbm>> -> memref<40x2x128xi32, #tpu.memory_space<hbm>>
          tpu.wait_dma2 semaphore(%run_scoped3A : memref<!tpu.dma_semaphore, #tpu.memory_space<semaphore_mem>>) src(%dma_wait3A_286 : memref<40x2x128xi32, #tpu.memory_space<hbm>>) dst(%arg7 : memref<40x2x128xi32, #tpu.memory_space<vmem>>)
          tpu.yield
        }) : () -> ()
      } else {
      }
      %eq3A_230 = arith.constant 2480 : i32
      %eq3A_231 = arith.cmpi eq, %add3A_225, %eq3A_230 : i32
      %convert_element_type3A_232 = arith.extui %eq3A_231 : i1 to i32
      %cond3A_233 = arith.constant 0 : i32
      %cond3A_234 = arith.cmpi ne, %convert_element_type3A_232, %cond3A_233 : i32
      scf.if %cond3A_234 {
        "tpu.region"() ({
          %run_scoped3A = tpu.sem_alloc : memref<!tpu.dma_semaphore, #tpu.memory_space<semaphore_mem>>
          %dma_start3A_275 = arith.constant 0 : i32
          %dma_start3A_276 = arith.constant 0 : i32
          %dma_start3A_277 = arith.constant 0 : i32
          %dma_start3A_278 = tpu.memref_slice %arg7[%dma_start3A_275, %dma_start3A_276, %dma_start3A_277] : memref<40x2x128xi32, #tpu.memory_space<vmem>> -> memref<20x2x128xi32, #tpu.memory_space<vmem>>
          %dma_start3A_279 = arith.constant 2480 : i32
          %dma_start3A_280 = arith.constant 0 : i32
          %dma_start3A_281 = arith.constant 0 : i32
          %dma_start3A_282 = tpu.memref_slice %arg3[%dma_start3A_279, %dma_start3A_280, %dma_start3A_281] : memref<2500x2x128xi32, #tpu.memory_space<hbm>> -> memref<20x2x128xi32, #tpu.memory_space<hbm>>
          %dma_start3A_283 = arith.constant 0 : i32
          %dma_start3A_284 = arith.constant 0 : i32
          %dma_start3A_285 = arith.constant 0 : i32
          %dma_start3A_286 = tpu.memref_slice %arg7[%dma_start3A_283, %dma_start3A_284, %dma_start3A_285] : memref<40x2x128xi32, #tpu.memory_space<vmem>> -> memref<20x2x128xi32, #tpu.memory_space<vmem>>
          %dma_start3A_287 = arith.constant 2480 : i32
          %dma_start3A_288 = arith.constant 0 : i32
          %dma_start3A_289 = arith.constant 0 : i32
          %dma_start3A_290 = tpu.memref_slice %arg3[%dma_start3A_287, %dma_start3A_288, %dma_start3A_289] : memref<2500x2x128xi32, #tpu.memory_space<hbm>> -> memref<20x2x128xi32, #tpu.memory_space<hbm>>
          tpu.enqueue_dma source(%dma_start3A_290 : memref<20x2x128xi32, #tpu.memory_space<hbm>>) target(%dma_start3A_286 : memref<20x2x128xi32, #tpu.memory_space<vmem>>) target_semaphore(%run_scoped3A : memref<!tpu.dma_semaphore, #tpu.memory_space<semaphore_mem>>)
          %dma_wait3A_291 = arith.constant 0 : i32
          %dma_wait3A_292 = arith.constant 0 : i32
          %dma_wait3A_293 = arith.constant 0 : i32
          %dma_wait3A_294 = tpu.memref_slice %arg7[%dma_wait3A_291, %dma_wait3A_292, %dma_wait3A_293] : memref<40x2x128xi32, #tpu.memory_space<vmem>> -> memref<20x2x128xi32, #tpu.memory_space<vmem>>
          %dma_wait3A_295 = arith.constant 2480 : i32
          %dma_wait3A_296 = arith.constant 0 : i32
          %dma_wait3A_297 = arith.constant 0 : i32
          %dma_wait3A_298 = tpu.memref_slice %arg3[%dma_wait3A_295, %dma_wait3A_296, %dma_wait3A_297] : memref<2500x2x128xi32, #tpu.memory_space<hbm>> -> memref<20x2x128xi32, #tpu.memory_space<hbm>>
          %dma_wait3A_299 = arith.constant 0 : i32
          %dma_wait3A_300 = arith.constant 0 : i32
          %dma_wait3A_301 = arith.constant 0 : i32
          %dma_wait3A_302 = tpu.memref_slice %arg7[%dma_wait3A_299, %dma_wait3A_300, %dma_wait3A_301] : memref<40x2x128xi32, #tpu.memory_space<vmem>> -> memref<20x2x128xi32, #tpu.memory_space<vmem>>
          %dma_wait3A_303 = arith.constant 2480 : i32
          %dma_wait3A_304 = arith.constant 0 : i32
          %dma_wait3A_305 = arith.constant 0 : i32
          %dma_wait3A_306 = tpu.memref_slice %arg3[%dma_wait3A_303, %dma_wait3A_304, %dma_wait3A_305] : memref<2500x2x128xi32, #tpu.memory_space<hbm>> -> memref<20x2x128xi32, #tpu.memory_space<hbm>>
          tpu.wait_dma2 semaphore(%run_scoped3A : memref<!tpu.dma_semaphore, #tpu.memory_space<semaphore_mem>>) src(%dma_wait3A_306 : memref<20x2x128xi32, #tpu.memory_space<hbm>>) dst(%dma_wait3A_302 : memref<20x2x128xi32, #tpu.memory_space<vmem>>)
          tpu.yield
        }) : () -> ()
        "tpu.region"() ({
          %run_scoped3A = tpu.sem_alloc : memref<!tpu.dma_semaphore, #tpu.memory_space<semaphore_mem>>
          %dma_start3A_275 = arith.constant 20 : i32
          %dma_start3A_276 = arith.constant 0 : i32
          %dma_start3A_277 = arith.constant 0 : i32
          %dma_start3A_278 = tpu.memref_slice %arg7[%dma_start3A_275, %dma_start3A_276, %dma_start3A_277] : memref<40x2x128xi32, #tpu.memory_space<vmem>> -> memref<20x2x128xi32, #tpu.memory_space<vmem>>
          %dma_start3A_279 = arith.constant 0 : i32
          %dma_start3A_280 = arith.constant 0 : i32
          %dma_start3A_281 = arith.constant 0 : i32
          %dma_start3A_282 = tpu.memref_slice %arg4[%dma_start3A_279, %dma_start3A_280, %dma_start3A_281] : memref<60x2x128xi32, #tpu.memory_space<hbm>> -> memref<20x2x128xi32, #tpu.memory_space<hbm>>
          %dma_start3A_283 = arith.constant 20 : i32
          %dma_start3A_284 = arith.constant 0 : i32
          %dma_start3A_285 = arith.constant 0 : i32
          %dma_start3A_286 = tpu.memref_slice %arg7[%dma_start3A_283, %dma_start3A_284, %dma_start3A_285] : memref<40x2x128xi32, #tpu.memory_space<vmem>> -> memref<20x2x128xi32, #tpu.memory_space<vmem>>
          %dma_start3A_287 = arith.constant 0 : i32
          %dma_start3A_288 = arith.constant 0 : i32
          %dma_start3A_289 = arith.constant 0 : i32
          %dma_start3A_290 = tpu.memref_slice %arg4[%dma_start3A_287, %dma_start3A_288, %dma_start3A_289] : memref<60x2x128xi32, #tpu.memory_space<hbm>> -> memref<20x2x128xi32, #tpu.memory_space<hbm>>
          tpu.enqueue_dma source(%dma_start3A_290 : memref<20x2x128xi32, #tpu.memory_space<hbm>>) target(%dma_start3A_286 : memref<20x2x128xi32, #tpu.memory_space<vmem>>) target_semaphore(%run_scoped3A : memref<!tpu.dma_semaphore, #tpu.memory_space<semaphore_mem>>)
          %dma_wait3A_291 = arith.constant 20 : i32
          %dma_wait3A_292 = arith.constant 0 : i32
          %dma_wait3A_293 = arith.constant 0 : i32
          %dma_wait3A_294 = tpu.memref_slice %arg7[%dma_wait3A_291, %dma_wait3A_292, %dma_wait3A_293] : memref<40x2x128xi32, #tpu.memory_space<vmem>> -> memref<20x2x128xi32, #tpu.memory_space<vmem>>
          %dma_wait3A_295 = arith.constant 0 : i32
          %dma_wait3A_296 = arith.constant 0 : i32
          %dma_wait3A_297 = arith.constant 0 : i32
          %dma_wait3A_298 = tpu.memref_slice %arg4[%dma_wait3A_295, %dma_wait3A_296, %dma_wait3A_297] : memref<60x2x128xi32, #tpu.memory_space<hbm>> -> memref<20x2x128xi32, #tpu.memory_space<hbm>>
          %dma_wait3A_299 = arith.constant 20 : i32
          %dma_wait3A_300 = arith.constant 0 : i32
          %dma_wait3A_301 = arith.constant 0 : i32
          %dma_wait3A_302 = tpu.memref_slice %arg7[%dma_wait3A_299, %dma_wait3A_300, %dma_wait3A_301] : memref<40x2x128xi32, #tpu.memory_space<vmem>> -> memref<20x2x128xi32, #tpu.memory_space<vmem>>
          %dma_wait3A_303 = arith.constant 0 : i32
          %dma_wait3A_304 = arith.constant 0 : i32
          %dma_wait3A_305 = arith.constant 0 : i32
          %dma_wait3A_306 = tpu.memref_slice %arg4[%dma_wait3A_303, %dma_wait3A_304, %dma_wait3A_305] : memref<60x2x128xi32, #tpu.memory_space<hbm>> -> memref<20x2x128xi32, #tpu.memory_space<hbm>>
          tpu.wait_dma2 semaphore(%run_scoped3A : memref<!tpu.dma_semaphore, #tpu.memory_space<semaphore_mem>>) src(%dma_wait3A_306 : memref<20x2x128xi32, #tpu.memory_space<hbm>>) dst(%dma_wait3A_302 : memref<20x2x128xi32, #tpu.memory_space<vmem>>)
          tpu.yield
        }) : () -> ()
      } else {
      }
      %ge3A = arith.constant 2520 : i32
      %ge3A_235 = arith.cmpi sge, %add3A_225, %ge3A : i32
      %convert_element_type3A_236 = arith.extui %ge3A_235 : i1 to i32
      %cond3A_237 = arith.constant 0 : i32
      %cond3A_238 = arith.cmpi ne, %convert_element_type3A_236, %cond3A_237 : i32
      scf.if %cond3A_238 {
        %sub3A = arith.constant 2500 : i32
        %sub3A_275 = arith.subi %add3A_225, %sub3A : i32
        "tpu.region"() ({
          %run_scoped3A = tpu.sem_alloc : memref<!tpu.dma_semaphore, #tpu.memory_space<semaphore_mem>>
          %dma_start3A_276 = arith.constant 0 : i32
          %dma_start3A_277 = arith.constant 0 : i32
          %dma_start3A_278 = tpu.memref_slice %arg4[%sub3A_275, %dma_start3A_276, %dma_start3A_277] : memref<60x2x128xi32, #tpu.memory_space<hbm>> -> memref<40x2x128xi32, #tpu.memory_space<hbm>>
          %dma_start3A_279 = arith.constant 0 : i32
          %dma_start3A_280 = arith.constant 0 : i32
          %dma_start3A_281 = tpu.memref_slice %arg4[%sub3A_275, %dma_start3A_279, %dma_start3A_280] : memref<60x2x128xi32, #tpu.memory_space<hbm>> -> memref<40x2x128xi32, #tpu.memory_space<hbm>>
          tpu.enqueue_dma source(%dma_start3A_281 : memref<40x2x128xi32, #tpu.memory_space<hbm>>) target(%arg7 : memref<40x2x128xi32, #tpu.memory_space<vmem>>) target_semaphore(%run_scoped3A : memref<!tpu.dma_semaphore, #tpu.memory_space<semaphore_mem>>)
          %dma_wait3A_282 = arith.constant 0 : i32
          %dma_wait3A_283 = arith.constant 0 : i32
          %dma_wait3A_284 = tpu.memref_slice %arg4[%sub3A_275, %dma_wait3A_282, %dma_wait3A_283] : memref<60x2x128xi32, #tpu.memory_space<hbm>> -> memref<40x2x128xi32, #tpu.memory_space<hbm>>
          %dma_wait3A_285 = arith.constant 0 : i32
          %dma_wait3A_286 = arith.constant 0 : i32
          %dma_wait3A_287 = tpu.memref_slice %arg4[%sub3A_275, %dma_wait3A_285, %dma_wait3A_286] : memref<60x2x128xi32, #tpu.memory_space<hbm>> -> memref<40x2x128xi32, #tpu.memory_space<hbm>>
          tpu.wait_dma2 semaphore(%run_scoped3A : memref<!tpu.dma_semaphore, #tpu.memory_space<semaphore_mem>>) src(%dma_wait3A_287 : memref<40x2x128xi32, #tpu.memory_space<hbm>>) dst(%arg7 : memref<40x2x128xi32, #tpu.memory_space<vmem>>)
          tpu.yield
        }) : () -> ()
      } else {
      }
      %dma_start3A_239 = arith.constant 0 : i32
      %dma_start3A_240 = arith.constant 0 : i32
      %dma_start3A_241 = arith.constant 0 : i32
      %dma_start3A_242 = arith.constant 0 : i32
      %dma_start3A_243 = tpu.memref_slice %arg7[%dma_start3A_239, %dma_start3A_241, %dma_start3A_242] : memref<40x2x128xi32, #tpu.memory_space<vmem>> -> memref<1x2x128xi32, #tpu.memory_space<vmem>>
      %dma_start3A_244 = tpu.memref_squeeze %dma_start3A_243 : memref<1x2x128xi32, #tpu.memory_space<vmem>> -> memref<2x128xi32, #tpu.memory_space<vmem>>
      %dma_start3A_245 = arith.constant 0 : i32
      %dma_start3A_246 = tpu.memref_slice %dma_start3A_244[%dma_start3A_240, %dma_start3A_245] : memref<2x128xi32, #tpu.memory_space<vmem>> -> memref<1x128xi32, #tpu.memory_space<vmem>>
      %dma_start3A_247 = tpu.memref_squeeze %dma_start3A_246 : memref<1x128xi32, #tpu.memory_space<vmem>> -> memref<128xi32, #tpu.memory_space<vmem>>
      %dma_start3A_248 = arith.constant 0 : i32
      %dma_start3A_249 = arith.constant 0 : i32
      %dma_start3A_250 = tpu.memref_slice %arg2[%dma_start3A_248, %dma_start3A_249] : memref<10000x128xf32, #tpu.memory_space<hbm>> -> memref<10000x128xf32, #tpu.memory_space<hbm>>
      tpu.enqueue_indirect_dma source(%dma_start3A_250 : memref<10000x128xf32, #tpu.memory_space<hbm>>) target(%arg8 : memref<128x128xf32, #tpu.memory_space<vmem>>) offsets(%dma_start3A_247 : memref<128xi32, #tpu.memory_space<vmem>>) semaphore(%arg13 : memref<!tpu.dma_semaphore, #tpu.memory_space<semaphore_mem>>)
      %scan3A_251 = arith.constant 0 : i32
      %scan3A_252 = arith.constant 0 : i32
      %scan3A_253 = arith.constant 20 : i32
      %scan3A_254 = arith.addi %scan3A_252, %scan3A_253 : i32
      %scan3A_255 = arith.constant 1 : i32
      scf.for %scan3A_275 = %scan3A_252 to %scan3A_254 step %scan3A_255  : i32 {
        %mul3A_276 = arith.constant 2 : i32
        %mul3A_277 = arith.muli %mul3A_276, %scan3A_275 : i32
        %add3A_278 = arith.constant 1 : i32
        %add3A_279 = arith.addi %mul3A_277, %add3A_278 : i32
        %gt3A = arith.constant 0 : i32
        %gt3A_280 = arith.cmpi sgt, %scan3A_275, %gt3A : i32
        %convert_element_type3A_281 = arith.extui %gt3A_280 : i1 to i32
        %cond3A_282 = arith.constant 0 : i32
        %cond3A_283 = arith.cmpi ne, %convert_element_type3A_281, %cond3A_282 : i32
        scf.if %cond3A_283 {
          %sub3A = arith.constant 1 : i32
          %sub3A_376 = arith.subi %mul3A_277, %sub3A : i32
          %dma_wait3A_377 = arith.constant 1 : i32
          %dma_wait3A_378 = arith.constant 0 : i32
          %dma_wait3A_379 = arith.constant 0 : i32
          %dma_wait3A_380 = tpu.memref_slice %arg7[%sub3A_376, %dma_wait3A_378, %dma_wait3A_379] : memref<40x2x128xi32, #tpu.memory_space<vmem>> -> memref<1x2x128xi32, #tpu.memory_space<vmem>>
          %dma_wait3A_381 = tpu.memref_squeeze %dma_wait3A_380 : memref<1x2x128xi32, #tpu.memory_space<vmem>> -> memref<2x128xi32, #tpu.memory_space<vmem>>
          %dma_wait3A_382 = arith.constant 0 : i32
          %dma_wait3A_383 = tpu.memref_slice %dma_wait3A_381[%dma_wait3A_377, %dma_wait3A_382] : memref<2x128xi32, #tpu.memory_space<vmem>> -> memref<1x128xi32, #tpu.memory_space<vmem>>
          %dma_wait3A_384 = tpu.memref_squeeze %dma_wait3A_383 : memref<1x128xi32, #tpu.memory_space<vmem>> -> memref<128xi32, #tpu.memory_space<vmem>>
          %dma_wait3A_385 = arith.constant 0 : i32
          %dma_wait3A_386 = arith.constant 0 : i32
          %dma_wait3A_387 = tpu.memref_slice %arg11[%dma_wait3A_385, %dma_wait3A_386] : memref<10112x128xf32, #tpu.memory_space<vmem_shared>> -> memref<10112x128xf32, #tpu.memory_space<vmem_shared>>
          tpu.wait_indirect_dma semaphore(%arg16 : memref<!tpu.dma_semaphore, #tpu.memory_space<semaphore_mem>>) src(%arg9 : memref<128x128xf32, #tpu.memory_space<vmem>>) dst(%dma_wait3A_387 : memref<10112x128xf32, #tpu.memory_space<vmem_shared>>)
        } else {
        }
        %dma_start3A_284 = arith.constant 0 : i32
        %dma_start3A_285 = arith.constant 0 : i32
        %dma_start3A_286 = arith.constant 0 : i32
        %dma_start3A_287 = tpu.memref_slice %arg7[%add3A_279, %dma_start3A_285, %dma_start3A_286] : memref<40x2x128xi32, #tpu.memory_space<vmem>> -> memref<1x2x128xi32, #tpu.memory_space<vmem>>
        %dma_start3A_288 = tpu.memref_squeeze %dma_start3A_287 : memref<1x2x128xi32, #tpu.memory_space<vmem>> -> memref<2x128xi32, #tpu.memory_space<vmem>>
        %dma_start3A_289 = arith.constant 0 : i32
        %dma_start3A_290 = tpu.memref_slice %dma_start3A_288[%dma_start3A_284, %dma_start3A_289] : memref<2x128xi32, #tpu.memory_space<vmem>> -> memref<1x128xi32, #tpu.memory_space<vmem>>
        %dma_start3A_291 = tpu.memref_squeeze %dma_start3A_290 : memref<1x128xi32, #tpu.memory_space<vmem>> -> memref<128xi32, #tpu.memory_space<vmem>>
        %dma_start3A_292 = arith.constant 0 : i32
        %dma_start3A_293 = arith.constant 0 : i32
        %dma_start3A_294 = tpu.memref_slice %arg2[%dma_start3A_292, %dma_start3A_293] : memref<10000x128xf32, #tpu.memory_space<hbm>> -> memref<10000x128xf32, #tpu.memory_space<hbm>>
        tpu.enqueue_indirect_dma source(%dma_start3A_294 : memref<10000x128xf32, #tpu.memory_space<hbm>>) target(%arg9 : memref<128x128xf32, #tpu.memory_space<vmem>>) offsets(%dma_start3A_291 : memref<128xi32, #tpu.memory_space<vmem>>) semaphore(%arg14 : memref<!tpu.dma_semaphore, #tpu.memory_space<semaphore_mem>>)
        %dma_wait3A_295 = arith.constant 0 : i32
        %dma_wait3A_296 = arith.constant 0 : i32
        %dma_wait3A_297 = arith.constant 0 : i32
        %dma_wait3A_298 = tpu.memref_slice %arg7[%mul3A_277, %dma_wait3A_296, %dma_wait3A_297] : memref<40x2x128xi32, #tpu.memory_space<vmem>> -> memref<1x2x128xi32, #tpu.memory_space<vmem>>
        %dma_wait3A_299 = tpu.memref_squeeze %dma_wait3A_298 : memref<1x2x128xi32, #tpu.memory_space<vmem>> -> memref<2x128xi32, #tpu.memory_space<vmem>>
        %dma_wait3A_300 = arith.constant 0 : i32
        %dma_wait3A_301 = tpu.memref_slice %dma_wait3A_299[%dma_wait3A_295, %dma_wait3A_300] : memref<2x128xi32, #tpu.memory_space<vmem>> -> memref<1x128xi32, #tpu.memory_space<vmem>>
        %dma_wait3A_302 = tpu.memref_squeeze %dma_wait3A_301 : memref<1x128xi32, #tpu.memory_space<vmem>> -> memref<128xi32, #tpu.memory_space<vmem>>
        %dma_wait3A_303 = arith.constant 0 : i32
        %dma_wait3A_304 = arith.constant 0 : i32
        %dma_wait3A_305 = tpu.memref_slice %arg2[%dma_wait3A_303, %dma_wait3A_304] : memref<10000x128xf32, #tpu.memory_space<hbm>> -> memref<10000x128xf32, #tpu.memory_space<hbm>>
        tpu.wait_indirect_dma semaphore(%arg13 : memref<!tpu.dma_semaphore, #tpu.memory_space<semaphore_mem>>) src(%dma_wait3A_305 : memref<10000x128xf32, #tpu.memory_space<hbm>>) dst(%arg8 : memref<128x128xf32, #tpu.memory_space<vmem>>)
        %dma_start3A_306 = arith.constant 1 : i32
        %dma_start3A_307 = arith.constant 0 : i32
        %dma_start3A_308 = arith.constant 0 : i32
        %dma_start3A_309 = tpu.memref_slice %arg7[%mul3A_277, %dma_start3A_307, %dma_start3A_308] : memref<40x2x128xi32, #tpu.memory_space<vmem>> -> memref<1x2x128xi32, #tpu.memory_space<vmem>>
        %dma_start3A_310 = tpu.memref_squeeze %dma_start3A_309 : memref<1x2x128xi32, #tpu.memory_space<vmem>> -> memref<2x128xi32, #tpu.memory_space<vmem>>
        %dma_start3A_311 = arith.constant 0 : i32
        %dma_start3A_312 = tpu.memref_slice %dma_start3A_310[%dma_start3A_306, %dma_start3A_311] : memref<2x128xi32, #tpu.memory_space<vmem>> -> memref<1x128xi32, #tpu.memory_space<vmem>>
        %dma_start3A_313 = tpu.memref_squeeze %dma_start3A_312 : memref<1x128xi32, #tpu.memory_space<vmem>> -> memref<128xi32, #tpu.memory_space<vmem>>
        %dma_start3A_314 = arith.constant 0 : i32
        %dma_start3A_315 = arith.constant 0 : i32
        %dma_start3A_316 = tpu.memref_slice %arg11[%dma_start3A_314, %dma_start3A_315] : memref<10112x128xf32, #tpu.memory_space<vmem_shared>> -> memref<10112x128xf32, #tpu.memory_space<vmem_shared>>
        tpu.enqueue_indirect_dma source(%arg8 : memref<128x128xf32, #tpu.memory_space<vmem>>) target(%dma_start3A_316 : memref<10112x128xf32, #tpu.memory_space<vmem_shared>>) offsets(%dma_start3A_313 : memref<128xi32, #tpu.memory_space<vmem>>) semaphore(%arg15 : memref<!tpu.dma_semaphore, #tpu.memory_space<semaphore_mem>>) {add = true}
        %dma_start3A_317 = arith.constant 1 : i32
        %dma_start3A_318 = arith.constant 0 : i32
        %dma_start3A_319 = arith.constant 0 : i32
        %dma_start3A_320 = tpu.memref_slice %arg7[%mul3A_277, %dma_start3A_318, %dma_start3A_319] : memref<40x2x128xi32, #tpu.memory_space<vmem>> -> memref<1x2x128xi32, #tpu.memory_space<vmem>>
        %dma_start3A_321 = tpu.memref_squeeze %dma_start3A_320 : memref<1x2x128xi32, #tpu.memory_space<vmem>> -> memref<2x128xi32, #tpu.memory_space<vmem>>
        %dma_start3A_322 = arith.constant 0 : i32
        %dma_start3A_323 = tpu.memref_slice %dma_start3A_321[%dma_start3A_317, %dma_start3A_322] : memref<2x128xi32, #tpu.memory_space<vmem>> -> memref<1x128xi32, #tpu.memory_space<vmem>>
        %dma_start3A_324 = tpu.memref_squeeze %dma_start3A_323 : memref<1x128xi32, #tpu.memory_space<vmem>> -> memref<128xi32, #tpu.memory_space<vmem>>
        %dma_start3A_325 = arith.constant 0 : i32
        %dma_start3A_326 = tpu.memref_slice %arg12[%dma_start3A_325] : memref<10240xf32, #tpu.memory_space<vmem_shared>> -> memref<10240xf32, #tpu.memory_space<vmem_shared>>
        tpu.enqueue_indirect_dma source(%arg10 : memref<128xf32, #tpu.memory_space<vmem>>) target(%dma_start3A_326 : memref<10240xf32, #tpu.memory_space<vmem_shared>>) offsets(%dma_start3A_324 : memref<128xi32, #tpu.memory_space<vmem>>) semaphore(%arg17 : memref<!tpu.dma_semaphore, #tpu.memory_space<semaphore_mem>>) {add = true}
        %dma_wait3A_327 = arith.constant 0 : i32
        %dma_wait3A_328 = arith.constant 0 : i32
        %dma_wait3A_329 = arith.constant 0 : i32
        %dma_wait3A_330 = tpu.memref_slice %arg7[%add3A_279, %dma_wait3A_328, %dma_wait3A_329] : memref<40x2x128xi32, #tpu.memory_space<vmem>> -> memref<1x2x128xi32, #tpu.memory_space<vmem>>
        %dma_wait3A_331 = tpu.memref_squeeze %dma_wait3A_330 : memref<1x2x128xi32, #tpu.memory_space<vmem>> -> memref<2x128xi32, #tpu.memory_space<vmem>>
        %dma_wait3A_332 = arith.constant 0 : i32
        %dma_wait3A_333 = tpu.memref_slice %dma_wait3A_331[%dma_wait3A_327, %dma_wait3A_332] : memref<2x128xi32, #tpu.memory_space<vmem>> -> memref<1x128xi32, #tpu.memory_space<vmem>>
        %dma_wait3A_334 = tpu.memref_squeeze %dma_wait3A_333 : memref<1x128xi32, #tpu.memory_space<vmem>> -> memref<128xi32, #tpu.memory_space<vmem>>
        %dma_wait3A_335 = arith.constant 0 : i32
        %dma_wait3A_336 = arith.constant 0 : i32
        %dma_wait3A_337 = tpu.memref_slice %arg2[%dma_wait3A_335, %dma_wait3A_336] : memref<10000x128xf32, #tpu.memory_space<hbm>> -> memref<10000x128xf32, #tpu.memory_space<hbm>>
        tpu.wait_indirect_dma semaphore(%arg14 : memref<!tpu.dma_semaphore, #tpu.memory_space<semaphore_mem>>) src(%dma_wait3A_337 : memref<10000x128xf32, #tpu.memory_space<hbm>>) dst(%arg9 : memref<128x128xf32, #tpu.memory_space<vmem>>)
        %dma_wait3A_338 = arith.constant 1 : i32
        %dma_wait3A_339 = arith.constant 0 : i32
        %dma_wait3A_340 = arith.constant 0 : i32
        %dma_wait3A_341 = tpu.memref_slice %arg7[%mul3A_277, %dma_wait3A_339, %dma_wait3A_340] : memref<40x2x128xi32, #tpu.memory_space<vmem>> -> memref<1x2x128xi32, #tpu.memory_space<vmem>>
        %dma_wait3A_342 = tpu.memref_squeeze %dma_wait3A_341 : memref<1x2x128xi32, #tpu.memory_space<vmem>> -> memref<2x128xi32, #tpu.memory_space<vmem>>
        %dma_wait3A_343 = arith.constant 0 : i32
        %dma_wait3A_344 = tpu.memref_slice %dma_wait3A_342[%dma_wait3A_338, %dma_wait3A_343] : memref<2x128xi32, #tpu.memory_space<vmem>> -> memref<1x128xi32, #tpu.memory_space<vmem>>
        %dma_wait3A_345 = tpu.memref_squeeze %dma_wait3A_344 : memref<1x128xi32, #tpu.memory_space<vmem>> -> memref<128xi32, #tpu.memory_space<vmem>>
        %dma_wait3A_346 = arith.constant 0 : i32
        %dma_wait3A_347 = arith.constant 0 : i32
        %dma_wait3A_348 = tpu.memref_slice %arg11[%dma_wait3A_346, %dma_wait3A_347] : memref<10112x128xf32, #tpu.memory_space<vmem_shared>> -> memref<10112x128xf32, #tpu.memory_space<vmem_shared>>
        tpu.wait_indirect_dma semaphore(%arg15 : memref<!tpu.dma_semaphore, #tpu.memory_space<semaphore_mem>>) src(%arg8 : memref<128x128xf32, #tpu.memory_space<vmem>>) dst(%dma_wait3A_348 : memref<10112x128xf32, #tpu.memory_space<vmem_shared>>)
        %add3A_349 = arith.constant 1 : i32
        %add3A_350 = arith.addi %scan3A_275, %add3A_349 : i32
        %lt3A = arith.constant 20 : i32
        %lt3A_351 = arith.cmpi slt, %add3A_350, %lt3A : i32
        %convert_element_type3A_352 = arith.extui %lt3A_351 : i1 to i32
        %cond3A_353 = arith.constant 0 : i32
        %cond3A_354 = arith.cmpi ne, %convert_element_type3A_352, %cond3A_353 : i32
        scf.if %cond3A_354 {
          %add3A_376 = arith.constant 2 : i32
          %add3A_377 = arith.addi %mul3A_277, %add3A_376 : i32
          %dma_start3A_378 = arith.constant 0 : i32
          %dma_start3A_379 = arith.constant 0 : i32
          %dma_start3A_380 = arith.constant 0 : i32
          %dma_start3A_381 = tpu.memref_slice %arg7[%add3A_377, %dma_start3A_379, %dma_start3A_380] : memref<40x2x128xi32, #tpu.memory_space<vmem>> -> memref<1x2x128xi32, #tpu.memory_space<vmem>>
          %dma_start3A_382 = tpu.memref_squeeze %dma_start3A_381 : memref<1x2x128xi32, #tpu.memory_space<vmem>> -> memref<2x128xi32, #tpu.memory_space<vmem>>
          %dma_start3A_383 = arith.constant 0 : i32
          %dma_start3A_384 = tpu.memref_slice %dma_start3A_382[%dma_start3A_378, %dma_start3A_383] : memref<2x128xi32, #tpu.memory_space<vmem>> -> memref<1x128xi32, #tpu.memory_space<vmem>>
          %dma_start3A_385 = tpu.memref_squeeze %dma_start3A_384 : memref<1x128xi32, #tpu.memory_space<vmem>> -> memref<128xi32, #tpu.memory_space<vmem>>
          %dma_start3A_386 = arith.constant 0 : i32
          %dma_start3A_387 = arith.constant 0 : i32
          %dma_start3A_388 = tpu.memref_slice %arg2[%dma_start3A_386, %dma_start3A_387] : memref<10000x128xf32, #tpu.memory_space<hbm>> -> memref<10000x128xf32, #tpu.memory_space<hbm>>
          tpu.enqueue_indirect_dma source(%dma_start3A_388 : memref<10000x128xf32, #tpu.memory_space<hbm>>) target(%arg8 : memref<128x128xf32, #tpu.memory_space<vmem>>) offsets(%dma_start3A_385 : memref<128xi32, #tpu.memory_space<vmem>>) semaphore(%arg13 : memref<!tpu.dma_semaphore, #tpu.memory_space<semaphore_mem>>)
        } else {
        }
        %dma_start3A_355 = arith.constant 1 : i32
        %dma_start3A_356 = arith.constant 0 : i32
        %dma_start3A_357 = arith.constant 0 : i32
        %dma_start3A_358 = tpu.memref_slice %arg7[%add3A_279, %dma_start3A_356, %dma_start3A_357] : memref<40x2x128xi32, #tpu.memory_space<vmem>> -> memref<1x2x128xi32, #tpu.memory_space<vmem>>
        %dma_start3A_359 = tpu.memref_squeeze %dma_start3A_358 : memref<1x2x128xi32, #tpu.memory_space<vmem>> -> memref<2x128xi32, #tpu.memory_space<vmem>>
        %dma_start3A_360 = arith.constant 0 : i32
        %dma_start3A_361 = tpu.memref_slice %dma_start3A_359[%dma_start3A_355, %dma_start3A_360] : memref<2x128xi32, #tpu.memory_space<vmem>> -> memref<1x128xi32, #tpu.memory_space<vmem>>
        %dma_start3A_362 = tpu.memref_squeeze %dma_start3A_361 : memref<1x128xi32, #tpu.memory_space<vmem>> -> memref<128xi32, #tpu.memory_space<vmem>>
        %dma_start3A_363 = arith.constant 0 : i32
        %dma_start3A_364 = arith.constant 0 : i32
        %dma_start3A_365 = tpu.memref_slice %arg11[%dma_start3A_363, %dma_start3A_364] : memref<10112x128xf32, #tpu.memory_space<vmem_shared>> -> memref<10112x128xf32, #tpu.memory_space<vmem_shared>>
        tpu.enqueue_indirect_dma source(%arg9 : memref<128x128xf32, #tpu.memory_space<vmem>>) target(%dma_start3A_365 : memref<10112x128xf32, #tpu.memory_space<vmem_shared>>) offsets(%dma_start3A_362 : memref<128xi32, #tpu.memory_space<vmem>>) semaphore(%arg16 : memref<!tpu.dma_semaphore, #tpu.memory_space<semaphore_mem>>) {add = true}
        %dma_start3A_366 = arith.constant 1 : i32
        %dma_start3A_367 = arith.constant 0 : i32
        %dma_start3A_368 = arith.constant 0 : i32
        %dma_start3A_369 = tpu.memref_slice %arg7[%add3A_279, %dma_start3A_367, %dma_start3A_368] : memref<40x2x128xi32, #tpu.memory_space<vmem>> -> memref<1x2x128xi32, #tpu.memory_space<vmem>>
        %dma_start3A_370 = tpu.memref_squeeze %dma_start3A_369 : memref<1x2x128xi32, #tpu.memory_space<vmem>> -> memref<2x128xi32, #tpu.memory_space<vmem>>
        %dma_start3A_371 = arith.constant 0 : i32
        %dma_start3A_372 = tpu.memref_slice %dma_start3A_370[%dma_start3A_366, %dma_start3A_371] : memref<2x128xi32, #tpu.memory_space<vmem>> -> memref<1x128xi32, #tpu.memory_space<vmem>>
        %dma_start3A_373 = tpu.memref_squeeze %dma_start3A_372 : memref<1x128xi32, #tpu.memory_space<vmem>> -> memref<128xi32, #tpu.memory_space<vmem>>
        %dma_start3A_374 = arith.constant 0 : i32
        %dma_start3A_375 = tpu.memref_slice %arg12[%dma_start3A_374] : memref<10240xf32, #tpu.memory_space<vmem_shared>> -> memref<10240xf32, #tpu.memory_space<vmem_shared>>
        tpu.enqueue_indirect_dma source(%arg10 : memref<128xf32, #tpu.memory_space<vmem>>) target(%dma_start3A_375 : memref<10240xf32, #tpu.memory_space<vmem_shared>>) offsets(%dma_start3A_373 : memref<128xi32, #tpu.memory_space<vmem>>) semaphore(%arg17 : memref<!tpu.dma_semaphore, #tpu.memory_space<semaphore_mem>>) {add = true}
      }
      %scan3A_256 = arith.constant 20 : i32
      %dma_wait3A_257 = arith.constant 39 : i32
      %dma_wait3A_258 = arith.constant 1 : i32
      %dma_wait3A_259 = arith.constant 0 : i32
      %dma_wait3A_260 = arith.constant 0 : i32
      %dma_wait3A_261 = tpu.memref_slice %arg7[%dma_wait3A_257, %dma_wait3A_259, %dma_wait3A_260] : memref<40x2x128xi32, #tpu.memory_space<vmem>> -> memref<1x2x128xi32, #tpu.memory_space<vmem>>
      %dma_wait3A_262 = tpu.memref_squeeze %dma_wait3A_261 : memref<1x2x128xi32, #tpu.memory_space<vmem>> -> memref<2x128xi32, #tpu.memory_space<vmem>>
      %dma_wait3A_263 = arith.constant 0 : i32
      %dma_wait3A_264 = tpu.memref_slice %dma_wait3A_262[%dma_wait3A_258, %dma_wait3A_263] : memref<2x128xi32, #tpu.memory_space<vmem>> -> memref<1x128xi32, #tpu.memory_space<vmem>>
      %dma_wait3A_265 = tpu.memref_squeeze %dma_wait3A_264 : memref<1x128xi32, #tpu.memory_space<vmem>> -> memref<128xi32, #tpu.memory_space<vmem>>
      %dma_wait3A_266 = arith.constant 0 : i32
      %dma_wait3A_267 = arith.constant 0 : i32
      %dma_wait3A_268 = tpu.memref_slice %arg11[%dma_wait3A_266, %dma_wait3A_267] : memref<10112x128xf32, #tpu.memory_space<vmem_shared>> -> memref<10112x128xf32, #tpu.memory_space<vmem_shared>>
      tpu.wait_indirect_dma semaphore(%arg16 : memref<!tpu.dma_semaphore, #tpu.memory_space<semaphore_mem>>) src(%arg9 : memref<128x128xf32, #tpu.memory_space<vmem>>) dst(%dma_wait3A_268 : memref<10112x128xf32, #tpu.memory_space<vmem_shared>>)
      %scan3A_269 = arith.constant 0 : i32
      %scan3A_270 = arith.constant 0 : i32
      %scan3A_271 = arith.constant 40 : i32
      %scan3A_272 = arith.addi %scan3A_270, %scan3A_271 : i32
      %scan3A_273 = arith.constant 1 : i32
      scf.for %scan3A_275 = %scan3A_270 to %scan3A_272 step %scan3A_273  : i32 {
        %dma_wait3A_276 = arith.constant 0 : i32
        %dma_wait3A_277 = arith.constant 1 : i32
        %dma_wait3A_278 = arith.constant 0 : i32
        %dma_wait3A_279 = arith.constant 0 : i32
        %dma_wait3A_280 = tpu.memref_slice %arg7[%dma_wait3A_276, %dma_wait3A_278, %dma_wait3A_279] : memref<40x2x128xi32, #tpu.memory_space<vmem>> -> memref<1x2x128xi32, #tpu.memory_space<vmem>>
        %dma_wait3A_281 = tpu.memref_squeeze %dma_wait3A_280 : memref<1x2x128xi32, #tpu.memory_space<vmem>> -> memref<2x128xi32, #tpu.memory_space<vmem>>
        %dma_wait3A_282 = arith.constant 0 : i32
        %dma_wait3A_283 = tpu.memref_slice %dma_wait3A_281[%dma_wait3A_277, %dma_wait3A_282] : memref<2x128xi32, #tpu.memory_space<vmem>> -> memref<1x128xi32, #tpu.memory_space<vmem>>
        %dma_wait3A_284 = tpu.memref_squeeze %dma_wait3A_283 : memref<1x128xi32, #tpu.memory_space<vmem>> -> memref<128xi32, #tpu.memory_space<vmem>>
        %dma_wait3A_285 = arith.constant 0 : i32
        %dma_wait3A_286 = tpu.memref_slice %arg12[%dma_wait3A_285] : memref<10240xf32, #tpu.memory_space<vmem_shared>> -> memref<10240xf32, #tpu.memory_space<vmem_shared>>
        tpu.wait_indirect_dma semaphore(%arg17 : memref<!tpu.dma_semaphore, #tpu.memory_space<semaphore_mem>>) src(%arg10 : memref<128xf32, #tpu.memory_space<vmem>>) dst(%dma_wait3A_286 : memref<10240xf32, #tpu.memory_space<vmem_shared>>)
      }
      %scan3A_274 = arith.constant 40 : i32
    }
    %barrier3A_221 = arith.constant 0 : index
    tpu.barrier barrier_id(%barrier3A_221)
    "tpu.region"() ({
      %run_scoped3A = tpu.sem_alloc : memref<!tpu.dma_semaphore, #tpu.memory_space<semaphore_mem>>
      %dma_start3A_222 = arith.constant 0 : i32
      %dma_start3A_223 = arith.constant 0 : i32
      %dma_start3A_224 = tpu.memref_slice %arg5[%arg0, %dma_start3A_222, %dma_start3A_223] : memref<2x10112x128xf32, #tpu.memory_space<hbm>> -> memref<1x10112x128xf32, #tpu.memory_space<hbm>>
      %dma_start3A_225 = tpu.memref_squeeze %dma_start3A_224 : memref<1x10112x128xf32, #tpu.memory_space<hbm>> -> memref<10112x128xf32, #tpu.memory_space<hbm>>
      %dma_start3A_226 = arith.constant 0 : i32
      %dma_start3A_227 = tpu.memref_slice %dma_start3A_225[%mul3A_39, %dma_start3A_226] : memref<10112x128xf32, #tpu.memory_space<hbm>> -> memref<632x128xf32, #tpu.memory_space<hbm>>
      %dma_start3A_228 = arith.constant 0 : i32
      %dma_start3A_229 = tpu.memref_slice %arg11[%mul3A_39, %dma_start3A_228] : memref<10112x128xf32, #tpu.memory_space<vmem_shared>> -> memref<632x128xf32, #tpu.memory_space<vmem_shared>>
      tpu.enqueue_dma source(%dma_start3A_229 : memref<632x128xf32, #tpu.memory_space<vmem_shared>>) target(%dma_start3A_227 : memref<632x128xf32, #tpu.memory_space<hbm>>) target_semaphore(%run_scoped3A : memref<!tpu.dma_semaphore, #tpu.memory_space<semaphore_mem>>)
      %dma_wait3A_230 = arith.constant 0 : i32
      %dma_wait3A_231 = arith.constant 0 : i32
      %dma_wait3A_232 = tpu.memref_slice %arg5[%arg0, %dma_wait3A_230, %dma_wait3A_231] : memref<2x10112x128xf32, #tpu.memory_space<hbm>> -> memref<1x10112x128xf32, #tpu.memory_space<hbm>>
      %dma_wait3A_233 = tpu.memref_squeeze %dma_wait3A_232 : memref<1x10112x128xf32, #tpu.memory_space<hbm>> -> memref<10112x128xf32, #tpu.memory_space<hbm>>
      %dma_wait3A_234 = arith.constant 0 : i32
      %dma_wait3A_235 = tpu.memref_slice %dma_wait3A_233[%mul3A_39, %dma_wait3A_234] : memref<10112x128xf32, #tpu.memory_space<hbm>> -> memref<632x128xf32, #tpu.memory_space<hbm>>
      %dma_wait3A_236 = arith.constant 0 : i32
      %dma_wait3A_237 = tpu.memref_slice %arg11[%mul3A_39, %dma_wait3A_236] : memref<10112x128xf32, #tpu.memory_space<vmem_shared>> -> memref<632x128xf32, #tpu.memory_space<vmem_shared>>
      tpu.wait_dma2 semaphore(%run_scoped3A : memref<!tpu.dma_semaphore, #tpu.memory_space<semaphore_mem>>) src(%dma_wait3A_237 : memref<632x128xf32, #tpu.memory_space<vmem_shared>>) dst(%dma_wait3A_235 : memref<632x128xf32, #tpu.memory_space<hbm>>)
      tpu.yield
    }) : () -> ()
    "tpu.region"() ({
      %run_scoped3A = tpu.sem_alloc : memref<!tpu.dma_semaphore, #tpu.memory_space<semaphore_mem>>
      %dma_start3A_222 = arith.constant 0 : i32
      %dma_start3A_223 = tpu.memref_slice %arg6[%arg0, %dma_start3A_222] : memref<2x10240xf32, #tpu.memory_space<hbm>> -> memref<1x10240xf32, #tpu.memory_space<hbm>>
      %dma_start3A_224 = tpu.memref_squeeze %dma_start3A_223 : memref<1x10240xf32, #tpu.memory_space<hbm>> -> memref<10240xf32, #tpu.memory_space<hbm>>
      %dma_start3A_225 = tpu.memref_slice %dma_start3A_224[%mul3A_75] : memref<10240xf32, #tpu.memory_space<hbm>> -> memref<640xf32, #tpu.memory_space<hbm>>
      %dma_start3A_226 = tpu.memref_slice %arg12[%mul3A_75] : memref<10240xf32, #tpu.memory_space<vmem_shared>> -> memref<640xf32, #tpu.memory_space<vmem_shared>>
      tpu.enqueue_dma source(%dma_start3A_226 : memref<640xf32, #tpu.memory_space<vmem_shared>>) target(%dma_start3A_225 : memref<640xf32, #tpu.memory_space<hbm>>) target_semaphore(%run_scoped3A : memref<!tpu.dma_semaphore, #tpu.memory_space<semaphore_mem>>)
      %dma_wait3A_227 = arith.constant 0 : i32
      %dma_wait3A_228 = tpu.memref_slice %arg6[%arg0, %dma_wait3A_227] : memref<2x10240xf32, #tpu.memory_space<hbm>> -> memref<1x10240xf32, #tpu.memory_space<hbm>>
      %dma_wait3A_229 = tpu.memref_squeeze %dma_wait3A_228 : memref<1x10240xf32, #tpu.memory_space<hbm>> -> memref<10240xf32, #tpu.memory_space<hbm>>
      %dma_wait3A_230 = tpu.memref_slice %dma_wait3A_229[%mul3A_75] : memref<10240xf32, #tpu.memory_space<hbm>> -> memref<640xf32, #tpu.memory_space<hbm>>
      %dma_wait3A_231 = tpu.memref_slice %arg12[%mul3A_75] : memref<10240xf32, #tpu.memory_space<vmem_shared>> -> memref<640xf32, #tpu.memory_space<vmem_shared>>
      tpu.wait_dma2 semaphore(%run_scoped3A : memref<!tpu.dma_semaphore, #tpu.memory_space<semaphore_mem>>) src(%dma_wait3A_231 : memref<640xf32, #tpu.memory_space<vmem_shared>>) dst(%dma_wait3A_230 : memref<640xf32, #tpu.memory_space<hbm>>)
      tpu.yield
    }) : () -> ()
    return
  }
}

#map = affine_map<(d0, d1) -> (0, 0)>
#map1 = affine_map<(d0, d1) -> (0, 0, 0)>
module attributes {stable_mosaic.version = 14 : i64} {
  func.func @_sc_body(%arg0: i32, %arg1: i32, %arg2: memref<10000x128xf32, #tpu.memory_space<hbm>>, %arg3: memref<2500x2x128xi32, #tpu.memory_space<hbm>>, %arg4: memref<60x2x128xi32, #tpu.memory_space<hbm>>, %arg5: memref<2x10112x128xf32, #tpu.memory_space<hbm>>, %arg6: memref<40x2x128xi32, #tpu.memory_space<vmem>>, %arg7: memref<128x128xf32, #tpu.memory_space<vmem>>, %arg8: memref<128x128xf32, #tpu.memory_space<vmem>>, %arg9: memref<10112x128xf32, #tpu.memory_space<vmem_shared>>, %arg10: memref<!tpu.dma_semaphore, #tpu.memory_space<semaphore_mem>>, %arg11: memref<!tpu.dma_semaphore, #tpu.memory_space<semaphore_mem>>, %arg12: memref<!tpu.dma_semaphore, #tpu.memory_space<semaphore_mem>>, %arg13: memref<!tpu.dma_semaphore, #tpu.memory_space<semaphore_mem>>) attributes {dimension_semantics = [#tpu.dimension_semantics<core_parallel>, #tpu.dimension_semantics<subcore_parallel>], iteration_bounds = array<i64: 2, 16>, scalar_prefetch = 0 : i64, scratch_operands = 8 : i64, tpu.core_type = #tpu.core_type<sc_vector_subcore>, window_params = [{transform_indices = #map}, {transform_indices = #map1}, {transform_indices = #map1}, {transform_indices = #map1}]} {
    %broadcast_in_dim3A = arith.constant 0.000000e+00 : f32
    %broadcast_in_dim3A_0 = vector.broadcast %broadcast_in_dim3A : f32 to vector<16xf32>
    %broadcast_in_dim3A_1 = arith.constant 1.000000e+00 : f32
    %broadcast_in_dim3A_2 = vector.broadcast %broadcast_in_dim3A_1 : f32 to vector<16xf32>
    %scan3A = arith.constant 0 : i32
    %scan3A_3 = arith.constant 0 : i32
    %scan3A_4 = arith.constant 128 : i32
    %scan3A_5 = arith.addi %scan3A_3, %scan3A_4 : i32
    %scan3A_6 = arith.constant 1 : i32
    scf.for %scan3A_89 = %scan3A_3 to %scan3A_5 step %scan3A_6  : i32 {
      %swap3A = arith.index_cast %scan3A_89 : i32 to index
      %swap3A_90 = arith.constant 0 : index
      %swap3A_91 = tpu.vector_load %arg7[%swap3A, %swap3A_90] {strides = array<i32>} : memref<128x128xf32, #tpu.memory_space<vmem>>, vector<1x16xf32>,
      %swap3A_92 = vector.shape_cast %swap3A_91 : vector<1x16xf32> to vector<16xf32>
      %swap3A_93 = vector.shape_cast %broadcast_in_dim3A_0 : vector<16xf32> to vector<1x16xf32>
      tpu.vector_store %arg7[%swap3A, %swap3A_90], %swap3A_93 {strides = array<i32>} : memref<128x128xf32, #tpu.memory_space<vmem>>, vector<1x16xf32>,
      %swap3A_94 = arith.index_cast %scan3A_89 : i32 to index
      %swap3A_95 = arith.constant 16 : index
      %swap3A_96 = tpu.vector_load %arg7[%swap3A_94, %swap3A_95] {strides = array<i32>} : memref<128x128xf32, #tpu.memory_space<vmem>>, vector<1x16xf32>,
      %swap3A_97 = vector.shape_cast %swap3A_96 : vector<1x16xf32> to vector<16xf32>
      %swap3A_98 = vector.shape_cast %broadcast_in_dim3A_0 : vector<16xf32> to vector<1x16xf32>
      tpu.vector_store %arg7[%swap3A_94, %swap3A_95], %swap3A_98 {strides = array<i32>} : memref<128x128xf32, #tpu.memory_space<vmem>>, vector<1x16xf32>,
      %swap3A_99 = arith.index_cast %scan3A_89 : i32 to index
      %swap3A_100 = arith.constant 32 : index
      %swap3A_101 = tpu.vector_load %arg7[%swap3A_99, %swap3A_100] {strides = array<i32>} : memref<128x128xf32, #tpu.memory_space<vmem>>, vector<1x16xf32>,
      %swap3A_102 = vector.shape_cast %swap3A_101 : vector<1x16xf32> to vector<16xf32>
      %swap3A_103 = vector.shape_cast %broadcast_in_dim3A_0 : vector<16xf32> to vector<1x16xf32>
      tpu.vector_store %arg7[%swap3A_99, %swap3A_100], %swap3A_103 {strides = array<i32>} : memref<128x128xf32, #tpu.memory_space<vmem>>, vector<1x16xf32>,
      %swap3A_104 = arith.index_cast %scan3A_89 : i32 to index
      %swap3A_105 = arith.constant 48 : index
      %swap3A_106 = tpu.vector_load %arg7[%swap3A_104, %swap3A_105] {strides = array<i32>} : memref<128x128xf32, #tpu.memory_space<vmem>>, vector<1x16xf32>,
      %swap3A_107 = vector.shape_cast %swap3A_106 : vector<1x16xf32> to vector<16xf32>
      %swap3A_108 = vector.shape_cast %broadcast_in_dim3A_0 : vector<16xf32> to vector<1x16xf32>
      tpu.vector_store %arg7[%swap3A_104, %swap3A_105], %swap3A_108 {strides = array<i32>} : memref<128x128xf32, #tpu.memory_space<vmem>>, vector<1x16xf32>,
      %swap3A_109 = arith.index_cast %scan3A_89 : i32 to index
      %swap3A_110 = arith.constant 64 : index
      %swap3A_111 = tpu.vector_load %arg7[%swap3A_109, %swap3A_110] {strides = array<i32>} : memref<128x128xf32, #tpu.memory_space<vmem>>, vector<1x16xf32>,
      %swap3A_112 = vector.shape_cast %swap3A_111 : vector<1x16xf32> to vector<16xf32>
      %swap3A_113 = vector.shape_cast %broadcast_in_dim3A_0 : vector<16xf32> to vector<1x16xf32>
      tpu.vector_store %arg7[%swap3A_109, %swap3A_110], %swap3A_113 {strides = array<i32>} : memref<128x128xf32, #tpu.memory_space<vmem>>, vector<1x16xf32>,
      %swap3A_114 = arith.index_cast %scan3A_89 : i32 to index
      %swap3A_115 = arith.constant 80 : index
      %swap3A_116 = tpu.vector_load %arg7[%swap3A_114, %swap3A_115] {strides = array<i32>} : memref<128x128xf32, #tpu.memory_space<vmem>>, vector<1x16xf32>,
      %swap3A_117 = vector.shape_cast %swap3A_116 : vector<1x16xf32> to vector<16xf32>
      %swap3A_118 = vector.shape_cast %broadcast_in_dim3A_0 : vector<16xf32> to vector<1x16xf32>
      tpu.vector_store %arg7[%swap3A_114, %swap3A_115], %swap3A_118 {strides = array<i32>} : memref<128x128xf32, #tpu.memory_space<vmem>>, vector<1x16xf32>,
      %swap3A_119 = arith.index_cast %scan3A_89 : i32 to index
      %swap3A_120 = arith.constant 96 : index
      %swap3A_121 = tpu.vector_load %arg7[%swap3A_119, %swap3A_120] {strides = array<i32>} : memref<128x128xf32, #tpu.memory_space<vmem>>, vector<1x16xf32>,
      %swap3A_122 = vector.shape_cast %swap3A_121 : vector<1x16xf32> to vector<16xf32>
      %swap3A_123 = vector.shape_cast %broadcast_in_dim3A_0 : vector<16xf32> to vector<1x16xf32>
      tpu.vector_store %arg7[%swap3A_119, %swap3A_120], %swap3A_123 {strides = array<i32>} : memref<128x128xf32, #tpu.memory_space<vmem>>, vector<1x16xf32>,
      %swap3A_124 = arith.index_cast %scan3A_89 : i32 to index
      %swap3A_125 = arith.constant 112 : index
      %swap3A_126 = tpu.vector_load %arg7[%swap3A_124, %swap3A_125] {strides = array<i32>} : memref<128x128xf32, #tpu.memory_space<vmem>>, vector<1x16xf32>,
      %swap3A_127 = vector.shape_cast %swap3A_126 : vector<1x16xf32> to vector<16xf32>
      %swap3A_128 = vector.shape_cast %broadcast_in_dim3A_0 : vector<16xf32> to vector<1x16xf32>
      tpu.vector_store %arg7[%swap3A_124, %swap3A_125], %swap3A_128 {strides = array<i32>} : memref<128x128xf32, #tpu.memory_space<vmem>>, vector<1x16xf32>,
    }
    %scan3A_7 = arith.constant 128 : i32
    %mul3A = arith.constant 632 : i32
    %mul3A_8 = arith.muli %arg1, %mul3A : i32
    %add3A = arith.constant 0 : i32
    %add3A_9 = arith.addi %mul3A_8, %add3A : i32
    %dma_start3A = arith.constant 0 : i32
    %dma_start3A_10 = tpu.memref_slice %arg9[%add3A_9, %dma_start3A] : memref<10112x128xf32, #tpu.memory_space<vmem_shared>> -> memref<128x128xf32, #tpu.memory_space<vmem_shared>>
    %dma_start3A_11 = arith.constant 0 : i32
    %dma_start3A_12 = tpu.memref_slice %arg9[%add3A_9, %dma_start3A_11] : memref<10112x128xf32, #tpu.memory_space<vmem_shared>> -> memref<128x128xf32, #tpu.memory_space<vmem_shared>>
    tpu.enqueue_dma source(%arg7 : memref<128x128xf32, #tpu.memory_space<vmem>>) target(%dma_start3A_12 : memref<128x128xf32, #tpu.memory_space<vmem_shared>>) target_semaphore(%arg12 : memref<!tpu.dma_semaphore, #tpu.memory_space<semaphore_mem>>)
    %add3A_13 = arith.constant 128 : i32
    %add3A_14 = arith.addi %mul3A_8, %add3A_13 : i32
    %dma_start3A_15 = arith.constant 0 : i32
    %dma_start3A_16 = tpu.memref_slice %arg9[%add3A_14, %dma_start3A_15] : memref<10112x128xf32, #tpu.memory_space<vmem_shared>> -> memref<128x128xf32, #tpu.memory_space<vmem_shared>>
    %dma_start3A_17 = arith.constant 0 : i32
    %dma_start3A_18 = tpu.memref_slice %arg9[%add3A_14, %dma_start3A_17] : memref<10112x128xf32, #tpu.memory_space<vmem_shared>> -> memref<128x128xf32, #tpu.memory_space<vmem_shared>>
    tpu.enqueue_dma source(%arg7 : memref<128x128xf32, #tpu.memory_space<vmem>>) target(%dma_start3A_18 : memref<128x128xf32, #tpu.memory_space<vmem_shared>>) target_semaphore(%arg12 : memref<!tpu.dma_semaphore, #tpu.memory_space<semaphore_mem>>)
    %add3A_19 = arith.constant 256 : i32
    %add3A_20 = arith.addi %mul3A_8, %add3A_19 : i32
    %dma_start3A_21 = arith.constant 0 : i32
    %dma_start3A_22 = tpu.memref_slice %arg9[%add3A_20, %dma_start3A_21] : memref<10112x128xf32, #tpu.memory_space<vmem_shared>> -> memref<128x128xf32, #tpu.memory_space<vmem_shared>>
    %dma_start3A_23 = arith.constant 0 : i32
    %dma_start3A_24 = tpu.memref_slice %arg9[%add3A_20, %dma_start3A_23] : memref<10112x128xf32, #tpu.memory_space<vmem_shared>> -> memref<128x128xf32, #tpu.memory_space<vmem_shared>>
    tpu.enqueue_dma source(%arg7 : memref<128x128xf32, #tpu.memory_space<vmem>>) target(%dma_start3A_24 : memref<128x128xf32, #tpu.memory_space<vmem_shared>>) target_semaphore(%arg12 : memref<!tpu.dma_semaphore, #tpu.memory_space<semaphore_mem>>)
    %add3A_25 = arith.constant 384 : i32
    %add3A_26 = arith.addi %mul3A_8, %add3A_25 : i32
    %dma_start3A_27 = arith.constant 0 : i32
    %dma_start3A_28 = tpu.memref_slice %arg9[%add3A_26, %dma_start3A_27] : memref<10112x128xf32, #tpu.memory_space<vmem_shared>> -> memref<128x128xf32, #tpu.memory_space<vmem_shared>>
    %dma_start3A_29 = arith.constant 0 : i32
    %dma_start3A_30 = tpu.memref_slice %arg9[%add3A_26, %dma_start3A_29] : memref<10112x128xf32, #tpu.memory_space<vmem_shared>> -> memref<128x128xf32, #tpu.memory_space<vmem_shared>>
    tpu.enqueue_dma source(%arg7 : memref<128x128xf32, #tpu.memory_space<vmem>>) target(%dma_start3A_30 : memref<128x128xf32, #tpu.memory_space<vmem_shared>>) target_semaphore(%arg12 : memref<!tpu.dma_semaphore, #tpu.memory_space<semaphore_mem>>)
    %add3A_31 = arith.constant 512 : i32
    %add3A_32 = arith.addi %mul3A_8, %add3A_31 : i32
    %dma_start3A_33 = arith.constant 0 : i32
    %dma_start3A_34 = arith.constant 0 : i32
    %dma_start3A_35 = tpu.memref_slice %arg7[%dma_start3A_33, %dma_start3A_34] : memref<128x128xf32, #tpu.memory_space<vmem>> -> memref<120x128xf32, #tpu.memory_space<vmem>>
    %dma_start3A_36 = arith.constant 0 : i32
    %dma_start3A_37 = tpu.memref_slice %arg9[%add3A_32, %dma_start3A_36] : memref<10112x128xf32, #tpu.memory_space<vmem_shared>> -> memref<120x128xf32, #tpu.memory_space<vmem_shared>>
    %dma_start3A_38 = arith.constant 0 : i32
    %dma_start3A_39 = tpu.memref_slice %arg9[%add3A_32, %dma_start3A_38] : memref<10112x128xf32, #tpu.memory_space<vmem_shared>> -> memref<120x128xf32, #tpu.memory_space<vmem_shared>>
    %dma_start3A_40 = arith.constant 0 : i32
    %dma_start3A_41 = arith.constant 0 : i32
    %dma_start3A_42 = tpu.memref_slice %arg7[%dma_start3A_40, %dma_start3A_41] : memref<128x128xf32, #tpu.memory_space<vmem>> -> memref<120x128xf32, #tpu.memory_space<vmem>>
    tpu.enqueue_dma source(%dma_start3A_42 : memref<120x128xf32, #tpu.memory_space<vmem>>) target(%dma_start3A_39 : memref<120x128xf32, #tpu.memory_space<vmem_shared>>) target_semaphore(%arg12 : memref<!tpu.dma_semaphore, #tpu.memory_space<semaphore_mem>>)
    %dma_wait3A = arith.constant 0 : i32
    %dma_wait3A_43 = tpu.memref_slice %arg9[%add3A_9, %dma_wait3A] : memref<10112x128xf32, #tpu.memory_space<vmem_shared>> -> memref<128x128xf32, #tpu.memory_space<vmem_shared>>
    %dma_wait3A_44 = arith.constant 0 : i32
    %dma_wait3A_45 = tpu.memref_slice %arg9[%add3A_9, %dma_wait3A_44] : memref<10112x128xf32, #tpu.memory_space<vmem_shared>> -> memref<128x128xf32, #tpu.memory_space<vmem_shared>>
    tpu.wait_dma2 semaphore(%arg12 : memref<!tpu.dma_semaphore, #tpu.memory_space<semaphore_mem>>) src(%arg7 : memref<128x128xf32, #tpu.memory_space<vmem>>) dst(%dma_wait3A_45 : memref<128x128xf32, #tpu.memory_space<vmem_shared>>)
    %dma_wait3A_46 = arith.constant 0 : i32
    %dma_wait3A_47 = tpu.memref_slice %arg9[%add3A_14, %dma_wait3A_46] : memref<10112x128xf32, #tpu.memory_space<vmem_shared>> -> memref<128x128xf32, #tpu.memory_space<vmem_shared>>
    %dma_wait3A_48 = arith.constant 0 : i32
    %dma_wait3A_49 = tpu.memref_slice %arg9[%add3A_14, %dma_wait3A_48] : memref<10112x128xf32, #tpu.memory_space<vmem_shared>> -> memref<128x128xf32, #tpu.memory_space<vmem_shared>>
    tpu.wait_dma2 semaphore(%arg12 : memref<!tpu.dma_semaphore, #tpu.memory_space<semaphore_mem>>) src(%arg7 : memref<128x128xf32, #tpu.memory_space<vmem>>) dst(%dma_wait3A_49 : memref<128x128xf32, #tpu.memory_space<vmem_shared>>)
    %dma_wait3A_50 = arith.constant 0 : i32
    %dma_wait3A_51 = tpu.memref_slice %arg9[%add3A_20, %dma_wait3A_50] : memref<10112x128xf32, #tpu.memory_space<vmem_shared>> -> memref<128x128xf32, #tpu.memory_space<vmem_shared>>
    %dma_wait3A_52 = arith.constant 0 : i32
    %dma_wait3A_53 = tpu.memref_slice %arg9[%add3A_20, %dma_wait3A_52] : memref<10112x128xf32, #tpu.memory_space<vmem_shared>> -> memref<128x128xf32, #tpu.memory_space<vmem_shared>>
    tpu.wait_dma2 semaphore(%arg12 : memref<!tpu.dma_semaphore, #tpu.memory_space<semaphore_mem>>) src(%arg7 : memref<128x128xf32, #tpu.memory_space<vmem>>) dst(%dma_wait3A_53 : memref<128x128xf32, #tpu.memory_space<vmem_shared>>)
    %dma_wait3A_54 = arith.constant 0 : i32
    %dma_wait3A_55 = tpu.memref_slice %arg9[%add3A_26, %dma_wait3A_54] : memref<10112x128xf32, #tpu.memory_space<vmem_shared>> -> memref<128x128xf32, #tpu.memory_space<vmem_shared>>
    %dma_wait3A_56 = arith.constant 0 : i32
    %dma_wait3A_57 = tpu.memref_slice %arg9[%add3A_26, %dma_wait3A_56] : memref<10112x128xf32, #tpu.memory_space<vmem_shared>> -> memref<128x128xf32, #tpu.memory_space<vmem_shared>>
    tpu.wait_dma2 semaphore(%arg12 : memref<!tpu.dma_semaphore, #tpu.memory_space<semaphore_mem>>) src(%arg7 : memref<128x128xf32, #tpu.memory_space<vmem>>) dst(%dma_wait3A_57 : memref<128x128xf32, #tpu.memory_space<vmem_shared>>)
    %dma_wait3A_58 = arith.constant 0 : i32
    %dma_wait3A_59 = arith.constant 0 : i32
    %dma_wait3A_60 = tpu.memref_slice %arg7[%dma_wait3A_58, %dma_wait3A_59] : memref<128x128xf32, #tpu.memory_space<vmem>> -> memref<120x128xf32, #tpu.memory_space<vmem>>
    %dma_wait3A_61 = arith.constant 0 : i32
    %dma_wait3A_62 = tpu.memref_slice %arg9[%add3A_32, %dma_wait3A_61] : memref<10112x128xf32, #tpu.memory_space<vmem_shared>> -> memref<120x128xf32, #tpu.memory_space<vmem_shared>>
    %dma_wait3A_63 = arith.constant 0 : i32
    %dma_wait3A_64 = tpu.memref_slice %arg9[%add3A_32, %dma_wait3A_63] : memref<10112x128xf32, #tpu.memory_space<vmem_shared>> -> memref<120x128xf32, #tpu.memory_space<vmem_shared>>
    %dma_wait3A_65 = arith.constant 0 : i32
    %dma_wait3A_66 = arith.constant 0 : i32
    %dma_wait3A_67 = tpu.memref_slice %arg7[%dma_wait3A_65, %dma_wait3A_66] : memref<128x128xf32, #tpu.memory_space<vmem>> -> memref<120x128xf32, #tpu.memory_space<vmem>>
    tpu.wait_dma2 semaphore(%arg12 : memref<!tpu.dma_semaphore, #tpu.memory_space<semaphore_mem>>) src(%dma_wait3A_67 : memref<120x128xf32, #tpu.memory_space<vmem>>) dst(%dma_wait3A_64 : memref<120x128xf32, #tpu.memory_space<vmem_shared>>)
    %barrier3A = arith.constant 0 : index
    tpu.barrier barrier_id(%barrier3A)
    %eq3A = arith.constant 0 : i32
    %eq3A_68 = arith.cmpi eq, %arg0, %eq3A : i32
    %jit3A = arith.constant 2 : i32
    %jit3A_69 = arith.constant 2 : i32
    %select_n3A = arith.select %eq3A_68, %jit3A, %jit3A_69 : i32
    %eq3A_70 = arith.constant 0 : i32
    %eq3A_71 = arith.cmpi eq, %arg0, %eq3A_70 : i32
    %mul3A_72 = arith.constant 80 : i32
    %mul3A_73 = arith.muli %arg1, %mul3A_72 : i32
    %mul3A_74 = arith.constant 80 : i32
    %mul3A_75 = arith.muli %arg1, %mul3A_74 : i32
    %add3A_76 = arith.constant 1280 : i32
    %add3A_77 = arith.addi %add3A_76, %mul3A_75 : i32
    %select_n3A_78 = arith.select %eq3A_71, %mul3A_73, %add3A_77 : i32
    %while3A = arith.constant 0 : i32
    %while3A_79 = arith.constant 0 : i32
    %while3A_80 = arith.subi %select_n3A, %while3A_79 : i32
    %while3A_81 = arith.addi %while3A_79, %while3A_80 : i32
    %while3A_82 = arith.constant 1 : i32
    %while3A_83 = arith.divsi %while3A_80, %while3A_82 : i32
    %while3A_84 = arith.muli %while3A_83, %while3A_82 : i32
    %while3A_85 = arith.addi %while3A_79, %while3A_84 : i32
    %while3A_86 = arith.constant 1 : i32
    scf.for %while3A_89 = %while3A_79 to %while3A_85 step %while3A_86  : i32 {
      %mul3A_90 = arith.constant 40 : i32
      %mul3A_91 = arith.muli %while3A_89, %mul3A_90 : i32
      %add3A_92 = arith.addi %select_n3A_78, %mul3A_91 : i32
      %add3A_93 = arith.constant 40 : i32
      %add3A_94 = arith.addi %add3A_92, %add3A_93 : i32
      %le3A = arith.constant 2500 : i32
      %le3A_95 = arith.cmpi sle, %add3A_94, %le3A : i32
      %convert_element_type3A = arith.extui %le3A_95 : i1 to i32
      %cond3A = arith.constant 0 : i32
      %cond3A_96 = arith.cmpi ne, %convert_element_type3A, %cond3A : i32
      scf.if %cond3A_96 {
        "tpu.region"() ({
          %run_scoped3A = tpu.sem_alloc : memref<!tpu.dma_semaphore, #tpu.memory_space<semaphore_mem>>
          %dma_start3A_136 = arith.constant 0 : i32
          %dma_start3A_137 = arith.constant 0 : i32
          %dma_start3A_138 = tpu.memref_slice %arg3[%add3A_92, %dma_start3A_136, %dma_start3A_137] : memref<2500x2x128xi32, #tpu.memory_space<hbm>> -> memref<40x2x128xi32, #tpu.memory_space<hbm>>
          %dma_start3A_139 = arith.constant 0 : i32
          %dma_start3A_140 = arith.constant 0 : i32
          %dma_start3A_141 = tpu.memref_slice %arg3[%add3A_92, %dma_start3A_139, %dma_start3A_140] : memref<2500x2x128xi32, #tpu.memory_space<hbm>> -> memref<40x2x128xi32, #tpu.memory_space<hbm>>
          tpu.enqueue_dma source(%dma_start3A_141 : memref<40x2x128xi32, #tpu.memory_space<hbm>>) target(%arg6 : memref<40x2x128xi32, #tpu.memory_space<vmem>>) target_semaphore(%run_scoped3A : memref<!tpu.dma_semaphore, #tpu.memory_space<semaphore_mem>>)
          %dma_wait3A_142 = arith.constant 0 : i32
          %dma_wait3A_143 = arith.constant 0 : i32
          %dma_wait3A_144 = tpu.memref_slice %arg3[%add3A_92, %dma_wait3A_142, %dma_wait3A_143] : memref<2500x2x128xi32, #tpu.memory_space<hbm>> -> memref<40x2x128xi32, #tpu.memory_space<hbm>>
          %dma_wait3A_145 = arith.constant 0 : i32
          %dma_wait3A_146 = arith.constant 0 : i32
          %dma_wait3A_147 = tpu.memref_slice %arg3[%add3A_92, %dma_wait3A_145, %dma_wait3A_146] : memref<2500x2x128xi32, #tpu.memory_space<hbm>> -> memref<40x2x128xi32, #tpu.memory_space<hbm>>
          tpu.wait_dma2 semaphore(%run_scoped3A : memref<!tpu.dma_semaphore, #tpu.memory_space<semaphore_mem>>) src(%dma_wait3A_147 : memref<40x2x128xi32, #tpu.memory_space<hbm>>) dst(%arg6 : memref<40x2x128xi32, #tpu.memory_space<vmem>>)
          tpu.yield
        }) : () -> ()
      } else {
      }
      %eq3A_97 = arith.constant 2480 : i32
      %eq3A_98 = arith.cmpi eq, %add3A_92, %eq3A_97 : i32
      %convert_element_type3A_99 = arith.extui %eq3A_98 : i1 to i32
      %cond3A_100 = arith.constant 0 : i32
      %cond3A_101 = arith.cmpi ne, %convert_element_type3A_99, %cond3A_100 : i32
      scf.if %cond3A_101 {
        "tpu.region"() ({
          %run_scoped3A = tpu.sem_alloc : memref<!tpu.dma_semaphore, #tpu.memory_space<semaphore_mem>>
          %dma_start3A_136 = arith.constant 0 : i32
          %dma_start3A_137 = arith.constant 0 : i32
          %dma_start3A_138 = arith.constant 0 : i32
          %dma_start3A_139 = tpu.memref_slice %arg6[%dma_start3A_136, %dma_start3A_137, %dma_start3A_138] : memref<40x2x128xi32, #tpu.memory_space<vmem>> -> memref<20x2x128xi32, #tpu.memory_space<vmem>>
          %dma_start3A_140 = arith.constant 2480 : i32
          %dma_start3A_141 = arith.constant 0 : i32
          %dma_start3A_142 = arith.constant 0 : i32
          %dma_start3A_143 = tpu.memref_slice %arg3[%dma_start3A_140, %dma_start3A_141, %dma_start3A_142] : memref<2500x2x128xi32, #tpu.memory_space<hbm>> -> memref<20x2x128xi32, #tpu.memory_space<hbm>>
          %dma_start3A_144 = arith.constant 0 : i32
          %dma_start3A_145 = arith.constant 0 : i32
          %dma_start3A_146 = arith.constant 0 : i32
          %dma_start3A_147 = tpu.memref_slice %arg6[%dma_start3A_144, %dma_start3A_145, %dma_start3A_146] : memref<40x2x128xi32, #tpu.memory_space<vmem>> -> memref<20x2x128xi32, #tpu.memory_space<vmem>>
          %dma_start3A_148 = arith.constant 2480 : i32
          %dma_start3A_149 = arith.constant 0 : i32
          %dma_start3A_150 = arith.constant 0 : i32
          %dma_start3A_151 = tpu.memref_slice %arg3[%dma_start3A_148, %dma_start3A_149, %dma_start3A_150] : memref<2500x2x128xi32, #tpu.memory_space<hbm>> -> memref<20x2x128xi32, #tpu.memory_space<hbm>>
          tpu.enqueue_dma source(%dma_start3A_151 : memref<20x2x128xi32, #tpu.memory_space<hbm>>) target(%dma_start3A_147 : memref<20x2x128xi32, #tpu.memory_space<vmem>>) target_semaphore(%run_scoped3A : memref<!tpu.dma_semaphore, #tpu.memory_space<semaphore_mem>>)
          %dma_wait3A_152 = arith.constant 0 : i32
          %dma_wait3A_153 = arith.constant 0 : i32
          %dma_wait3A_154 = arith.constant 0 : i32
          %dma_wait3A_155 = tpu.memref_slice %arg6[%dma_wait3A_152, %dma_wait3A_153, %dma_wait3A_154] : memref<40x2x128xi32, #tpu.memory_space<vmem>> -> memref<20x2x128xi32, #tpu.memory_space<vmem>>
          %dma_wait3A_156 = arith.constant 2480 : i32
          %dma_wait3A_157 = arith.constant 0 : i32
          %dma_wait3A_158 = arith.constant 0 : i32
          %dma_wait3A_159 = tpu.memref_slice %arg3[%dma_wait3A_156, %dma_wait3A_157, %dma_wait3A_158] : memref<2500x2x128xi32, #tpu.memory_space<hbm>> -> memref<20x2x128xi32, #tpu.memory_space<hbm>>
          %dma_wait3A_160 = arith.constant 0 : i32
          %dma_wait3A_161 = arith.constant 0 : i32
          %dma_wait3A_162 = arith.constant 0 : i32
          %dma_wait3A_163 = tpu.memref_slice %arg6[%dma_wait3A_160, %dma_wait3A_161, %dma_wait3A_162] : memref<40x2x128xi32, #tpu.memory_space<vmem>> -> memref<20x2x128xi32, #tpu.memory_space<vmem>>
          %dma_wait3A_164 = arith.constant 2480 : i32
          %dma_wait3A_165 = arith.constant 0 : i32
          %dma_wait3A_166 = arith.constant 0 : i32
          %dma_wait3A_167 = tpu.memref_slice %arg3[%dma_wait3A_164, %dma_wait3A_165, %dma_wait3A_166] : memref<2500x2x128xi32, #tpu.memory_space<hbm>> -> memref<20x2x128xi32, #tpu.memory_space<hbm>>
          tpu.wait_dma2 semaphore(%run_scoped3A : memref<!tpu.dma_semaphore, #tpu.memory_space<semaphore_mem>>) src(%dma_wait3A_167 : memref<20x2x128xi32, #tpu.memory_space<hbm>>) dst(%dma_wait3A_163 : memref<20x2x128xi32, #tpu.memory_space<vmem>>)
          tpu.yield
        }) : () -> ()
        "tpu.region"() ({
          %run_scoped3A = tpu.sem_alloc : memref<!tpu.dma_semaphore, #tpu.memory_space<semaphore_mem>>
          %dma_start3A_136 = arith.constant 20 : i32
          %dma_start3A_137 = arith.constant 0 : i32
          %dma_start3A_138 = arith.constant 0 : i32
          %dma_start3A_139 = tpu.memref_slice %arg6[%dma_start3A_136, %dma_start3A_137, %dma_start3A_138] : memref<40x2x128xi32, #tpu.memory_space<vmem>> -> memref<20x2x128xi32, #tpu.memory_space<vmem>>
          %dma_start3A_140 = arith.constant 0 : i32
          %dma_start3A_141 = arith.constant 0 : i32
          %dma_start3A_142 = arith.constant 0 : i32
          %dma_start3A_143 = tpu.memref_slice %arg4[%dma_start3A_140, %dma_start3A_141, %dma_start3A_142] : memref<60x2x128xi32, #tpu.memory_space<hbm>> -> memref<20x2x128xi32, #tpu.memory_space<hbm>>
          %dma_start3A_144 = arith.constant 20 : i32
          %dma_start3A_145 = arith.constant 0 : i32
          %dma_start3A_146 = arith.constant 0 : i32
          %dma_start3A_147 = tpu.memref_slice %arg6[%dma_start3A_144, %dma_start3A_145, %dma_start3A_146] : memref<40x2x128xi32, #tpu.memory_space<vmem>> -> memref<20x2x128xi32, #tpu.memory_space<vmem>>
          %dma_start3A_148 = arith.constant 0 : i32
          %dma_start3A_149 = arith.constant 0 : i32
          %dma_start3A_150 = arith.constant 0 : i32
          %dma_start3A_151 = tpu.memref_slice %arg4[%dma_start3A_148, %dma_start3A_149, %dma_start3A_150] : memref<60x2x128xi32, #tpu.memory_space<hbm>> -> memref<20x2x128xi32, #tpu.memory_space<hbm>>
          tpu.enqueue_dma source(%dma_start3A_151 : memref<20x2x128xi32, #tpu.memory_space<hbm>>) target(%dma_start3A_147 : memref<20x2x128xi32, #tpu.memory_space<vmem>>) target_semaphore(%run_scoped3A : memref<!tpu.dma_semaphore, #tpu.memory_space<semaphore_mem>>)
          %dma_wait3A_152 = arith.constant 20 : i32
          %dma_wait3A_153 = arith.constant 0 : i32
          %dma_wait3A_154 = arith.constant 0 : i32
          %dma_wait3A_155 = tpu.memref_slice %arg6[%dma_wait3A_152, %dma_wait3A_153, %dma_wait3A_154] : memref<40x2x128xi32, #tpu.memory_space<vmem>> -> memref<20x2x128xi32, #tpu.memory_space<vmem>>
          %dma_wait3A_156 = arith.constant 0 : i32
          %dma_wait3A_157 = arith.constant 0 : i32
          %dma_wait3A_158 = arith.constant 0 : i32
          %dma_wait3A_159 = tpu.memref_slice %arg4[%dma_wait3A_156, %dma_wait3A_157, %dma_wait3A_158] : memref<60x2x128xi32, #tpu.memory_space<hbm>> -> memref<20x2x128xi32, #tpu.memory_space<hbm>>
          %dma_wait3A_160 = arith.constant 20 : i32
          %dma_wait3A_161 = arith.constant 0 : i32
          %dma_wait3A_162 = arith.constant 0 : i32
          %dma_wait3A_163 = tpu.memref_slice %arg6[%dma_wait3A_160, %dma_wait3A_161, %dma_wait3A_162] : memref<40x2x128xi32, #tpu.memory_space<vmem>> -> memref<20x2x128xi32, #tpu.memory_space<vmem>>
          %dma_wait3A_164 = arith.constant 0 : i32
          %dma_wait3A_165 = arith.constant 0 : i32
          %dma_wait3A_166 = arith.constant 0 : i32
          %dma_wait3A_167 = tpu.memref_slice %arg4[%dma_wait3A_164, %dma_wait3A_165, %dma_wait3A_166] : memref<60x2x128xi32, #tpu.memory_space<hbm>> -> memref<20x2x128xi32, #tpu.memory_space<hbm>>
          tpu.wait_dma2 semaphore(%run_scoped3A : memref<!tpu.dma_semaphore, #tpu.memory_space<semaphore_mem>>) src(%dma_wait3A_167 : memref<20x2x128xi32, #tpu.memory_space<hbm>>) dst(%dma_wait3A_163 : memref<20x2x128xi32, #tpu.memory_space<vmem>>)
          tpu.yield
        }) : () -> ()
      } else {
      }
      %ge3A = arith.constant 2520 : i32
      %ge3A_102 = arith.cmpi sge, %add3A_92, %ge3A : i32
      %convert_element_type3A_103 = arith.extui %ge3A_102 : i1 to i32
      %cond3A_104 = arith.constant 0 : i32
      %cond3A_105 = arith.cmpi ne, %convert_element_type3A_103, %cond3A_104 : i32
      scf.if %cond3A_105 {
        %sub3A = arith.constant 2500 : i32
        %sub3A_136 = arith.subi %add3A_92, %sub3A : i32
        "tpu.region"() ({
          %run_scoped3A = tpu.sem_alloc : memref<!tpu.dma_semaphore, #tpu.memory_space<semaphore_mem>>
          %dma_start3A_137 = arith.constant 0 : i32
          %dma_start3A_138 = arith.constant 0 : i32
          %dma_start3A_139 = tpu.memref_slice %arg4[%sub3A_136, %dma_start3A_137, %dma_start3A_138] : memref<60x2x128xi32, #tpu.memory_space<hbm>> -> memref<40x2x128xi32, #tpu.memory_space<hbm>>
          %dma_start3A_140 = arith.constant 0 : i32
          %dma_start3A_141 = arith.constant 0 : i32
          %dma_start3A_142 = tpu.memref_slice %arg4[%sub3A_136, %dma_start3A_140, %dma_start3A_141] : memref<60x2x128xi32, #tpu.memory_space<hbm>> -> memref<40x2x128xi32, #tpu.memory_space<hbm>>
          tpu.enqueue_dma source(%dma_start3A_142 : memref<40x2x128xi32, #tpu.memory_space<hbm>>) target(%arg6 : memref<40x2x128xi32, #tpu.memory_space<vmem>>) target_semaphore(%run_scoped3A : memref<!tpu.dma_semaphore, #tpu.memory_space<semaphore_mem>>)
          %dma_wait3A_143 = arith.constant 0 : i32
          %dma_wait3A_144 = arith.constant 0 : i32
          %dma_wait3A_145 = tpu.memref_slice %arg4[%sub3A_136, %dma_wait3A_143, %dma_wait3A_144] : memref<60x2x128xi32, #tpu.memory_space<hbm>> -> memref<40x2x128xi32, #tpu.memory_space<hbm>>
          %dma_wait3A_146 = arith.constant 0 : i32
          %dma_wait3A_147 = arith.constant 0 : i32
          %dma_wait3A_148 = tpu.memref_slice %arg4[%sub3A_136, %dma_wait3A_146, %dma_wait3A_147] : memref<60x2x128xi32, #tpu.memory_space<hbm>> -> memref<40x2x128xi32, #tpu.memory_space<hbm>>
          tpu.wait_dma2 semaphore(%run_scoped3A : memref<!tpu.dma_semaphore, #tpu.memory_space<semaphore_mem>>) src(%dma_wait3A_148 : memref<40x2x128xi32, #tpu.memory_space<hbm>>) dst(%arg6 : memref<40x2x128xi32, #tpu.memory_space<vmem>>)
          tpu.yield
        }) : () -> ()
      } else {
      }
      %dma_start3A_106 = arith.constant 0 : i32
      %dma_start3A_107 = arith.constant 0 : i32
      %dma_start3A_108 = arith.constant 0 : i32
      %dma_start3A_109 = arith.constant 0 : i32
      %dma_start3A_110 = tpu.memref_slice %arg6[%dma_start3A_106, %dma_start3A_108, %dma_start3A_109] : memref<40x2x128xi32, #tpu.memory_space<vmem>> -> memref<1x2x128xi32, #tpu.memory_space<vmem>>
      %dma_start3A_111 = tpu.memref_squeeze %dma_start3A_110 : memref<1x2x128xi32, #tpu.memory_space<vmem>> -> memref<2x128xi32, #tpu.memory_space<vmem>>
      %dma_start3A_112 = arith.constant 0 : i32
      %dma_start3A_113 = tpu.memref_slice %dma_start3A_111[%dma_start3A_107, %dma_start3A_112] : memref<2x128xi32, #tpu.memory_space<vmem>> -> memref<1x128xi32, #tpu.memory_space<vmem>>
      %dma_start3A_114 = tpu.memref_squeeze %dma_start3A_113 : memref<1x128xi32, #tpu.memory_space<vmem>> -> memref<128xi32, #tpu.memory_space<vmem>>
      %dma_start3A_115 = arith.constant 0 : i32
      %dma_start3A_116 = arith.constant 0 : i32
      %dma_start3A_117 = tpu.memref_slice %arg2[%dma_start3A_115, %dma_start3A_116] : memref<10000x128xf32, #tpu.memory_space<hbm>> -> memref<10000x128xf32, #tpu.memory_space<hbm>>
      tpu.enqueue_indirect_dma source(%dma_start3A_117 : memref<10000x128xf32, #tpu.memory_space<hbm>>) target(%arg7 : memref<128x128xf32, #tpu.memory_space<vmem>>) offsets(%dma_start3A_114 : memref<128xi32, #tpu.memory_space<vmem>>) semaphore(%arg10 : memref<!tpu.dma_semaphore, #tpu.memory_space<semaphore_mem>>)
      %scan3A_118 = arith.constant 0 : i32
      %scan3A_119 = arith.constant 0 : i32
      %scan3A_120 = arith.constant 20 : i32
      %scan3A_121 = arith.addi %scan3A_119, %scan3A_120 : i32
      %scan3A_122 = arith.constant 1 : i32
      scf.for %scan3A_136 = %scan3A_119 to %scan3A_121 step %scan3A_122  : i32 {
        %mul3A_137 = arith.constant 2 : i32
        %mul3A_138 = arith.muli %mul3A_137, %scan3A_136 : i32
        %add3A_139 = arith.constant 1 : i32
        %add3A_140 = arith.addi %mul3A_138, %add3A_139 : i32
        %gt3A = arith.constant 0 : i32
        %gt3A_141 = arith.cmpi sgt, %scan3A_136, %gt3A : i32
        %convert_element_type3A_142 = arith.extui %gt3A_141 : i1 to i32
        %cond3A_143 = arith.constant 0 : i32
        %cond3A_144 = arith.cmpi ne, %convert_element_type3A_142, %cond3A_143 : i32
        scf.if %cond3A_144 {
          %sub3A = arith.constant 1 : i32
          %sub3A_217 = arith.subi %mul3A_138, %sub3A : i32
          %dma_wait3A_218 = arith.constant 1 : i32
          %dma_wait3A_219 = arith.constant 0 : i32
          %dma_wait3A_220 = arith.constant 0 : i32
          %dma_wait3A_221 = tpu.memref_slice %arg6[%sub3A_217, %dma_wait3A_219, %dma_wait3A_220] : memref<40x2x128xi32, #tpu.memory_space<vmem>> -> memref<1x2x128xi32, #tpu.memory_space<vmem>>
          %dma_wait3A_222 = tpu.memref_squeeze %dma_wait3A_221 : memref<1x2x128xi32, #tpu.memory_space<vmem>> -> memref<2x128xi32, #tpu.memory_space<vmem>>
          %dma_wait3A_223 = arith.constant 0 : i32
          %dma_wait3A_224 = tpu.memref_slice %dma_wait3A_222[%dma_wait3A_218, %dma_wait3A_223] : memref<2x128xi32, #tpu.memory_space<vmem>> -> memref<1x128xi32, #tpu.memory_space<vmem>>
          %dma_wait3A_225 = tpu.memref_squeeze %dma_wait3A_224 : memref<1x128xi32, #tpu.memory_space<vmem>> -> memref<128xi32, #tpu.memory_space<vmem>>
          %dma_wait3A_226 = arith.constant 0 : i32
          %dma_wait3A_227 = arith.constant 0 : i32
          %dma_wait3A_228 = tpu.memref_slice %arg9[%dma_wait3A_226, %dma_wait3A_227] : memref<10112x128xf32, #tpu.memory_space<vmem_shared>> -> memref<10112x128xf32, #tpu.memory_space<vmem_shared>>
          tpu.wait_indirect_dma semaphore(%arg13 : memref<!tpu.dma_semaphore, #tpu.memory_space<semaphore_mem>>) src(%arg8 : memref<128x128xf32, #tpu.memory_space<vmem>>) dst(%dma_wait3A_228 : memref<10112x128xf32, #tpu.memory_space<vmem_shared>>)
        } else {
        }
        %dma_start3A_145 = arith.constant 0 : i32
        %dma_start3A_146 = arith.constant 0 : i32
        %dma_start3A_147 = arith.constant 0 : i32
        %dma_start3A_148 = tpu.memref_slice %arg6[%add3A_140, %dma_start3A_146, %dma_start3A_147] : memref<40x2x128xi32, #tpu.memory_space<vmem>> -> memref<1x2x128xi32, #tpu.memory_space<vmem>>
        %dma_start3A_149 = tpu.memref_squeeze %dma_start3A_148 : memref<1x2x128xi32, #tpu.memory_space<vmem>> -> memref<2x128xi32, #tpu.memory_space<vmem>>
        %dma_start3A_150 = arith.constant 0 : i32
        %dma_start3A_151 = tpu.memref_slice %dma_start3A_149[%dma_start3A_145, %dma_start3A_150] : memref<2x128xi32, #tpu.memory_space<vmem>> -> memref<1x128xi32, #tpu.memory_space<vmem>>
        %dma_start3A_152 = tpu.memref_squeeze %dma_start3A_151 : memref<1x128xi32, #tpu.memory_space<vmem>> -> memref<128xi32, #tpu.memory_space<vmem>>
        %dma_start3A_153 = arith.constant 0 : i32
        %dma_start3A_154 = arith.constant 0 : i32
        %dma_start3A_155 = tpu.memref_slice %arg2[%dma_start3A_153, %dma_start3A_154] : memref<10000x128xf32, #tpu.memory_space<hbm>> -> memref<10000x128xf32, #tpu.memory_space<hbm>>
        tpu.enqueue_indirect_dma source(%dma_start3A_155 : memref<10000x128xf32, #tpu.memory_space<hbm>>) target(%arg8 : memref<128x128xf32, #tpu.memory_space<vmem>>) offsets(%dma_start3A_152 : memref<128xi32, #tpu.memory_space<vmem>>) semaphore(%arg11 : memref<!tpu.dma_semaphore, #tpu.memory_space<semaphore_mem>>)
        %dma_wait3A_156 = arith.constant 0 : i32
        %dma_wait3A_157 = arith.constant 0 : i32
        %dma_wait3A_158 = arith.constant 0 : i32
        %dma_wait3A_159 = tpu.memref_slice %arg6[%mul3A_138, %dma_wait3A_157, %dma_wait3A_158] : memref<40x2x128xi32, #tpu.memory_space<vmem>> -> memref<1x2x128xi32, #tpu.memory_space<vmem>>
        %dma_wait3A_160 = tpu.memref_squeeze %dma_wait3A_159 : memref<1x2x128xi32, #tpu.memory_space<vmem>> -> memref<2x128xi32, #tpu.memory_space<vmem>>
        %dma_wait3A_161 = arith.constant 0 : i32
        %dma_wait3A_162 = tpu.memref_slice %dma_wait3A_160[%dma_wait3A_156, %dma_wait3A_161] : memref<2x128xi32, #tpu.memory_space<vmem>> -> memref<1x128xi32, #tpu.memory_space<vmem>>
        %dma_wait3A_163 = tpu.memref_squeeze %dma_wait3A_162 : memref<1x128xi32, #tpu.memory_space<vmem>> -> memref<128xi32, #tpu.memory_space<vmem>>
        %dma_wait3A_164 = arith.constant 0 : i32
        %dma_wait3A_165 = arith.constant 0 : i32
        %dma_wait3A_166 = tpu.memref_slice %arg2[%dma_wait3A_164, %dma_wait3A_165] : memref<10000x128xf32, #tpu.memory_space<hbm>> -> memref<10000x128xf32, #tpu.memory_space<hbm>>
        tpu.wait_indirect_dma semaphore(%arg10 : memref<!tpu.dma_semaphore, #tpu.memory_space<semaphore_mem>>) src(%dma_wait3A_166 : memref<10000x128xf32, #tpu.memory_space<hbm>>) dst(%arg7 : memref<128x128xf32, #tpu.memory_space<vmem>>)
        %dma_start3A_167 = arith.constant 1 : i32
        %dma_start3A_168 = arith.constant 0 : i32
        %dma_start3A_169 = arith.constant 0 : i32
        %dma_start3A_170 = tpu.memref_slice %arg6[%mul3A_138, %dma_start3A_168, %dma_start3A_169] : memref<40x2x128xi32, #tpu.memory_space<vmem>> -> memref<1x2x128xi32, #tpu.memory_space<vmem>>
        %dma_start3A_171 = tpu.memref_squeeze %dma_start3A_170 : memref<1x2x128xi32, #tpu.memory_space<vmem>> -> memref<2x128xi32, #tpu.memory_space<vmem>>
        %dma_start3A_172 = arith.constant 0 : i32
        %dma_start3A_173 = tpu.memref_slice %dma_start3A_171[%dma_start3A_167, %dma_start3A_172] : memref<2x128xi32, #tpu.memory_space<vmem>> -> memref<1x128xi32, #tpu.memory_space<vmem>>
        %dma_start3A_174 = tpu.memref_squeeze %dma_start3A_173 : memref<1x128xi32, #tpu.memory_space<vmem>> -> memref<128xi32, #tpu.memory_space<vmem>>
        %dma_start3A_175 = arith.constant 0 : i32
        %dma_start3A_176 = arith.constant 0 : i32
        %dma_start3A_177 = tpu.memref_slice %arg9[%dma_start3A_175, %dma_start3A_176] : memref<10112x128xf32, #tpu.memory_space<vmem_shared>> -> memref<10112x128xf32, #tpu.memory_space<vmem_shared>>
        tpu.enqueue_indirect_dma source(%arg7 : memref<128x128xf32, #tpu.memory_space<vmem>>) target(%dma_start3A_177 : memref<10112x128xf32, #tpu.memory_space<vmem_shared>>) offsets(%dma_start3A_174 : memref<128xi32, #tpu.memory_space<vmem>>) semaphore(%arg12 : memref<!tpu.dma_semaphore, #tpu.memory_space<semaphore_mem>>) {add = true}
        %dma_wait3A_178 = arith.constant 0 : i32
        %dma_wait3A_179 = arith.constant 0 : i32
        %dma_wait3A_180 = arith.constant 0 : i32
        %dma_wait3A_181 = tpu.memref_slice %arg6[%add3A_140, %dma_wait3A_179, %dma_wait3A_180] : memref<40x2x128xi32, #tpu.memory_space<vmem>> -> memref<1x2x128xi32, #tpu.memory_space<vmem>>
        %dma_wait3A_182 = tpu.memref_squeeze %dma_wait3A_181 : memref<1x2x128xi32, #tpu.memory_space<vmem>> -> memref<2x128xi32, #tpu.memory_space<vmem>>
        %dma_wait3A_183 = arith.constant 0 : i32
        %dma_wait3A_184 = tpu.memref_slice %dma_wait3A_182[%dma_wait3A_178, %dma_wait3A_183] : memref<2x128xi32, #tpu.memory_space<vmem>> -> memref<1x128xi32, #tpu.memory_space<vmem>>
        %dma_wait3A_185 = tpu.memref_squeeze %dma_wait3A_184 : memref<1x128xi32, #tpu.memory_space<vmem>> -> memref<128xi32, #tpu.memory_space<vmem>>
        %dma_wait3A_186 = arith.constant 0 : i32
        %dma_wait3A_187 = arith.constant 0 : i32
        %dma_wait3A_188 = tpu.memref_slice %arg2[%dma_wait3A_186, %dma_wait3A_187] : memref<10000x128xf32, #tpu.memory_space<hbm>> -> memref<10000x128xf32, #tpu.memory_space<hbm>>
        tpu.wait_indirect_dma semaphore(%arg11 : memref<!tpu.dma_semaphore, #tpu.memory_space<semaphore_mem>>) src(%dma_wait3A_188 : memref<10000x128xf32, #tpu.memory_space<hbm>>) dst(%arg8 : memref<128x128xf32, #tpu.memory_space<vmem>>)
        %dma_wait3A_189 = arith.constant 1 : i32
        %dma_wait3A_190 = arith.constant 0 : i32
        %dma_wait3A_191 = arith.constant 0 : i32
        %dma_wait3A_192 = tpu.memref_slice %arg6[%mul3A_138, %dma_wait3A_190, %dma_wait3A_191] : memref<40x2x128xi32, #tpu.memory_space<vmem>> -> memref<1x2x128xi32, #tpu.memory_space<vmem>>
        %dma_wait3A_193 = tpu.memref_squeeze %dma_wait3A_192 : memref<1x2x128xi32, #tpu.memory_space<vmem>> -> memref<2x128xi32, #tpu.memory_space<vmem>>
        %dma_wait3A_194 = arith.constant 0 : i32
        %dma_wait3A_195 = tpu.memref_slice %dma_wait3A_193[%dma_wait3A_189, %dma_wait3A_194] : memref<2x128xi32, #tpu.memory_space<vmem>> -> memref<1x128xi32, #tpu.memory_space<vmem>>
        %dma_wait3A_196 = tpu.memref_squeeze %dma_wait3A_195 : memref<1x128xi32, #tpu.memory_space<vmem>> -> memref<128xi32, #tpu.memory_space<vmem>>
        %dma_wait3A_197 = arith.constant 0 : i32
        %dma_wait3A_198 = arith.constant 0 : i32
        %dma_wait3A_199 = tpu.memref_slice %arg9[%dma_wait3A_197, %dma_wait3A_198] : memref<10112x128xf32, #tpu.memory_space<vmem_shared>> -> memref<10112x128xf32, #tpu.memory_space<vmem_shared>>
        tpu.wait_indirect_dma semaphore(%arg12 : memref<!tpu.dma_semaphore, #tpu.memory_space<semaphore_mem>>) src(%arg7 : memref<128x128xf32, #tpu.memory_space<vmem>>) dst(%dma_wait3A_199 : memref<10112x128xf32, #tpu.memory_space<vmem_shared>>)
        %add3A_200 = arith.constant 1 : i32
        %add3A_201 = arith.addi %scan3A_136, %add3A_200 : i32
        %lt3A = arith.constant 20 : i32
        %lt3A_202 = arith.cmpi slt, %add3A_201, %lt3A : i32
        %convert_element_type3A_203 = arith.extui %lt3A_202 : i1 to i32
        %cond3A_204 = arith.constant 0 : i32
        %cond3A_205 = arith.cmpi ne, %convert_element_type3A_203, %cond3A_204 : i32
        scf.if %cond3A_205 {
          %add3A_217 = arith.constant 2 : i32
          %add3A_218 = arith.addi %mul3A_138, %add3A_217 : i32
          %dma_start3A_219 = arith.constant 0 : i32
          %dma_start3A_220 = arith.constant 0 : i32
          %dma_start3A_221 = arith.constant 0 : i32
          %dma_start3A_222 = tpu.memref_slice %arg6[%add3A_218, %dma_start3A_220, %dma_start3A_221] : memref<40x2x128xi32, #tpu.memory_space<vmem>> -> memref<1x2x128xi32, #tpu.memory_space<vmem>>
          %dma_start3A_223 = tpu.memref_squeeze %dma_start3A_222 : memref<1x2x128xi32, #tpu.memory_space<vmem>> -> memref<2x128xi32, #tpu.memory_space<vmem>>
          %dma_start3A_224 = arith.constant 0 : i32
          %dma_start3A_225 = tpu.memref_slice %dma_start3A_223[%dma_start3A_219, %dma_start3A_224] : memref<2x128xi32, #tpu.memory_space<vmem>> -> memref<1x128xi32, #tpu.memory_space<vmem>>
          %dma_start3A_226 = tpu.memref_squeeze %dma_start3A_225 : memref<1x128xi32, #tpu.memory_space<vmem>> -> memref<128xi32, #tpu.memory_space<vmem>>
          %dma_start3A_227 = arith.constant 0 : i32
          %dma_start3A_228 = arith.constant 0 : i32
          %dma_start3A_229 = tpu.memref_slice %arg2[%dma_start3A_227, %dma_start3A_228] : memref<10000x128xf32, #tpu.memory_space<hbm>> -> memref<10000x128xf32, #tpu.memory_space<hbm>>
          tpu.enqueue_indirect_dma source(%dma_start3A_229 : memref<10000x128xf32, #tpu.memory_space<hbm>>) target(%arg7 : memref<128x128xf32, #tpu.memory_space<vmem>>) offsets(%dma_start3A_226 : memref<128xi32, #tpu.memory_space<vmem>>) semaphore(%arg10 : memref<!tpu.dma_semaphore, #tpu.memory_space<semaphore_mem>>)
        } else {
        }
        %dma_start3A_206 = arith.constant 1 : i32
        %dma_start3A_207 = arith.constant 0 : i32
        %dma_start3A_208 = arith.constant 0 : i32
        %dma_start3A_209 = tpu.memref_slice %arg6[%add3A_140, %dma_start3A_207, %dma_start3A_208] : memref<40x2x128xi32, #tpu.memory_space<vmem>> -> memref<1x2x128xi32, #tpu.memory_space<vmem>>
        %dma_start3A_210 = tpu.memref_squeeze %dma_start3A_209 : memref<1x2x128xi32, #tpu.memory_space<vmem>> -> memref<2x128xi32, #tpu.memory_space<vmem>>
        %dma_start3A_211 = arith.constant 0 : i32
        %dma_start3A_212 = tpu.memref_slice %dma_start3A_210[%dma_start3A_206, %dma_start3A_211] : memref<2x128xi32, #tpu.memory_space<vmem>> -> memref<1x128xi32, #tpu.memory_space<vmem>>
        %dma_start3A_213 = tpu.memref_squeeze %dma_start3A_212 : memref<1x128xi32, #tpu.memory_space<vmem>> -> memref<128xi32, #tpu.memory_space<vmem>>
        %dma_start3A_214 = arith.constant 0 : i32
        %dma_start3A_215 = arith.constant 0 : i32
        %dma_start3A_216 = tpu.memref_slice %arg9[%dma_start3A_214, %dma_start3A_215] : memref<10112x128xf32, #tpu.memory_space<vmem_shared>> -> memref<10112x128xf32, #tpu.memory_space<vmem_shared>>
        tpu.enqueue_indirect_dma source(%arg8 : memref<128x128xf32, #tpu.memory_space<vmem>>) target(%dma_start3A_216 : memref<10112x128xf32, #tpu.memory_space<vmem_shared>>) offsets(%dma_start3A_213 : memref<128xi32, #tpu.memory_space<vmem>>) semaphore(%arg13 : memref<!tpu.dma_semaphore, #tpu.memory_space<semaphore_mem>>) {add = true}
      }
      %scan3A_123 = arith.constant 20 : i32
      %dma_wait3A_124 = arith.constant 39 : i32
      %dma_wait3A_125 = arith.constant 1 : i32
      %dma_wait3A_126 = arith.constant 0 : i32
      %dma_wait3A_127 = arith.constant 0 : i32
      %dma_wait3A_128 = tpu.memref_slice %arg6[%dma_wait3A_124, %dma_wait3A_126, %dma_wait3A_127] : memref<40x2x128xi32, #tpu.memory_space<vmem>> -> memref<1x2x128xi32, #tpu.memory_space<vmem>>
      %dma_wait3A_129 = tpu.memref_squeeze %dma_wait3A_128 : memref<1x2x128xi32, #tpu.memory_space<vmem>> -> memref<2x128xi32, #tpu.memory_space<vmem>>
      %dma_wait3A_130 = arith.constant 0 : i32
      %dma_wait3A_131 = tpu.memref_slice %dma_wait3A_129[%dma_wait3A_125, %dma_wait3A_130] : memref<2x128xi32, #tpu.memory_space<vmem>> -> memref<1x128xi32, #tpu.memory_space<vmem>>
      %dma_wait3A_132 = tpu.memref_squeeze %dma_wait3A_131 : memref<1x128xi32, #tpu.memory_space<vmem>> -> memref<128xi32, #tpu.memory_space<vmem>>
      %dma_wait3A_133 = arith.constant 0 : i32
      %dma_wait3A_134 = arith.constant 0 : i32
      %dma_wait3A_135 = tpu.memref_slice %arg9[%dma_wait3A_133, %dma_wait3A_134] : memref<10112x128xf32, #tpu.memory_space<vmem_shared>> -> memref<10112x128xf32, #tpu.memory_space<vmem_shared>>
      tpu.wait_indirect_dma semaphore(%arg13 : memref<!tpu.dma_semaphore, #tpu.memory_space<semaphore_mem>>) src(%arg8 : memref<128x128xf32, #tpu.memory_space<vmem>>) dst(%dma_wait3A_135 : memref<10112x128xf32, #tpu.memory_space<vmem_shared>>)
    }
    %while3A_87 = arith.constant 1 : i32
    scf.for %while3A_89 = %while3A_85 to %while3A_81 step %while3A_87  : i32 {
      %mul3A_90 = arith.constant 40 : i32
      %mul3A_91 = arith.muli %while3A_89, %mul3A_90 : i32
      %add3A_92 = arith.addi %select_n3A_78, %mul3A_91 : i32
      %add3A_93 = arith.constant 40 : i32
      %add3A_94 = arith.addi %add3A_92, %add3A_93 : i32
      %le3A = arith.constant 2500 : i32
      %le3A_95 = arith.cmpi sle, %add3A_94, %le3A : i32
      %convert_element_type3A = arith.extui %le3A_95 : i1 to i32
      %cond3A = arith.constant 0 : i32
      %cond3A_96 = arith.cmpi ne, %convert_element_type3A, %cond3A : i32
      scf.if %cond3A_96 {
        "tpu.region"() ({
          %run_scoped3A = tpu.sem_alloc : memref<!tpu.dma_semaphore, #tpu.memory_space<semaphore_mem>>
          %dma_start3A_136 = arith.constant 0 : i32
          %dma_start3A_137 = arith.constant 0 : i32
          %dma_start3A_138 = tpu.memref_slice %arg3[%add3A_92, %dma_start3A_136, %dma_start3A_137] : memref<2500x2x128xi32, #tpu.memory_space<hbm>> -> memref<40x2x128xi32, #tpu.memory_space<hbm>>
          %dma_start3A_139 = arith.constant 0 : i32
          %dma_start3A_140 = arith.constant 0 : i32
          %dma_start3A_141 = tpu.memref_slice %arg3[%add3A_92, %dma_start3A_139, %dma_start3A_140] : memref<2500x2x128xi32, #tpu.memory_space<hbm>> -> memref<40x2x128xi32, #tpu.memory_space<hbm>>
          tpu.enqueue_dma source(%dma_start3A_141 : memref<40x2x128xi32, #tpu.memory_space<hbm>>) target(%arg6 : memref<40x2x128xi32, #tpu.memory_space<vmem>>) target_semaphore(%run_scoped3A : memref<!tpu.dma_semaphore, #tpu.memory_space<semaphore_mem>>)
          %dma_wait3A_142 = arith.constant 0 : i32
          %dma_wait3A_143 = arith.constant 0 : i32
          %dma_wait3A_144 = tpu.memref_slice %arg3[%add3A_92, %dma_wait3A_142, %dma_wait3A_143] : memref<2500x2x128xi32, #tpu.memory_space<hbm>> -> memref<40x2x128xi32, #tpu.memory_space<hbm>>
          %dma_wait3A_145 = arith.constant 0 : i32
          %dma_wait3A_146 = arith.constant 0 : i32
          %dma_wait3A_147 = tpu.memref_slice %arg3[%add3A_92, %dma_wait3A_145, %dma_wait3A_146] : memref<2500x2x128xi32, #tpu.memory_space<hbm>> -> memref<40x2x128xi32, #tpu.memory_space<hbm>>
          tpu.wait_dma2 semaphore(%run_scoped3A : memref<!tpu.dma_semaphore, #tpu.memory_space<semaphore_mem>>) src(%dma_wait3A_147 : memref<40x2x128xi32, #tpu.memory_space<hbm>>) dst(%arg6 : memref<40x2x128xi32, #tpu.memory_space<vmem>>)
          tpu.yield
        }) : () -> ()
      } else {
      }
      %eq3A_97 = arith.constant 2480 : i32
      %eq3A_98 = arith.cmpi eq, %add3A_92, %eq3A_97 : i32
      %convert_element_type3A_99 = arith.extui %eq3A_98 : i1 to i32
      %cond3A_100 = arith.constant 0 : i32
      %cond3A_101 = arith.cmpi ne, %convert_element_type3A_99, %cond3A_100 : i32
      scf.if %cond3A_101 {
        "tpu.region"() ({
          %run_scoped3A = tpu.sem_alloc : memref<!tpu.dma_semaphore, #tpu.memory_space<semaphore_mem>>
          %dma_start3A_136 = arith.constant 0 : i32
          %dma_start3A_137 = arith.constant 0 : i32
          %dma_start3A_138 = arith.constant 0 : i32
          %dma_start3A_139 = tpu.memref_slice %arg6[%dma_start3A_136, %dma_start3A_137, %dma_start3A_138] : memref<40x2x128xi32, #tpu.memory_space<vmem>> -> memref<20x2x128xi32, #tpu.memory_space<vmem>>
          %dma_start3A_140 = arith.constant 2480 : i32
          %dma_start3A_141 = arith.constant 0 : i32
          %dma_start3A_142 = arith.constant 0 : i32
          %dma_start3A_143 = tpu.memref_slice %arg3[%dma_start3A_140, %dma_start3A_141, %dma_start3A_142] : memref<2500x2x128xi32, #tpu.memory_space<hbm>> -> memref<20x2x128xi32, #tpu.memory_space<hbm>>
          %dma_start3A_144 = arith.constant 0 : i32
          %dma_start3A_145 = arith.constant 0 : i32
          %dma_start3A_146 = arith.constant 0 : i32
          %dma_start3A_147 = tpu.memref_slice %arg6[%dma_start3A_144, %dma_start3A_145, %dma_start3A_146] : memref<40x2x128xi32, #tpu.memory_space<vmem>> -> memref<20x2x128xi32, #tpu.memory_space<vmem>>
          %dma_start3A_148 = arith.constant 2480 : i32
          %dma_start3A_149 = arith.constant 0 : i32
          %dma_start3A_150 = arith.constant 0 : i32
          %dma_start3A_151 = tpu.memref_slice %arg3[%dma_start3A_148, %dma_start3A_149, %dma_start3A_150] : memref<2500x2x128xi32, #tpu.memory_space<hbm>> -> memref<20x2x128xi32, #tpu.memory_space<hbm>>
          tpu.enqueue_dma source(%dma_start3A_151 : memref<20x2x128xi32, #tpu.memory_space<hbm>>) target(%dma_start3A_147 : memref<20x2x128xi32, #tpu.memory_space<vmem>>) target_semaphore(%run_scoped3A : memref<!tpu.dma_semaphore, #tpu.memory_space<semaphore_mem>>)
          %dma_wait3A_152 = arith.constant 0 : i32
          %dma_wait3A_153 = arith.constant 0 : i32
          %dma_wait3A_154 = arith.constant 0 : i32
          %dma_wait3A_155 = tpu.memref_slice %arg6[%dma_wait3A_152, %dma_wait3A_153, %dma_wait3A_154] : memref<40x2x128xi32, #tpu.memory_space<vmem>> -> memref<20x2x128xi32, #tpu.memory_space<vmem>>
          %dma_wait3A_156 = arith.constant 2480 : i32
          %dma_wait3A_157 = arith.constant 0 : i32
          %dma_wait3A_158 = arith.constant 0 : i32
          %dma_wait3A_159 = tpu.memref_slice %arg3[%dma_wait3A_156, %dma_wait3A_157, %dma_wait3A_158] : memref<2500x2x128xi32, #tpu.memory_space<hbm>> -> memref<20x2x128xi32, #tpu.memory_space<hbm>>
          %dma_wait3A_160 = arith.constant 0 : i32
          %dma_wait3A_161 = arith.constant 0 : i32
          %dma_wait3A_162 = arith.constant 0 : i32
          %dma_wait3A_163 = tpu.memref_slice %arg6[%dma_wait3A_160, %dma_wait3A_161, %dma_wait3A_162] : memref<40x2x128xi32, #tpu.memory_space<vmem>> -> memref<20x2x128xi32, #tpu.memory_space<vmem>>
          %dma_wait3A_164 = arith.constant 2480 : i32
          %dma_wait3A_165 = arith.constant 0 : i32
          %dma_wait3A_166 = arith.constant 0 : i32
          %dma_wait3A_167 = tpu.memref_slice %arg3[%dma_wait3A_164, %dma_wait3A_165, %dma_wait3A_166] : memref<2500x2x128xi32, #tpu.memory_space<hbm>> -> memref<20x2x128xi32, #tpu.memory_space<hbm>>
          tpu.wait_dma2 semaphore(%run_scoped3A : memref<!tpu.dma_semaphore, #tpu.memory_space<semaphore_mem>>) src(%dma_wait3A_167 : memref<20x2x128xi32, #tpu.memory_space<hbm>>) dst(%dma_wait3A_163 : memref<20x2x128xi32, #tpu.memory_space<vmem>>)
          tpu.yield
        }) : () -> ()
        "tpu.region"() ({
          %run_scoped3A = tpu.sem_alloc : memref<!tpu.dma_semaphore, #tpu.memory_space<semaphore_mem>>
          %dma_start3A_136 = arith.constant 20 : i32
          %dma_start3A_137 = arith.constant 0 : i32
          %dma_start3A_138 = arith.constant 0 : i32
          %dma_start3A_139 = tpu.memref_slice %arg6[%dma_start3A_136, %dma_start3A_137, %dma_start3A_138] : memref<40x2x128xi32, #tpu.memory_space<vmem>> -> memref<20x2x128xi32, #tpu.memory_space<vmem>>
          %dma_start3A_140 = arith.constant 0 : i32
          %dma_start3A_141 = arith.constant 0 : i32
          %dma_start3A_142 = arith.constant 0 : i32
          %dma_start3A_143 = tpu.memref_slice %arg4[%dma_start3A_140, %dma_start3A_141, %dma_start3A_142] : memref<60x2x128xi32, #tpu.memory_space<hbm>> -> memref<20x2x128xi32, #tpu.memory_space<hbm>>
          %dma_start3A_144 = arith.constant 20 : i32
          %dma_start3A_145 = arith.constant 0 : i32
          %dma_start3A_146 = arith.constant 0 : i32
          %dma_start3A_147 = tpu.memref_slice %arg6[%dma_start3A_144, %dma_start3A_145, %dma_start3A_146] : memref<40x2x128xi32, #tpu.memory_space<vmem>> -> memref<20x2x128xi32, #tpu.memory_space<vmem>>
          %dma_start3A_148 = arith.constant 0 : i32
          %dma_start3A_149 = arith.constant 0 : i32
          %dma_start3A_150 = arith.constant 0 : i32
          %dma_start3A_151 = tpu.memref_slice %arg4[%dma_start3A_148, %dma_start3A_149, %dma_start3A_150] : memref<60x2x128xi32, #tpu.memory_space<hbm>> -> memref<20x2x128xi32, #tpu.memory_space<hbm>>
          tpu.enqueue_dma source(%dma_start3A_151 : memref<20x2x128xi32, #tpu.memory_space<hbm>>) target(%dma_start3A_147 : memref<20x2x128xi32, #tpu.memory_space<vmem>>) target_semaphore(%run_scoped3A : memref<!tpu.dma_semaphore, #tpu.memory_space<semaphore_mem>>)
          %dma_wait3A_152 = arith.constant 20 : i32
          %dma_wait3A_153 = arith.constant 0 : i32
          %dma_wait3A_154 = arith.constant 0 : i32
          %dma_wait3A_155 = tpu.memref_slice %arg6[%dma_wait3A_152, %dma_wait3A_153, %dma_wait3A_154] : memref<40x2x128xi32, #tpu.memory_space<vmem>> -> memref<20x2x128xi32, #tpu.memory_space<vmem>>
          %dma_wait3A_156 = arith.constant 0 : i32
          %dma_wait3A_157 = arith.constant 0 : i32
          %dma_wait3A_158 = arith.constant 0 : i32
          %dma_wait3A_159 = tpu.memref_slice %arg4[%dma_wait3A_156, %dma_wait3A_157, %dma_wait3A_158] : memref<60x2x128xi32, #tpu.memory_space<hbm>> -> memref<20x2x128xi32, #tpu.memory_space<hbm>>
          %dma_wait3A_160 = arith.constant 20 : i32
          %dma_wait3A_161 = arith.constant 0 : i32
          %dma_wait3A_162 = arith.constant 0 : i32
          %dma_wait3A_163 = tpu.memref_slice %arg6[%dma_wait3A_160, %dma_wait3A_161, %dma_wait3A_162] : memref<40x2x128xi32, #tpu.memory_space<vmem>> -> memref<20x2x128xi32, #tpu.memory_space<vmem>>
          %dma_wait3A_164 = arith.constant 0 : i32
          %dma_wait3A_165 = arith.constant 0 : i32
          %dma_wait3A_166 = arith.constant 0 : i32
          %dma_wait3A_167 = tpu.memref_slice %arg4[%dma_wait3A_164, %dma_wait3A_165, %dma_wait3A_166] : memref<60x2x128xi32, #tpu.memory_space<hbm>> -> memref<20x2x128xi32, #tpu.memory_space<hbm>>
          tpu.wait_dma2 semaphore(%run_scoped3A : memref<!tpu.dma_semaphore, #tpu.memory_space<semaphore_mem>>) src(%dma_wait3A_167 : memref<20x2x128xi32, #tpu.memory_space<hbm>>) dst(%dma_wait3A_163 : memref<20x2x128xi32, #tpu.memory_space<vmem>>)
          tpu.yield
        }) : () -> ()
      } else {
      }
      %ge3A = arith.constant 2520 : i32
      %ge3A_102 = arith.cmpi sge, %add3A_92, %ge3A : i32
      %convert_element_type3A_103 = arith.extui %ge3A_102 : i1 to i32
      %cond3A_104 = arith.constant 0 : i32
      %cond3A_105 = arith.cmpi ne, %convert_element_type3A_103, %cond3A_104 : i32
      scf.if %cond3A_105 {
        %sub3A = arith.constant 2500 : i32
        %sub3A_136 = arith.subi %add3A_92, %sub3A : i32
        "tpu.region"() ({
          %run_scoped3A = tpu.sem_alloc : memref<!tpu.dma_semaphore, #tpu.memory_space<semaphore_mem>>
          %dma_start3A_137 = arith.constant 0 : i32
          %dma_start3A_138 = arith.constant 0 : i32
          %dma_start3A_139 = tpu.memref_slice %arg4[%sub3A_136, %dma_start3A_137, %dma_start3A_138] : memref<60x2x128xi32, #tpu.memory_space<hbm>> -> memref<40x2x128xi32, #tpu.memory_space<hbm>>
          %dma_start3A_140 = arith.constant 0 : i32
          %dma_start3A_141 = arith.constant 0 : i32
          %dma_start3A_142 = tpu.memref_slice %arg4[%sub3A_136, %dma_start3A_140, %dma_start3A_141] : memref<60x2x128xi32, #tpu.memory_space<hbm>> -> memref<40x2x128xi32, #tpu.memory_space<hbm>>
          tpu.enqueue_dma source(%dma_start3A_142 : memref<40x2x128xi32, #tpu.memory_space<hbm>>) target(%arg6 : memref<40x2x128xi32, #tpu.memory_space<vmem>>) target_semaphore(%run_scoped3A : memref<!tpu.dma_semaphore, #tpu.memory_space<semaphore_mem>>)
          %dma_wait3A_143 = arith.constant 0 : i32
          %dma_wait3A_144 = arith.constant 0 : i32
          %dma_wait3A_145 = tpu.memref_slice %arg4[%sub3A_136, %dma_wait3A_143, %dma_wait3A_144] : memref<60x2x128xi32, #tpu.memory_space<hbm>> -> memref<40x2x128xi32, #tpu.memory_space<hbm>>
          %dma_wait3A_146 = arith.constant 0 : i32
          %dma_wait3A_147 = arith.constant 0 : i32
          %dma_wait3A_148 = tpu.memref_slice %arg4[%sub3A_136, %dma_wait3A_146, %dma_wait3A_147] : memref<60x2x128xi32, #tpu.memory_space<hbm>> -> memref<40x2x128xi32, #tpu.memory_space<hbm>>
          tpu.wait_dma2 semaphore(%run_scoped3A : memref<!tpu.dma_semaphore, #tpu.memory_space<semaphore_mem>>) src(%dma_wait3A_148 : memref<40x2x128xi32, #tpu.memory_space<hbm>>) dst(%arg6 : memref<40x2x128xi32, #tpu.memory_space<vmem>>)
          tpu.yield
        }) : () -> ()
      } else {
      }
      %dma_start3A_106 = arith.constant 0 : i32
      %dma_start3A_107 = arith.constant 0 : i32
      %dma_start3A_108 = arith.constant 0 : i32
      %dma_start3A_109 = arith.constant 0 : i32
      %dma_start3A_110 = tpu.memref_slice %arg6[%dma_start3A_106, %dma_start3A_108, %dma_start3A_109] : memref<40x2x128xi32, #tpu.memory_space<vmem>> -> memref<1x2x128xi32, #tpu.memory_space<vmem>>
      %dma_start3A_111 = tpu.memref_squeeze %dma_start3A_110 : memref<1x2x128xi32, #tpu.memory_space<vmem>> -> memref<2x128xi32, #tpu.memory_space<vmem>>
      %dma_start3A_112 = arith.constant 0 : i32
      %dma_start3A_113 = tpu.memref_slice %dma_start3A_111[%dma_start3A_107, %dma_start3A_112] : memref<2x128xi32, #tpu.memory_space<vmem>> -> memref<1x128xi32, #tpu.memory_space<vmem>>
      %dma_start3A_114 = tpu.memref_squeeze %dma_start3A_113 : memref<1x128xi32, #tpu.memory_space<vmem>> -> memref<128xi32, #tpu.memory_space<vmem>>
      %dma_start3A_115 = arith.constant 0 : i32
      %dma_start3A_116 = arith.constant 0 : i32
      %dma_start3A_117 = tpu.memref_slice %arg2[%dma_start3A_115, %dma_start3A_116] : memref<10000x128xf32, #tpu.memory_space<hbm>> -> memref<10000x128xf32, #tpu.memory_space<hbm>>
      tpu.enqueue_indirect_dma source(%dma_start3A_117 : memref<10000x128xf32, #tpu.memory_space<hbm>>) target(%arg7 : memref<128x128xf32, #tpu.memory_space<vmem>>) offsets(%dma_start3A_114 : memref<128xi32, #tpu.memory_space<vmem>>) semaphore(%arg10 : memref<!tpu.dma_semaphore, #tpu.memory_space<semaphore_mem>>)
      %scan3A_118 = arith.constant 0 : i32
      %scan3A_119 = arith.constant 0 : i32
      %scan3A_120 = arith.constant 20 : i32
      %scan3A_121 = arith.addi %scan3A_119, %scan3A_120 : i32
      %scan3A_122 = arith.constant 1 : i32
      scf.for %scan3A_136 = %scan3A_119 to %scan3A_121 step %scan3A_122  : i32 {
        %mul3A_137 = arith.constant 2 : i32
        %mul3A_138 = arith.muli %mul3A_137, %scan3A_136 : i32
        %add3A_139 = arith.constant 1 : i32
        %add3A_140 = arith.addi %mul3A_138, %add3A_139 : i32
        %gt3A = arith.constant 0 : i32
        %gt3A_141 = arith.cmpi sgt, %scan3A_136, %gt3A : i32
        %convert_element_type3A_142 = arith.extui %gt3A_141 : i1 to i32
        %cond3A_143 = arith.constant 0 : i32
        %cond3A_144 = arith.cmpi ne, %convert_element_type3A_142, %cond3A_143 : i32
        scf.if %cond3A_144 {
          %sub3A = arith.constant 1 : i32
          %sub3A_217 = arith.subi %mul3A_138, %sub3A : i32
          %dma_wait3A_218 = arith.constant 1 : i32
          %dma_wait3A_219 = arith.constant 0 : i32
          %dma_wait3A_220 = arith.constant 0 : i32
          %dma_wait3A_221 = tpu.memref_slice %arg6[%sub3A_217, %dma_wait3A_219, %dma_wait3A_220] : memref<40x2x128xi32, #tpu.memory_space<vmem>> -> memref<1x2x128xi32, #tpu.memory_space<vmem>>
          %dma_wait3A_222 = tpu.memref_squeeze %dma_wait3A_221 : memref<1x2x128xi32, #tpu.memory_space<vmem>> -> memref<2x128xi32, #tpu.memory_space<vmem>>
          %dma_wait3A_223 = arith.constant 0 : i32
          %dma_wait3A_224 = tpu.memref_slice %dma_wait3A_222[%dma_wait3A_218, %dma_wait3A_223] : memref<2x128xi32, #tpu.memory_space<vmem>> -> memref<1x128xi32, #tpu.memory_space<vmem>>
          %dma_wait3A_225 = tpu.memref_squeeze %dma_wait3A_224 : memref<1x128xi32, #tpu.memory_space<vmem>> -> memref<128xi32, #tpu.memory_space<vmem>>
          %dma_wait3A_226 = arith.constant 0 : i32
          %dma_wait3A_227 = arith.constant 0 : i32
          %dma_wait3A_228 = tpu.memref_slice %arg9[%dma_wait3A_226, %dma_wait3A_227] : memref<10112x128xf32, #tpu.memory_space<vmem_shared>> -> memref<10112x128xf32, #tpu.memory_space<vmem_shared>>
          tpu.wait_indirect_dma semaphore(%arg13 : memref<!tpu.dma_semaphore, #tpu.memory_space<semaphore_mem>>) src(%arg8 : memref<128x128xf32, #tpu.memory_space<vmem>>) dst(%dma_wait3A_228 : memref<10112x128xf32, #tpu.memory_space<vmem_shared>>)
        } else {
        }
        %dma_start3A_145 = arith.constant 0 : i32
        %dma_start3A_146 = arith.constant 0 : i32
        %dma_start3A_147 = arith.constant 0 : i32
        %dma_start3A_148 = tpu.memref_slice %arg6[%add3A_140, %dma_start3A_146, %dma_start3A_147] : memref<40x2x128xi32, #tpu.memory_space<vmem>> -> memref<1x2x128xi32, #tpu.memory_space<vmem>>
        %dma_start3A_149 = tpu.memref_squeeze %dma_start3A_148 : memref<1x2x128xi32, #tpu.memory_space<vmem>> -> memref<2x128xi32, #tpu.memory_space<vmem>>
        %dma_start3A_150 = arith.constant 0 : i32
        %dma_start3A_151 = tpu.memref_slice %dma_start3A_149[%dma_start3A_145, %dma_start3A_150] : memref<2x128xi32, #tpu.memory_space<vmem>> -> memref<1x128xi32, #tpu.memory_space<vmem>>
        %dma_start3A_152 = tpu.memref_squeeze %dma_start3A_151 : memref<1x128xi32, #tpu.memory_space<vmem>> -> memref<128xi32, #tpu.memory_space<vmem>>
        %dma_start3A_153 = arith.constant 0 : i32
        %dma_start3A_154 = arith.constant 0 : i32
        %dma_start3A_155 = tpu.memref_slice %arg2[%dma_start3A_153, %dma_start3A_154] : memref<10000x128xf32, #tpu.memory_space<hbm>> -> memref<10000x128xf32, #tpu.memory_space<hbm>>
        tpu.enqueue_indirect_dma source(%dma_start3A_155 : memref<10000x128xf32, #tpu.memory_space<hbm>>) target(%arg8 : memref<128x128xf32, #tpu.memory_space<vmem>>) offsets(%dma_start3A_152 : memref<128xi32, #tpu.memory_space<vmem>>) semaphore(%arg11 : memref<!tpu.dma_semaphore, #tpu.memory_space<semaphore_mem>>)
        %dma_wait3A_156 = arith.constant 0 : i32
        %dma_wait3A_157 = arith.constant 0 : i32
        %dma_wait3A_158 = arith.constant 0 : i32
        %dma_wait3A_159 = tpu.memref_slice %arg6[%mul3A_138, %dma_wait3A_157, %dma_wait3A_158] : memref<40x2x128xi32, #tpu.memory_space<vmem>> -> memref<1x2x128xi32, #tpu.memory_space<vmem>>
        %dma_wait3A_160 = tpu.memref_squeeze %dma_wait3A_159 : memref<1x2x128xi32, #tpu.memory_space<vmem>> -> memref<2x128xi32, #tpu.memory_space<vmem>>
        %dma_wait3A_161 = arith.constant 0 : i32
        %dma_wait3A_162 = tpu.memref_slice %dma_wait3A_160[%dma_wait3A_156, %dma_wait3A_161] : memref<2x128xi32, #tpu.memory_space<vmem>> -> memref<1x128xi32, #tpu.memory_space<vmem>>
        %dma_wait3A_163 = tpu.memref_squeeze %dma_wait3A_162 : memref<1x128xi32, #tpu.memory_space<vmem>> -> memref<128xi32, #tpu.memory_space<vmem>>
        %dma_wait3A_164 = arith.constant 0 : i32
        %dma_wait3A_165 = arith.constant 0 : i32
        %dma_wait3A_166 = tpu.memref_slice %arg2[%dma_wait3A_164, %dma_wait3A_165] : memref<10000x128xf32, #tpu.memory_space<hbm>> -> memref<10000x128xf32, #tpu.memory_space<hbm>>
        tpu.wait_indirect_dma semaphore(%arg10 : memref<!tpu.dma_semaphore, #tpu.memory_space<semaphore_mem>>) src(%dma_wait3A_166 : memref<10000x128xf32, #tpu.memory_space<hbm>>) dst(%arg7 : memref<128x128xf32, #tpu.memory_space<vmem>>)
        %dma_start3A_167 = arith.constant 1 : i32
        %dma_start3A_168 = arith.constant 0 : i32
        %dma_start3A_169 = arith.constant 0 : i32
        %dma_start3A_170 = tpu.memref_slice %arg6[%mul3A_138, %dma_start3A_168, %dma_start3A_169] : memref<40x2x128xi32, #tpu.memory_space<vmem>> -> memref<1x2x128xi32, #tpu.memory_space<vmem>>
        %dma_start3A_171 = tpu.memref_squeeze %dma_start3A_170 : memref<1x2x128xi32, #tpu.memory_space<vmem>> -> memref<2x128xi32, #tpu.memory_space<vmem>>
        %dma_start3A_172 = arith.constant 0 : i32
        %dma_start3A_173 = tpu.memref_slice %dma_start3A_171[%dma_start3A_167, %dma_start3A_172] : memref<2x128xi32, #tpu.memory_space<vmem>> -> memref<1x128xi32, #tpu.memory_space<vmem>>
        %dma_start3A_174 = tpu.memref_squeeze %dma_start3A_173 : memref<1x128xi32, #tpu.memory_space<vmem>> -> memref<128xi32, #tpu.memory_space<vmem>>
        %dma_start3A_175 = arith.constant 0 : i32
        %dma_start3A_176 = arith.constant 0 : i32
        %dma_start3A_177 = tpu.memref_slice %arg9[%dma_start3A_175, %dma_start3A_176] : memref<10112x128xf32, #tpu.memory_space<vmem_shared>> -> memref<10112x128xf32, #tpu.memory_space<vmem_shared>>
        tpu.enqueue_indirect_dma source(%arg7 : memref<128x128xf32, #tpu.memory_space<vmem>>) target(%dma_start3A_177 : memref<10112x128xf32, #tpu.memory_space<vmem_shared>>) offsets(%dma_start3A_174 : memref<128xi32, #tpu.memory_space<vmem>>) semaphore(%arg12 : memref<!tpu.dma_semaphore, #tpu.memory_space<semaphore_mem>>) {add = true}
        %dma_wait3A_178 = arith.constant 0 : i32
        %dma_wait3A_179 = arith.constant 0 : i32
        %dma_wait3A_180 = arith.constant 0 : i32
        %dma_wait3A_181 = tpu.memref_slice %arg6[%add3A_140, %dma_wait3A_179, %dma_wait3A_180] : memref<40x2x128xi32, #tpu.memory_space<vmem>> -> memref<1x2x128xi32, #tpu.memory_space<vmem>>
        %dma_wait3A_182 = tpu.memref_squeeze %dma_wait3A_181 : memref<1x2x128xi32, #tpu.memory_space<vmem>> -> memref<2x128xi32, #tpu.memory_space<vmem>>
        %dma_wait3A_183 = arith.constant 0 : i32
        %dma_wait3A_184 = tpu.memref_slice %dma_wait3A_182[%dma_wait3A_178, %dma_wait3A_183] : memref<2x128xi32, #tpu.memory_space<vmem>> -> memref<1x128xi32, #tpu.memory_space<vmem>>
        %dma_wait3A_185 = tpu.memref_squeeze %dma_wait3A_184 : memref<1x128xi32, #tpu.memory_space<vmem>> -> memref<128xi32, #tpu.memory_space<vmem>>
        %dma_wait3A_186 = arith.constant 0 : i32
        %dma_wait3A_187 = arith.constant 0 : i32
        %dma_wait3A_188 = tpu.memref_slice %arg2[%dma_wait3A_186, %dma_wait3A_187] : memref<10000x128xf32, #tpu.memory_space<hbm>> -> memref<10000x128xf32, #tpu.memory_space<hbm>>
        tpu.wait_indirect_dma semaphore(%arg11 : memref<!tpu.dma_semaphore, #tpu.memory_space<semaphore_mem>>) src(%dma_wait3A_188 : memref<10000x128xf32, #tpu.memory_space<hbm>>) dst(%arg8 : memref<128x128xf32, #tpu.memory_space<vmem>>)
        %dma_wait3A_189 = arith.constant 1 : i32
        %dma_wait3A_190 = arith.constant 0 : i32
        %dma_wait3A_191 = arith.constant 0 : i32
        %dma_wait3A_192 = tpu.memref_slice %arg6[%mul3A_138, %dma_wait3A_190, %dma_wait3A_191] : memref<40x2x128xi32, #tpu.memory_space<vmem>> -> memref<1x2x128xi32, #tpu.memory_space<vmem>>
        %dma_wait3A_193 = tpu.memref_squeeze %dma_wait3A_192 : memref<1x2x128xi32, #tpu.memory_space<vmem>> -> memref<2x128xi32, #tpu.memory_space<vmem>>
        %dma_wait3A_194 = arith.constant 0 : i32
        %dma_wait3A_195 = tpu.memref_slice %dma_wait3A_193[%dma_wait3A_189, %dma_wait3A_194] : memref<2x128xi32, #tpu.memory_space<vmem>> -> memref<1x128xi32, #tpu.memory_space<vmem>>
        %dma_wait3A_196 = tpu.memref_squeeze %dma_wait3A_195 : memref<1x128xi32, #tpu.memory_space<vmem>> -> memref<128xi32, #tpu.memory_space<vmem>>
        %dma_wait3A_197 = arith.constant 0 : i32
        %dma_wait3A_198 = arith.constant 0 : i32
        %dma_wait3A_199 = tpu.memref_slice %arg9[%dma_wait3A_197, %dma_wait3A_198] : memref<10112x128xf32, #tpu.memory_space<vmem_shared>> -> memref<10112x128xf32, #tpu.memory_space<vmem_shared>>
        tpu.wait_indirect_dma semaphore(%arg12 : memref<!tpu.dma_semaphore, #tpu.memory_space<semaphore_mem>>) src(%arg7 : memref<128x128xf32, #tpu.memory_space<vmem>>) dst(%dma_wait3A_199 : memref<10112x128xf32, #tpu.memory_space<vmem_shared>>)
        %add3A_200 = arith.constant 1 : i32
        %add3A_201 = arith.addi %scan3A_136, %add3A_200 : i32
        %lt3A = arith.constant 20 : i32
        %lt3A_202 = arith.cmpi slt, %add3A_201, %lt3A : i32
        %convert_element_type3A_203 = arith.extui %lt3A_202 : i1 to i32
        %cond3A_204 = arith.constant 0 : i32
        %cond3A_205 = arith.cmpi ne, %convert_element_type3A_203, %cond3A_204 : i32
        scf.if %cond3A_205 {
          %add3A_217 = arith.constant 2 : i32
          %add3A_218 = arith.addi %mul3A_138, %add3A_217 : i32
          %dma_start3A_219 = arith.constant 0 : i32
          %dma_start3A_220 = arith.constant 0 : i32
          %dma_start3A_221 = arith.constant 0 : i32
          %dma_start3A_222 = tpu.memref_slice %arg6[%add3A_218, %dma_start3A_220, %dma_start3A_221] : memref<40x2x128xi32, #tpu.memory_space<vmem>> -> memref<1x2x128xi32, #tpu.memory_space<vmem>>
          %dma_start3A_223 = tpu.memref_squeeze %dma_start3A_222 : memref<1x2x128xi32, #tpu.memory_space<vmem>> -> memref<2x128xi32, #tpu.memory_space<vmem>>
          %dma_start3A_224 = arith.constant 0 : i32
          %dma_start3A_225 = tpu.memref_slice %dma_start3A_223[%dma_start3A_219, %dma_start3A_224] : memref<2x128xi32, #tpu.memory_space<vmem>> -> memref<1x128xi32, #tpu.memory_space<vmem>>
          %dma_start3A_226 = tpu.memref_squeeze %dma_start3A_225 : memref<1x128xi32, #tpu.memory_space<vmem>> -> memref<128xi32, #tpu.memory_space<vmem>>
          %dma_start3A_227 = arith.constant 0 : i32
          %dma_start3A_228 = arith.constant 0 : i32
          %dma_start3A_229 = tpu.memref_slice %arg2[%dma_start3A_227, %dma_start3A_228] : memref<10000x128xf32, #tpu.memory_space<hbm>> -> memref<10000x128xf32, #tpu.memory_space<hbm>>
          tpu.enqueue_indirect_dma source(%dma_start3A_229 : memref<10000x128xf32, #tpu.memory_space<hbm>>) target(%arg7 : memref<128x128xf32, #tpu.memory_space<vmem>>) offsets(%dma_start3A_226 : memref<128xi32, #tpu.memory_space<vmem>>) semaphore(%arg10 : memref<!tpu.dma_semaphore, #tpu.memory_space<semaphore_mem>>)
        } else {
        }
        %dma_start3A_206 = arith.constant 1 : i32
        %dma_start3A_207 = arith.constant 0 : i32
        %dma_start3A_208 = arith.constant 0 : i32
        %dma_start3A_209 = tpu.memref_slice %arg6[%add3A_140, %dma_start3A_207, %dma_start3A_208] : memref<40x2x128xi32, #tpu.memory_space<vmem>> -> memref<1x2x128xi32, #tpu.memory_space<vmem>>
        %dma_start3A_210 = tpu.memref_squeeze %dma_start3A_209 : memref<1x2x128xi32, #tpu.memory_space<vmem>> -> memref<2x128xi32, #tpu.memory_space<vmem>>
        %dma_start3A_211 = arith.constant 0 : i32
        %dma_start3A_212 = tpu.memref_slice %dma_start3A_210[%dma_start3A_206, %dma_start3A_211] : memref<2x128xi32, #tpu.memory_space<vmem>> -> memref<1x128xi32, #tpu.memory_space<vmem>>
        %dma_start3A_213 = tpu.memref_squeeze %dma_start3A_212 : memref<1x128xi32, #tpu.memory_space<vmem>> -> memref<128xi32, #tpu.memory_space<vmem>>
        %dma_start3A_214 = arith.constant 0 : i32
        %dma_start3A_215 = arith.constant 0 : i32
        %dma_start3A_216 = tpu.memref_slice %arg9[%dma_start3A_214, %dma_start3A_215] : memref<10112x128xf32, #tpu.memory_space<vmem_shared>> -> memref<10112x128xf32, #tpu.memory_space<vmem_shared>>
        tpu.enqueue_indirect_dma source(%arg8 : memref<128x128xf32, #tpu.memory_space<vmem>>) target(%dma_start3A_216 : memref<10112x128xf32, #tpu.memory_space<vmem_shared>>) offsets(%dma_start3A_213 : memref<128xi32, #tpu.memory_space<vmem>>) semaphore(%arg13 : memref<!tpu.dma_semaphore, #tpu.memory_space<semaphore_mem>>) {add = true}
      }
      %scan3A_123 = arith.constant 20 : i32
      %dma_wait3A_124 = arith.constant 39 : i32
      %dma_wait3A_125 = arith.constant 1 : i32
      %dma_wait3A_126 = arith.constant 0 : i32
      %dma_wait3A_127 = arith.constant 0 : i32
      %dma_wait3A_128 = tpu.memref_slice %arg6[%dma_wait3A_124, %dma_wait3A_126, %dma_wait3A_127] : memref<40x2x128xi32, #tpu.memory_space<vmem>> -> memref<1x2x128xi32, #tpu.memory_space<vmem>>
      %dma_wait3A_129 = tpu.memref_squeeze %dma_wait3A_128 : memref<1x2x128xi32, #tpu.memory_space<vmem>> -> memref<2x128xi32, #tpu.memory_space<vmem>>
      %dma_wait3A_130 = arith.constant 0 : i32
      %dma_wait3A_131 = tpu.memref_slice %dma_wait3A_129[%dma_wait3A_125, %dma_wait3A_130] : memref<2x128xi32, #tpu.memory_space<vmem>> -> memref<1x128xi32, #tpu.memory_space<vmem>>
      %dma_wait3A_132 = tpu.memref_squeeze %dma_wait3A_131 : memref<1x128xi32, #tpu.memory_space<vmem>> -> memref<128xi32, #tpu.memory_space<vmem>>
      %dma_wait3A_133 = arith.constant 0 : i32
      %dma_wait3A_134 = arith.constant 0 : i32
      %dma_wait3A_135 = tpu.memref_slice %arg9[%dma_wait3A_133, %dma_wait3A_134] : memref<10112x128xf32, #tpu.memory_space<vmem_shared>> -> memref<10112x128xf32, #tpu.memory_space<vmem_shared>>
      tpu.wait_indirect_dma semaphore(%arg13 : memref<!tpu.dma_semaphore, #tpu.memory_space<semaphore_mem>>) src(%arg8 : memref<128x128xf32, #tpu.memory_space<vmem>>) dst(%dma_wait3A_135 : memref<10112x128xf32, #tpu.memory_space<vmem_shared>>)
    }
    %barrier3A_88 = arith.constant 0 : index
    tpu.barrier barrier_id(%barrier3A_88)
    "tpu.region"() ({
      %run_scoped3A = tpu.sem_alloc : memref<!tpu.dma_semaphore, #tpu.memory_space<semaphore_mem>>
      %dma_start3A_89 = arith.constant 0 : i32
      %dma_start3A_90 = arith.constant 0 : i32
      %dma_start3A_91 = tpu.memref_slice %arg5[%arg0, %dma_start3A_89, %dma_start3A_90] : memref<2x10112x128xf32, #tpu.memory_space<hbm>> -> memref<1x10112x128xf32, #tpu.memory_space<hbm>>
      %dma_start3A_92 = tpu.memref_squeeze %dma_start3A_91 : memref<1x10112x128xf32, #tpu.memory_space<hbm>> -> memref<10112x128xf32, #tpu.memory_space<hbm>>
      %dma_start3A_93 = arith.constant 0 : i32
      %dma_start3A_94 = tpu.memref_slice %dma_start3A_92[%mul3A_8, %dma_start3A_93] : memref<10112x128xf32, #tpu.memory_space<hbm>> -> memref<632x128xf32, #tpu.memory_space<hbm>>
      %dma_start3A_95 = arith.constant 0 : i32
      %dma_start3A_96 = tpu.memref_slice %arg9[%mul3A_8, %dma_start3A_95] : memref<10112x128xf32, #tpu.memory_space<vmem_shared>> -> memref<632x128xf32, #tpu.memory_space<vmem_shared>>
      tpu.enqueue_dma source(%dma_start3A_96 : memref<632x128xf32, #tpu.memory_space<vmem_shared>>) target(%dma_start3A_94 : memref<632x128xf32, #tpu.memory_space<hbm>>) target_semaphore(%run_scoped3A : memref<!tpu.dma_semaphore, #tpu.memory_space<semaphore_mem>>)
      %dma_wait3A_97 = arith.constant 0 : i32
      %dma_wait3A_98 = arith.constant 0 : i32
      %dma_wait3A_99 = tpu.memref_slice %arg5[%arg0, %dma_wait3A_97, %dma_wait3A_98] : memref<2x10112x128xf32, #tpu.memory_space<hbm>> -> memref<1x10112x128xf32, #tpu.memory_space<hbm>>
      %dma_wait3A_100 = tpu.memref_squeeze %dma_wait3A_99 : memref<1x10112x128xf32, #tpu.memory_space<hbm>> -> memref<10112x128xf32, #tpu.memory_space<hbm>>
      %dma_wait3A_101 = arith.constant 0 : i32
      %dma_wait3A_102 = tpu.memref_slice %dma_wait3A_100[%mul3A_8, %dma_wait3A_101] : memref<10112x128xf32, #tpu.memory_space<hbm>> -> memref<632x128xf32, #tpu.memory_space<hbm>>
      %dma_wait3A_103 = arith.constant 0 : i32
      %dma_wait3A_104 = tpu.memref_slice %arg9[%mul3A_8, %dma_wait3A_103] : memref<10112x128xf32, #tpu.memory_space<vmem_shared>> -> memref<632x128xf32, #tpu.memory_space<vmem_shared>>
      tpu.wait_dma2 semaphore(%run_scoped3A : memref<!tpu.dma_semaphore, #tpu.memory_space<semaphore_mem>>) src(%dma_wait3A_104 : memref<632x128xf32, #tpu.memory_space<vmem_shared>>) dst(%dma_wait3A_102 : memref<632x128xf32, #tpu.memory_space<hbm>>)
      tpu.yield
    }) : () -> ()
    return
  }
}

module attributes {stable_mosaic.version = 14 : i64} {
  func.func @_dense_body(%arg0: i32, %arg1: memref<1x2000x128xf32, #tpu.memory_space<vmem>>, %arg2: memref<1x2000x128xf32, #tpu.memory_space<vmem>>, %arg3: memref<2000x2xf32, #tpu.memory_space<vmem>>, %arg4: memref<2000x128xf32, #tpu.memory_space<vmem>>, %arg5: memref<128x128xf32, #tpu.memory_space<vmem>>, %arg6: memref<128x128xf32, #tpu.memory_space<vmem>>, %arg7: memref<1x128xf32, #tpu.memory_space<vmem>>, %arg8: memref<2000x128xf32, #tpu.memory_space<vmem>>, %arg9: memref<8x128xf32, #tpu.memory_space<vmem>>) attributes {dimension_semantics = [#tpu.dimension_semantics<arbitrary>], iteration_bounds = array<i64: 5>, scalar_prefetch = 0 : i64, scratch_operands = 0 : i64, tpu.core_type = #tpu.core_type<tc>, window_params = [{transform_indices = @transform_0, window_bounds = array<i64: 1, 2000, 128>}, {transform_indices = @transform_1, window_bounds = array<i64: 1, 2000, 128>}, {transform_indices = @transform_2, window_bounds = array<i64: 2000, 2>}, {transform_indices = @transform_3, window_bounds = array<i64: 2000, 128>}, {pipeline_mode = #tpu.pipeline_mode<synchronous>, transform_indices = @transform_4, window_bounds = array<i64: 128, 128>}, {pipeline_mode = #tpu.pipeline_mode<synchronous>, transform_indices = @transform_5, window_bounds = array<i64: 128, 128>}, {pipeline_mode = #tpu.pipeline_mode<synchronous>, transform_indices = @transform_6, window_bounds = array<i64: 1, 128>}, {transform_indices = @transform_7, window_bounds = array<i64: 2000, 128>}, {pipeline_mode = #tpu.pipeline_mode<synchronous>, transform_indices = @transform_8, window_bounds = array<i64: 8, 128>}]} {
    %get3A = arith.constant 0 : index
    %get3A_0 = arith.constant 0 : index
    %get3A_1 = vector.load %arg3[%get3A, %get3A_0] : memref<2000x2xf32, #tpu.memory_space<vmem>>, vector<2000x1xf32>
    %get3A_2 = arith.constant 0 : index
    %get3A_3 = arith.constant 1 : index
    %get3A_4 = vector.load %arg3[%get3A_2, %get3A_3] : memref<2000x2xf32, #tpu.memory_space<vmem>>, vector<2000x1xf32>
    %add3A = arith.addf %get3A_1, %get3A_4 : vector<2000x1xf32>
    %max3A = arith.constant 1.000000e+00 : f32
    %max3A_5 = vector.broadcast %max3A : f32 to vector<2000x1xf32>
    %max3A_6 = arith.maximumf %add3A, %max3A_5 : vector<2000x1xf32>
    %div3A = arith.constant 1.000000e+00 : f32
    %div3A_7 = vector.broadcast %div3A : f32 to vector<2000x1xf32>
    %div3A_8 = arith.divf %div3A_7, %max3A_6 : vector<2000x1xf32>
    %get3A_9 = arith.constant 0 : index
    %get3A_10 = arith.constant 0 : index
    %get3A_11 = arith.constant 0 : index
    %get3A_12 = vector.load %arg1[%get3A_9, %get3A_10, %get3A_11] : memref<1x2000x128xf32, #tpu.memory_space<vmem>>, vector<1x2000x128xf32>
    %get3A_13 = vector.shape_cast %get3A_12 : vector<1x2000x128xf32> to vector<2000x128xf32>
    %get3A_14 = arith.constant 0 : index
    %get3A_15 = arith.constant 0 : index
    %get3A_16 = arith.constant 0 : index
    %get3A_17 = vector.load %arg2[%get3A_14, %get3A_15, %get3A_16] : memref<1x2000x128xf32, #tpu.memory_space<vmem>>, vector<1x2000x128xf32>
    %get3A_18 = vector.shape_cast %get3A_17 : vector<1x2000x128xf32> to vector<2000x128xf32>
    %add3A_19 = arith.addf %get3A_13, %get3A_18 : vector<2000x128xf32>
    %mul3A = vector.broadcast %div3A_8 : vector<2000x1xf32> to vector<2000x128xf32>
    %mul3A_20 = arith.mulf %add3A_19, %mul3A : vector<2000x128xf32>
    %get3A_21 = arith.constant 0 : index
    %get3A_22 = arith.constant 0 : index
    %get3A_23 = vector.load %arg5[%get3A_21, %get3A_22] : memref<128x128xf32, #tpu.memory_space<vmem>>, vector<128x128xf32>
    %dot_general3A = arith.constant dense<0.000000e+00> : vector<2000x128xf32>
    %dot_general3A_24 = tpu.matmul %mul3A_20, %get3A_23, %dot_general3A {dimension_numbers = #tpu.dot_dimension_numbers<[1], [1], [0], [0], [0, 0, 1, 0], [], []>, transpose_lhs_hint = false} : vector<2000x128xf32>, vector<128x128xf32>, vector<2000x128xf32> -> vector<2000x128xf32>
    %get3A_25 = arith.constant 0 : index
    %get3A_26 = arith.constant 0 : index
    %get3A_27 = vector.load %arg4[%get3A_25, %get3A_26] : memref<2000x128xf32, #tpu.memory_space<vmem>>, vector<2000x128xf32>
    %get3A_28 = arith.constant 0 : index
    %get3A_29 = arith.constant 0 : index
    %get3A_30 = vector.load %arg6[%get3A_28, %get3A_29] : memref<128x128xf32, #tpu.memory_space<vmem>>, vector<128x128xf32>
    %dot_general3A_31 = arith.constant dense<0.000000e+00> : vector<2000x128xf32>
    %dot_general3A_32 = tpu.matmul %get3A_27, %get3A_30, %dot_general3A_31 {dimension_numbers = #tpu.dot_dimension_numbers<[1], [1], [0], [0], [0, 0, 1, 0], [], []>, transpose_lhs_hint = false} : vector<2000x128xf32>, vector<128x128xf32>, vector<2000x128xf32> -> vector<2000x128xf32>
    %add3A_33 = arith.addf %dot_general3A_24, %dot_general3A_32 : vector<2000x128xf32>
    %get3A_34 = arith.constant 0 : index
    %get3A_35 = arith.constant 0 : index
    %get3A_36 = vector.load %arg7[%get3A_34, %get3A_35] : memref<1x128xf32, #tpu.memory_space<vmem>>, vector<1x128xf32>
    %add3A_37 = vector.broadcast %get3A_36 : vector<1x128xf32> to vector<2000x128xf32>
    %add3A_38 = arith.addf %add3A_33, %add3A_37 : vector<2000x128xf32>
    %swap3A = arith.constant 0 : index
    %swap3A_39 = arith.constant 0 : index
    %swap3A_40 = vector.load %arg8[%swap3A, %swap3A_39] : memref<2000x128xf32, #tpu.memory_space<vmem>>, vector<2000x128xf32>
    tpu.vector_store %arg8[%swap3A, %swap3A_39], %add3A_38 {strides = array<i32>} : memref<2000x128xf32, #tpu.memory_space<vmem>>, vector<2000x128xf32>,
    %reduce_sum3A = arith.constant dense<0.000000e+00> : vector<128xf32>
    %reduce_sum3A_41 = vector.multi_reduction <add>, %add3A_38, %reduce_sum3A [0] : vector<2000x128xf32> to vector<128xf32>
    %broadcast_in_dim3A = vector.shape_cast %reduce_sum3A_41 : vector<128xf32> to vector<1x128xf32>
    %mul3A_42 = arith.mulf %add3A_38, %add3A_38 : vector<2000x128xf32>
    %reduce_sum3A_43 = arith.constant dense<0.000000e+00> : vector<128xf32>
    %reduce_sum3A_44 = vector.multi_reduction <add>, %mul3A_42, %reduce_sum3A_43 [0] : vector<2000x128xf32> to vector<128xf32>
    %broadcast_in_dim3A_45 = vector.shape_cast %reduce_sum3A_44 : vector<128xf32> to vector<1x128xf32>
    %broadcast_in_dim3A_46 = arith.constant 0.000000e+00 : f32
    %broadcast_in_dim3A_47 = vector.broadcast %broadcast_in_dim3A_46 : f32 to vector<6x128xf32>
    %concatenate3A = tpu.concatenate %broadcast_in_dim3A, %broadcast_in_dim3A_45, %broadcast_in_dim3A_47 in 0 : vector<1x128xf32>, vector<1x128xf32>, vector<6x128xf32> -> vector<8x128xf32>
    %eq3A = arith.constant 0 : i32
    %eq3A_48 = arith.cmpi eq, %arg0, %eq3A : i32
    %convert_element_type3A = arith.extui %eq3A_48 : i1 to i32
    %cond3A = arith.constant 0 : i32
    %cond3A_49 = arith.cmpi ne, %convert_element_type3A, %cond3A : i32
    scf.if %cond3A_49 {
      %broadcast_in_dim3A_57 = arith.constant 0.000000e+00 : f32
      %broadcast_in_dim3A_58 = vector.broadcast %broadcast_in_dim3A_57 : f32 to vector<8x128xf32>
      %swap3A_59 = arith.constant 0 : index
      %swap3A_60 = arith.constant 0 : index
      %swap3A_61 = vector.load %arg9[%swap3A_59, %swap3A_60] : memref<8x128xf32, #tpu.memory_space<vmem>>, vector<8x128xf32>
      tpu.vector_store %arg9[%swap3A_59, %swap3A_60], %broadcast_in_dim3A_58 {strides = array<i32>} : memref<8x128xf32, #tpu.memory_space<vmem>>, vector<8x128xf32>,
    } else {
    }
    %get3A_50 = arith.constant 0 : index
    %get3A_51 = arith.constant 0 : index
    %get3A_52 = vector.load %arg9[%get3A_50, %get3A_51] : memref<8x128xf32, #tpu.memory_space<vmem>>, vector<8x128xf32>
    %add3A_53 = arith.addf %get3A_52, %concatenate3A : vector<8x128xf32>
    %swap3A_54 = arith.constant 0 : index
    %swap3A_55 = arith.constant 0 : index
    %swap3A_56 = vector.load %arg9[%swap3A_54, %swap3A_55] : memref<8x128xf32, #tpu.memory_space<vmem>>, vector<8x128xf32>
    tpu.vector_store %arg9[%swap3A_54, %swap3A_55], %add3A_53 {strides = array<i32>} : memref<8x128xf32, #tpu.memory_space<vmem>>, vector<8x128xf32>,
    return
  }
  func.func @transform_0(%arg0: i32) -> (i32, i32, i32) {
    %c0_i32 = arith.constant 0 : i32
    %c0_i32_0 = arith.constant 0 : i32
    %c0_i32_1 = arith.constant 0 : i32
    return %c0_i32, %arg0, %c0_i32_0 : i32, i32, i32
  }
  func.func @transform_1(%arg0: i32) -> (i32, i32, i32) {
    %c1_i32 = arith.constant 1 : i32
    %c0_i32 = arith.constant 0 : i32
    %c0_i32_0 = arith.constant 0 : i32
    return %c1_i32, %arg0, %c0_i32 : i32, i32, i32
  }
  func.func @transform_2(%arg0: i32) -> (i32, i32) {
    %c0_i32 = arith.constant 0 : i32
    %c0_i32_0 = arith.constant 0 : i32
    return %arg0, %c0_i32 : i32, i32
  }
  func.func @transform_3(%arg0: i32) -> (i32, i32) {
    %c0_i32 = arith.constant 0 : i32
    %c0_i32_0 = arith.constant 0 : i32
    return %arg0, %c0_i32 : i32, i32
  }
  func.func @transform_4(%arg0: i32) -> (i32, i32) {
    %c0_i32 = arith.constant 0 : i32
    %c0_i32_0 = arith.constant 0 : i32
    %c0_i32_1 = arith.constant 0 : i32
    return %c0_i32, %c0_i32_0 : i32, i32
  }
  func.func @transform_5(%arg0: i32) -> (i32, i32) {
    %c0_i32 = arith.constant 0 : i32
    %c0_i32_0 = arith.constant 0 : i32
    %c0_i32_1 = arith.constant 0 : i32
    return %c0_i32, %c0_i32_0 : i32, i32
  }
  func.func @transform_6(%arg0: i32) -> (i32, i32) {
    %c0_i32 = arith.constant 0 : i32
    %c0_i32_0 = arith.constant 0 : i32
    %c0_i32_1 = arith.constant 0 : i32
    return %c0_i32, %c0_i32_0 : i32, i32
  }
  func.func @transform_7(%arg0: i32) -> (i32, i32) {
    %c0_i32 = arith.constant 0 : i32
    %c0_i32_0 = arith.constant 0 : i32
    return %arg0, %c0_i32 : i32, i32
  }
  func.func @transform_8(%arg0: i32) -> (i32, i32) {
    %c0_i32 = arith.constant 0 : i32
    %c0_i32_0 = arith.constant 0 : i32
    %c0_i32_1 = arith.constant 0 : i32
    return %c0_i32, %c0_i32_0 : i32, i32
  }
}

module attributes {stable_mosaic.version = 14 : i64} {
  func.func @_bn_body(%arg0: i32, %arg1: memref<2000x128xf32, #tpu.memory_space<vmem>>, %arg2: memref<8x128xf32, #tpu.memory_space<vmem>>, %arg3: memref<1x128xf32, #tpu.memory_space<vmem>>, %arg4: memref<1x128xf32, #tpu.memory_space<vmem>>, %arg5: memref<2000x128xf32, #tpu.memory_space<vmem>>) attributes {dimension_semantics = [#tpu.dimension_semantics<arbitrary>], iteration_bounds = array<i64: 5>, scalar_prefetch = 0 : i64, scratch_operands = 0 : i64, tpu.core_type = #tpu.core_type<tc>, window_params = [{transform_indices = @transform_0, window_bounds = array<i64: 2000, 128>}, {pipeline_mode = #tpu.pipeline_mode<synchronous>, transform_indices = @transform_1, window_bounds = array<i64: 8, 128>}, {pipeline_mode = #tpu.pipeline_mode<synchronous>, transform_indices = @transform_2, window_bounds = array<i64: 1, 128>}, {pipeline_mode = #tpu.pipeline_mode<synchronous>, transform_indices = @transform_3, window_bounds = array<i64: 1, 128>}, {transform_indices = @transform_4, window_bounds = array<i64: 2000, 128>}]} {
    %get3A = arith.constant 0 : index
    %get3A_0 = arith.constant 0 : index
    %get3A_1 = vector.load %arg2[%get3A, %get3A_0] : memref<8x128xf32, #tpu.memory_space<vmem>>, vector<8x128xf32>
    %slice3A = vector.extract_strided_slice %get3A_1 {offsets = [0, 0], sizes = [1, 128], strides = [1, 1]} : vector<8x128xf32> to vector<1x128xf32>
    %mul3A = arith.constant 9.99999974E-5 : f32
    %mul3A_2 = vector.broadcast %mul3A : f32 to vector<1x128xf32>
    %mul3A_3 = arith.mulf %slice3A, %mul3A_2 : vector<1x128xf32>
    %slice3A_4 = vector.extract_strided_slice %get3A_1 {offsets = [1, 0], sizes = [1, 128], strides = [1, 1]} : vector<8x128xf32> to vector<1x128xf32>
    %mul3A_5 = arith.constant 9.99999974E-5 : f32
    %mul3A_6 = vector.broadcast %mul3A_5 : f32 to vector<1x128xf32>
    %mul3A_7 = arith.mulf %slice3A_4, %mul3A_6 : vector<1x128xf32>
    %mul3A_8 = arith.mulf %mul3A_3, %mul3A_3 : vector<1x128xf32>
    %sub3A = arith.subf %mul3A_7, %mul3A_8 : vector<1x128xf32>
    %get3A_9 = arith.constant 0 : index
    %get3A_10 = arith.constant 0 : index
    %get3A_11 = vector.load %arg3[%get3A_9, %get3A_10] : memref<1x128xf32, #tpu.memory_space<vmem>>, vector<1x128xf32>
    %add3A = arith.constant 9.99999974E-6 : f32
    %add3A_12 = vector.broadcast %add3A : f32 to vector<1x128xf32>
    %add3A_13 = arith.addf %sub3A, %add3A_12 : vector<1x128xf32>
    %rsqrt3A = math.rsqrt %add3A_13 : vector<1x128xf32>
    %mul3A_14 = arith.mulf %get3A_11, %rsqrt3A : vector<1x128xf32>
    %get3A_15 = arith.constant 0 : index
    %get3A_16 = arith.constant 0 : index
    %get3A_17 = vector.load %arg1[%get3A_15, %get3A_16] : memref<2000x128xf32, #tpu.memory_space<vmem>>, vector<2000x128xf32>
    %sub3A_18 = vector.broadcast %mul3A_3 : vector<1x128xf32> to vector<2000x128xf32>
    %sub3A_19 = arith.subf %get3A_17, %sub3A_18 : vector<2000x128xf32>
    %mul3A_20 = vector.broadcast %mul3A_14 : vector<1x128xf32> to vector<2000x128xf32>
    %mul3A_21 = arith.mulf %sub3A_19, %mul3A_20 : vector<2000x128xf32>
    %get3A_22 = arith.constant 0 : index
    %get3A_23 = arith.constant 0 : index
    %get3A_24 = vector.load %arg4[%get3A_22, %get3A_23] : memref<1x128xf32, #tpu.memory_space<vmem>>, vector<1x128xf32>
    %add3A_25 = vector.broadcast %get3A_24 : vector<1x128xf32> to vector<2000x128xf32>
    %add3A_26 = arith.addf %mul3A_21, %add3A_25 : vector<2000x128xf32>
    %max3A = arith.constant 0.000000e+00 : f32
    %max3A_27 = vector.broadcast %max3A : f32 to vector<2000x128xf32>
    %max3A_28 = arith.maximumf %add3A_26, %max3A_27 : vector<2000x128xf32>
    %swap3A = arith.constant 0 : index
    %swap3A_29 = arith.constant 0 : index
    %swap3A_30 = vector.load %arg5[%swap3A, %swap3A_29] : memref<2000x128xf32, #tpu.memory_space<vmem>>, vector<2000x128xf32>
    tpu.vector_store %arg5[%swap3A, %swap3A_29], %max3A_28 {strides = array<i32>} : memref<2000x128xf32, #tpu.memory_space<vmem>>, vector<2000x128xf32>,
    return
  }
  func.func @transform_0(%arg0: i32) -> (i32, i32) {
    %c0_i32 = arith.constant 0 : i32
    %c0_i32_0 = arith.constant 0 : i32
    return %arg0, %c0_i32 : i32, i32
  }
  func.func @transform_1(%arg0: i32) -> (i32, i32) {
    %c0_i32 = arith.constant 0 : i32
    %c0_i32_0 = arith.constant 0 : i32
    %c0_i32_1 = arith.constant 0 : i32
    return %c0_i32, %c0_i32_0 : i32, i32
  }
  func.func @transform_2(%arg0: i32) -> (i32, i32) {
    %c0_i32 = arith.constant 0 : i32
    %c0_i32_0 = arith.constant 0 : i32
    %c0_i32_1 = arith.constant 0 : i32
    return %c0_i32, %c0_i32_0 : i32, i32
  }
  func.func @transform_3(%arg0: i32) -> (i32, i32) {
    %c0_i32 = arith.constant 0 : i32
    %c0_i32_0 = arith.constant 0 : i32
    %c0_i32_1 = arith.constant 0 : i32
    return %c0_i32, %c0_i32_0 : i32, i32
  }
  func.func @transform_4(%arg0: i32) -> (i32, i32) {
    %c0_i32 = arith.constant 0 : i32
    %c0_i32_0 = arith.constant 0 : i32
    return %arg0, %c0_i32 : i32, i32
  }
}

module attributes {stable_mosaic.version = 14 : i64} {
  func.func @_bn_body(%arg0: i32, %arg1: memref<2000x128xf32, #tpu.memory_space<vmem>>, %arg2: memref<8x128xf32, #tpu.memory_space<vmem>>, %arg3: memref<1x128xf32, #tpu.memory_space<vmem>>, %arg4: memref<1x128xf32, #tpu.memory_space<vmem>>, %arg5: memref<2000x128xf32, #tpu.memory_space<vmem>>) attributes {dimension_semantics = [#tpu.dimension_semantics<arbitrary>], iteration_bounds = array<i64: 5>, scalar_prefetch = 0 : i64, scratch_operands = 0 : i64, tpu.core_type = #tpu.core_type<tc>, window_params = [{transform_indices = @transform_0, window_bounds = array<i64: 2000, 128>}, {pipeline_mode = #tpu.pipeline_mode<synchronous>, transform_indices = @transform_1, window_bounds = array<i64: 8, 128>}, {pipeline_mode = #tpu.pipeline_mode<synchronous>, transform_indices = @transform_2, window_bounds = array<i64: 1, 128>}, {pipeline_mode = #tpu.pipeline_mode<synchronous>, transform_indices = @transform_3, window_bounds = array<i64: 1, 128>}, {transform_indices = @transform_4, window_bounds = array<i64: 2000, 128>}]} {
    %get3A = arith.constant 0 : index
    %get3A_0 = arith.constant 0 : index
    %get3A_1 = vector.load %arg2[%get3A, %get3A_0] : memref<8x128xf32, #tpu.memory_space<vmem>>, vector<8x128xf32>
    %slice3A = vector.extract_strided_slice %get3A_1 {offsets = [0, 0], sizes = [1, 128], strides = [1, 1]} : vector<8x128xf32> to vector<1x128xf32>
    %mul3A = arith.constant 9.99999974E-5 : f32
    %mul3A_2 = vector.broadcast %mul3A : f32 to vector<1x128xf32>
    %mul3A_3 = arith.mulf %slice3A, %mul3A_2 : vector<1x128xf32>
    %slice3A_4 = vector.extract_strided_slice %get3A_1 {offsets = [1, 0], sizes = [1, 128], strides = [1, 1]} : vector<8x128xf32> to vector<1x128xf32>
    %mul3A_5 = arith.constant 9.99999974E-5 : f32
    %mul3A_6 = vector.broadcast %mul3A_5 : f32 to vector<1x128xf32>
    %mul3A_7 = arith.mulf %slice3A_4, %mul3A_6 : vector<1x128xf32>
    %mul3A_8 = arith.mulf %mul3A_3, %mul3A_3 : vector<1x128xf32>
    %sub3A = arith.subf %mul3A_7, %mul3A_8 : vector<1x128xf32>
    %get3A_9 = arith.constant 0 : index
    %get3A_10 = arith.constant 0 : index
    %get3A_11 = vector.load %arg3[%get3A_9, %get3A_10] : memref<1x128xf32, #tpu.memory_space<vmem>>, vector<1x128xf32>
    %add3A = arith.constant 9.99999974E-6 : f32
    %add3A_12 = vector.broadcast %add3A : f32 to vector<1x128xf32>
    %add3A_13 = arith.addf %sub3A, %add3A_12 : vector<1x128xf32>
    %rsqrt3A = math.rsqrt %add3A_13 : vector<1x128xf32>
    %mul3A_14 = arith.mulf %get3A_11, %rsqrt3A : vector<1x128xf32>
    %get3A_15 = arith.constant 0 : index
    %get3A_16 = arith.constant 0 : index
    %get3A_17 = vector.load %arg1[%get3A_15, %get3A_16] : memref<2000x128xf32, #tpu.memory_space<vmem>>, vector<2000x128xf32>
    %sub3A_18 = vector.broadcast %mul3A_3 : vector<1x128xf32> to vector<2000x128xf32>
    %sub3A_19 = arith.subf %get3A_17, %sub3A_18 : vector<2000x128xf32>
    %mul3A_20 = vector.broadcast %mul3A_14 : vector<1x128xf32> to vector<2000x128xf32>
    %mul3A_21 = arith.mulf %sub3A_19, %mul3A_20 : vector<2000x128xf32>
    %get3A_22 = arith.constant 0 : index
    %get3A_23 = arith.constant 0 : index
    %get3A_24 = vector.load %arg4[%get3A_22, %get3A_23] : memref<1x128xf32, #tpu.memory_space<vmem>>, vector<1x128xf32>
    %add3A_25 = vector.broadcast %get3A_24 : vector<1x128xf32> to vector<2000x128xf32>
    %add3A_26 = arith.addf %mul3A_21, %add3A_25 : vector<2000x128xf32>
    %max3A = arith.constant 0.000000e+00 : f32
    %max3A_27 = vector.broadcast %max3A : f32 to vector<2000x128xf32>
    %max3A_28 = arith.maximumf %add3A_26, %max3A_27 : vector<2000x128xf32>
    %swap3A = arith.constant 0 : index
    %swap3A_29 = arith.constant 0 : index
    %swap3A_30 = vector.load %arg5[%swap3A, %swap3A_29] : memref<2000x128xf32, #tpu.memory_space<vmem>>, vector<2000x128xf32>
    tpu.vector_store %arg5[%swap3A, %swap3A_29], %max3A_28 {strides = array<i32>} : memref<2000x128xf32, #tpu.memory_space<vmem>>, vector<2000x128xf32>,
    return
  }
  func.func @transform_0(%arg0: i32) -> (i32, i32) {
    %c0_i32 = arith.constant 0 : i32
    %c0_i32_0 = arith.constant 0 : i32
    return %arg0, %c0_i32 : i32, i32
  }
  func.func @transform_1(%arg0: i32) -> (i32, i32) {
    %c0_i32 = arith.constant 0 : i32
    %c0_i32_0 = arith.constant 0 : i32
    %c0_i32_1 = arith.constant 0 : i32
    return %c0_i32, %c0_i32_0 : i32, i32
  }
  func.func @transform_2(%arg0: i32) -> (i32, i32) {
    %c0_i32 = arith.constant 0 : i32
    %c0_i32_0 = arith.constant 0 : i32
    %c0_i32_1 = arith.constant 0 : i32
    return %c0_i32, %c0_i32_0 : i32, i32
  }
  func.func @transform_3(%arg0: i32) -> (i32, i32) {
    %c0_i32 = arith.constant 0 : i32
    %c0_i32_0 = arith.constant 0 : i32
    %c0_i32_1 = arith.constant 0 : i32
    return %c0_i32, %c0_i32_0 : i32, i32
  }
  func.func @transform_4(%arg0: i32) -> (i32, i32) {
    %c0_i32 = arith.constant 0 : i32
    %c0_i32_0 = arith.constant 0 : i32
    return %arg0, %c0_i32 : i32, i32
  }
}

</mosaic_0001>

<sc_bundles>
// kernel: kernel.11.cloned.1.call-start
scs
__scs_entry_jumppad:
0x0: {  	(pc) =	sbr.rel $0x88, $3  }
0x1: {  	(tag) =	ssettag $0x0;
	lr =	simm.s32 $0x1  }
0x2: {  	[smem:$0x3F95] =	sst lr;
	_ =	strace $0xD0000000  }
0x3: {  	_ = 	snop  }
0x4: {  	_ = 	snop  }
0x5: {  	_ = 	snop  }
0x6: {  	_ = 	snop  }
0x7: {  	_ = 	snop  }
__scs_overlays_trampoline_lowered:
0x8: {  	[smem:$0x3FA4] =	sst s0  }
0x9: {  	[smem:$0x3FA5] =	sst s1  }
0xa: {  	[smem:$0x3FA6] =	sst s2  }
0xb: {  	[smem:$0x3FA7] =	sst s3  }
0xc: {  	[smem:$0x3FA8] =	sst s4  }
0xd: {  	[smem:$0x3FA9] =	sst s5  }
0xe: {  	[smem:$0x3FAA] =	sst s6  }
0xf: {  	[smem:$0x3FAB] =	sst s7  }
0x10: {  	[smem:$0x3FAC] =	sst s8  }
0x11: {  	[smem:$0x3FAD] =	sst s9;
	s0 =	simm.s32 @!p0 $0x0  }
0x12: {  	s1 =	sld [smem:$0x3F93];
	s0 =	simm.s32 @p0 $0x1  }
0x13: {  	[smem:$0x3FAE] =	sst s0;
	s0 =	simm.s32 @!p1 $0x0  }
0x14: {  	s2 =	sld [smem:$0x3F92];
	s0 =	simm.s32 @p1 $0x1  }
0x15: {  	[smem:$0x3FAF] =	sst s0;
	s0 =	simm.s32 @!p2 $0x0  }
0x16: {  	s3 =	sld [smem:$0x3FDB];
	s0 =	simm.s32 @p2 $0x1  }
0x17: {  	s4 =	simm.s32 $0x1BF5;
	[smem:$0x3FB1] =	sst s0  }
0x18: {  	s0 =	sld [smem:$0x3F94];
	_ =	swait.ge [sflag:s4], $0x0  }
0x19: {  	s7 =	sld [smem:$0x3F95]  }
0x1a: {  	s8 =	sadd.s32 $0xFFFFE003, lr  }
0x1b: {  	s9 =	sadd.s32 $0xFFFFFEF7, lr;
	s5 =	simm.s32 $0xFFFFFFFF;
	p2 =	slt.u32 s8, $0xFFFFF086  }
0x1c: {  	p1 =	slt.u32 s9, $0xF7A;
	s5 =	simm.s32 @!p2 $0x0  }
0x1d: {  	s5 =	simm.s32 @p1 $0x1;
	p0 =	seq.s32 s7, s2  }
0x1e: {  	s7 =	smul.u32 @!p0 $0xF7A, s2;
	p2 =	seq.s32 @!p0 s5, $0x0  }
0x1f: {  	s9 =	smul.u32 $0xF7A, s1;
	s8 =	simm.s32 @!p0 $0x1BF5;
	p2 =	por !p2, p0  }
0x20: {  	[sflag:s8] =	ssyncset.s32 @!p0 $0xFFFFF086;
	s6 =	sadd.s32 @!p0 s3, s7;
	s7 =	simm.s32 @!p0 $0x108  }
0x21: {  	s3 =	sadd.s32 s3, s9;
	s6 =	sadd.s32 @!p0 $0x88, s6;
	s7 =	simm.s32 @p2 $0x1082  }
0x22: {  	[simem:s7], [sflag:s8] =	dma.local @!p0 [hbm:s6], $0xF7A  }
0x23: {  	s9 =	sor.u32 $0xD0000000, s2;
	s6 =	simm.s32 $0x108;
	_ =	swait.ge @!p0 [sflag:s8], $0x0  }
0x24: {  	s3 =	sadd.s32 $0x88, s3;
	s6 =	simm.s32 @!p1 $0x1082;
	[sflag:s4] =	ssyncset.s32 $0xFFFFF086  }
0x25: {  	[simem:s6], [sflag:s4] =	dma.local [hbm:s3], $0xF7A  }
0x26: {  	[smem:$0x3F95] =	sst s1;
	(tag) =	ssettag s2;
	_ =	strace s9  }
0x27: {  	s1 =	sld [smem:$0x3FA5]  }
0x28: {  	s2 =	sld [smem:$0x3FA6]  }
0x29: {  	s4 =	sld [smem:$0x3FA8]  }
0x2a: {  	p0 =	seq.s32 s5, $0x0;
	s5 =	sld [smem:$0x3FA9]  }
0x2b: {  	s6 =	sld [smem:$0x3FAA]  }
0x2c: {  	s7 =	sld [smem:$0x3FAB]  }
0x2d: {  	s3 =	simm.s32 $0x108;
	s8 =	sld [smem:$0x3FAC]  }
0x2e: {  	s3 =	simm.s32 @!p0 $0x1082;
	s9 =	sld [smem:$0x3FAD]  }
0x2f: {  	lr =	sadd.s32 s0, s3;
	s0 =	sld [smem:$0x3FA4]  }
0x30: {  	s3 =	sld [smem:$0x3FA7]  }
0x31: {  	[smem:$0x3FB0] =	sst s10  }
0x32: {  	s10 =	sld [smem:$0x3FAE];
	_ =	sdelay $0x3  }
0x33: {  	p0 =	seq.s32 s10, $0x1;
	s10 =	sld [smem:$0x3FB0];
	_ =	sdelay $0x3  }
0x34: {  	[smem:$0x3FB0] =	sst s10  }
0x35: {  	s10 =	sld [smem:$0x3FAF];
	_ =	sdelay $0x3  }
0x36: {  	p1 =	seq.s32 s10, $0x1;
	s10 =	sld [smem:$0x3FB0];
	_ =	sdelay $0x3  }
0x37: {  	[smem:$0x3FB0] =	sst s10  }
0x38: {  	s10 =	sld [smem:$0x3FB1]  }
0x39: {  	_ = 	snop;
	(pc) =	sbr.ind lr, $3  }
0x3a: {  	_ = 	snop  }
0x3b: {  	_ = 	snop  }
0x3c: {  	p2 =	seq.s32 s10, $0x1;
	s10 =	sld [smem:$0x3FB0]  }
0x3d: {  	_ =	shalt  }
0x3e: {  	_ =	shalt  }
0x3f: {  	_ =	shalt  }
0x40: {  	_ =	shalt  }
0x41: {  	_ =	shalt  }
0x42: {  	_ =	shalt  }
0x43: {  	_ =	shalt  }
0x44: {  	_ =	shalt  }
0x45: {  	_ =	shalt  }
0x46: {  	_ =	shalt  }
0x47: {  	_ =	shalt  }
0x48: {  	_ =	shalt  }
0x49: {  	_ =	shalt  }
0x4a: {  	_ =	shalt  }
0x4b: {  	_ =	shalt  }
0x4c: {  	_ =	shalt  }
0x4d: {  	_ =	shalt  }
0x4e: {  	_ =	shalt  }
0x4f: {  	_ =	shalt  }
0x50: {  	_ =	shalt  }
0x51: {  	_ =	shalt  }
0x52: {  	_ =	shalt  }
0x53: {  	_ =	shalt  }
0x54: {  	_ =	shalt  }
0x55: {  	_ =	shalt  }
0x56: {  	_ =	shalt  }
0x57: {  	_ =	shalt  }
0x58: {  	_ =	shalt  }
0x59: {  	_ =	shalt  }
0x5a: {  	_ =	shalt  }
0x5b: {  	_ =	shalt  }
0x5c: {  	_ =	shalt  }
0x5d: {  	_ =	shalt  }
0x5e: {  	_ =	shalt  }
0x5f: {  	_ =	shalt  }
0x60: {  	_ =	shalt  }
0x61: {  	_ =	shalt  }
0x62: {  	_ =	shalt  }
0x63: {  	_ =	shalt  }
0x64: {  	_ =	shalt  }
0x65: {  	_ =	shalt  }
0x66: {  	_ =	shalt  }
0x67: {  	_ =	shalt  }
0x68: {  	_ =	shalt  }
0x69: {  	_ =	shalt  }
0x6a: {  	_ =	shalt  }
0x6b: {  	_ =	shalt  }
0x6c: {  	_ =	shalt  }
0x6d: {  	_ =	shalt  }
0x6e: {  	_ =	shalt  }
0x6f: {  	_ =	shalt  }
0x70: {  	_ =	shalt  }
0x71: {  	_ =	shalt  }
0x72: {  	_ =	shalt  }
0x73: {  	_ =	shalt  }
0x74: {  	_ =	shalt  }
0x75: {  	_ =	shalt  }
0x76: {  	_ =	shalt  }
0x77: {  	_ =	shalt  }
0x78: {  	_ =	shalt  }
0x79: {  	_ =	shalt  }
0x7a: {  	_ =	shalt  }
0x7b: {  	_ =	shalt  }
0x7c: {  	_ =	shalt  }
0x7d: {  	_ =	shalt  }
0x7e: {  	_ =	shalt  }
0x7f: {  	_ =	shalt  }
0x80: {  	_ =	shalt  }
0x81: {  	_ =	shalt  }
0x82: {  	_ =	shalt  }
0x83: {  	_ =	shalt  }
0x84: {  	_ =	shalt  }
0x85: {  	_ =	shalt  }
0x86: {  	_ =	shalt  }
0x87: {  	_ =	shalt  }
.Lfunc_end0:
.L_simem_size_0:
called_computation.1_lowered:
.L_overlay_start_0:
0x88: {  	s2 =	sld [smem:$0x3FD9]  }
0x89: {  	s3 =	sld [smem:$0x3FFE];
	_ =	sdelay $0x1  }
0x8a: {  	s1 =	srdreg.scid  }
0x8b: {  	s0 =	sand.u32 $0x1, s1  }
0x8c: {  	s17 =	sshll.u32 s0, $0xA;
	s2 =	sadd.s32 s3, s2  }
0x8d: {  	s2 =	sadd.s32 s2, s17  }
0x8e: {  	[smem:$0x3FBC] =	sst s2  }
0x8f: {  	_ = 	snop  }
0x90: {  	s2 =	sld [smem:$0x3FC8]  }
0x91: {  	s18 =	sld [smem:$0x3FD0];
	(tm) =	ssettm $0x1  }
0x92: {  	s4 =	sld [smem:$0x3FFB];
	_ =	sdelay $0x3  }
0x93: {  	_ =	strace s4  }
0x94: {  	s4 =	sld [smem:$0x3FFC];
	_ =	sdelay $0x3  }
0x95: {  	_ =	strace s4  }
0x96: {  	s4 =	sld [smem:$0x3FFD];
	_ =	sdelay $0x3  }
0x97: {  	_ =	strace s4  }
0x98: {  	_ =	strace $0x8FFFFFFF  }
0x99: {  	s19 =	sld [smem:$0x3FDB];
	_ =	sdelay $0x1  }
0x9a: {  	s5 =	simm.s32 $_scs_section_size  }
0x9b: {  	s6 =	simm.s32 $_size__tile_overlayer_lowered;
	s7 =	simm.s32 $_tile_overlayer_lowered  }
0x9c: {  	s22 =	simm.s32 $0x1BFF;
	s21 =	sshll.u32 s7, $0x1;
	s4 =	sadd.s32 s5, s19  }
0x9d: {  	s8 =	simm.s32 $0x0;
	s20 =	sshll.u32 s6, $0x1;
	s6 =	sadd.s32 s21, s4  }
0x9e: {  	[timem:s8], [sflag:s22] =	dma.local [hbm:s6], s20  }
0x9f: {  	_ =	swait.ge [sflag:s22], s20  }
0xa0: {  	s5 =	ssub.s32 $0x0, s20;
	[sflag:s22] =	ssyncset.done $0x0  }
0xa1: {  	[sflag:s22] =	ssyncadd.s32 s5;
	_ =	sdelay $0x1  }
0xa2: {  	s23 =	simm.s32 $0x1B8B  }
0xa3: {  	_ =	swait.ge [sflag:s23], $0x1  }
0xa4: {  	[sflag:s23] =	ssyncset.done $0x0  }
0xa5: {  	s25 =	simm.s32 $0x1B8E;
	s24 =	sld [smem:$0x3FFE];
	[sflag:s23] =	ssyncadd.s32 $0xFFFFFFFF  }
0xa6: {  	s26 =	simm.s32 $execute0_lowered;
	[smem:$0x3FD2] =	sst s25  }
0xa7: {  	s6 =	sshll.u32 s26, $0x1;
	_ =	strace $0x80000049;
	[dreg:$0x1] =	wrdreg $0xFFFFFFFF  }
0xa8: {  	s28 =	simm.s32 $_size_execute0_lowered;
	s4 =	sadd.s32 s4, s6;
	[dreg:$0x0] =	wrdreg $0x0  }
0xa9: {  	s6 =	sshll.u32 s28, $0x1;
	[dreg:$0x2] =	wrdreg s4  }
0xaa: {  	[dreg:$0x3] =	wrdreg s6  }
0xab: {  	[dreg:$0x4] =	wrdreg $0xC0  }
0xac: {  	_ =	task [dreg:s8], $0x5FFFF  }
0xad: {  	[dreg:$0x1] =	wrdreg $0xFFFFFFFF  }
0xae: {  	[dreg:$0x0] =	wrdreg $0x60  }
0xaf: {  	[dreg:$0x2] =	wrdreg s18  }
0xb0: {  	[dreg:$0x3] =	wrdreg s2  }
0xb1: {  	[dreg:$0x4] =	wrdreg s24  }
0xb2: {  	[dreg:$0x5] =	wrdreg $0xA8000  }
0xb3: {  	[dreg:$0x6] =	wrdreg $0x9  }
0xb4: {  	_ =	task.clear_ibuf [dreg:s8], $0x7FFFF;
	_ =	strace $0x90000049  }
0xb5: {  	s29 =	simm.s32 $0x9;
	_ =	strace $0x8000004B  }
0xb6: {  	_ =	swait.ge [sflag:s29], $0x1  }
0xb7: {  	[sflag:s29] =	ssyncadd.s32 $0xFFFFFFFF  }
0xb8: {  	_ =	strace $0x9000004B  }
0xb9: {  	_ =	sfence  }
0xba: {  	s30 =	sld [smem:$0x0];
	_ =	sdelay $0x2  }
0xbb: {  	s31 =	sshll.u32 s1, $0xD;
	s1 =	sshrl.u32 s1, $0x2  }
0xbc: {  	s3 =	sand.u32 $0x4000, s31;
	s1 =	sadd.s32 s1, s30  }
0xbd: {  	s0 =	sor.u32 s3, s0;
	s1 =	sshll.u32 s1, $0x11  }
0xbe: {  	s0 =	sor.u32 s1, s0  }
0xbf: {  	s0 =	sadd.s32 $0x8F2B, s0  }
0xc0: {  	[sflag:s0] =	ssyncadd.remote.s32 $0x1  }
0xc1: {  	_ =	sfence.sel $0xFFFF  }
0xc2: {  	[dreg:$0x0] =	wrdreg $0xFFFFFFFF;
	(pc) =	sbr.abs _section_cstart, $3  }
0xc3: {  	[dreg:$0x1] =	wrdreg $0xFFFFFFFF  }
0xc4: {  	_ =	task.clear_ibuf [dreg:s8], $0x2FFFF;
	_ =	strace $0x9FFFFFFF  }
0xc5: {  	(tm) =	ssettm $0x7FFFFFFF  }
tec
execute0_lowered:
.L_overlay_start_1:
0x0: {  	(tag) =	ssettag $0x1  }
0x1: {  	s1 =	rddreg [dreg:$0x0]  }
0x2: {  	s2 =	rddreg [dreg:$0x1]  }
0x3: {  	s13 =	rddreg [dreg:$0x2]  }
0x4: {  	s3 =	rddreg [dreg:$0x3];
	s4 =	srdreg.scid;
	s5 =	simm.s32 $0x0  }
0x5: {  	s0 =	stileid.u32;
	s17 =	simm.s32 $0x3;
	s18 =	simm.s32 $0x80  }
0x6: {  	s19 =	simm.s32 $0x100;
	s20 =	simm.s32 $0x6800;
	s21 =	simm.s32 $0x1  }
0x7: {  	s22 =	simm.s32 $0x2;
	s23 =	simm.s32 $0x200;
	s8 =	smul.u32 $0x4F000, s0  }
0x8: {  	s26 =	simm.s32 $0x4;
	s28 =	simm.s32 $0x5;
	s14 =	smul.u32 $0x50, s0  }
0x9: {  	s12 =	sand.u32 $0x1, s4;
	[smem:$0x7FF] =	sst s5;
	s25 =	smul.u32 $0x2780, s0  }
0xa: {  	s6 =	sadd.s32 $0x3800, s13;
	s7 =	smul.u32 $0x27800, s12;
	s9 =	ssub.s32 $0x2, s12  }
0xb: {  	_ =	strace $0x8000004A;
	p0 =	seq.s32 s12, $0x0;
	s31 =	sshrl.u32 s9, $0x1  }
0xc: {  	s8 =	sshrl.u32 s8, $0x2;
	s12 =	sadd.s32 $0x500, s14;
	s15 =	sadd.s32 s7, s13  }
.Ltmp0:
0xd: {  	s16 =	ssub.s32 s9, s31;
	s7 =	sadd.s32 s8, s3;
	(pc) =	sbr.rel .LBB2_1-.Ltmp0, $4  }
0xe: {  	s12 =	smov.u32 @p0 s14;
	s13 =	sadd.s32 $0x3A80, s13;
	s14 =	sadd.s32 $0x13600, s2  }
0xf: {  	s8 =	sadd.s32 $0x4000, s7;
	s9 =	sadd.s32 $0x8000, s7;
	s10 =	sadd.s32 $0xC000, s7  }
0x10: {  	s11 =	sadd.s32 $0x10000, s7;
	s24 =	sadd.s32 $0x4000, s15;
	s15 =	smax.u32 s16, $0x1  }
0x11: {  	v0 =	vimm.f32 $0.0e+00;
	s16 =	simm.s32 $0x2800;
	s24 =	sadd.s32 s25, s24;
	s25 =	simm.s32 $0x180  }
.LBB2_9:
0x12: {  	s0 =	stileid.u32;
	s5 =	sadd.s32 $0x1, s5  }
0x13: {  	[bflag:$0x0] =	sbarrier.arrive $0xFFFF;
	s0 =	sshll.u32 s0, $0x6;
	p0 =	sne.s32 s5, s15  }
.Ltmp1:
0x14: {  	s4 =	sshrl.u32 s7, $0x3;
	s0 =	sor.u32 $0x1C05, s0;
	(pc) =	sbr.rel @!p0 .LBB2_10-.Ltmp1, $4  }
0x15: {  	[hbm:s24], [sflag:s0] =	dma.local [spmem:s4], $0x2780  }
0x16: {  	_ =	swait.ge [sflag:s28], $0x2780  }
0x17: {  	[sflag:s28] =	ssyncset.done $0x0  }
0x18: {  	[sflag:s28] =	ssyncadd.s32 $0xFFFFD880  }
.LBB2_1:
0x19: {  	s29 =	simm.s32 $0x0;
	s30 =	simm.s32 $0x200  }
.LBB2_2:
0x1a: {  	p0 =	sne.s32 s30, $0xFE00;
	[tilespmem:s29+$0x2870] =	vst v0  }
0x1b: {  	[tilespmem:s29+$0x2800] =	vst v0  }
0x1c: {  	[tilespmem:s29+$0x2810] =	vst v0  }
.Ltmp2:
0x1d: {  	[tilespmem:s29+$0x2820] =	vst v0;
	(pc) =	sbr.rel @p0 .LBB2_2-.Ltmp2, $4  }
0x1e: {  	[tilespmem:s29+$0x2830] =	vst v0  }
0x1f: {  	[tilespmem:s29+$0x2840] =	vst v0  }
0x20: {  	[tilespmem:s29+$0x2850] =	vst v0  }
0x21: {  	[tilespmem:s29+$0x2860] =	vst v0;
	s29 =	sshra.s32 s30, $0x2;
	s30 =	sadd.s32 $0x200, s30  }
0x22: {  	[tilespmem:s29+$0x2870] =	vst v0  }
0x23: {  	[tilespmem:s29+$0x2800] =	vst v0  }
0x24: {  	[tilespmem:s29+$0x2810] =	vst v0  }
0x25: {  	[tilespmem:s29+$0x2820] =	vst v0  }
0x26: {  	[tilespmem:s29+$0x2830] =	vst v0  }
0x27: {  	[tilespmem:s29+$0x2840] =	vst v0  }
0x28: {  	[tilespmem:s29+$0x2850] =	vst v0  }
0x29: {  	[tilespmem:s29+$0x2860] =	vst v0  }
0x2a: {  	[spmem:s7] =	stream.linear.scatter [tilespmem:s16], [sflag:$0x3], $0x4000, $0x38;
	[tilespmem:$0x1E400] =	vst v63  }
0x2b: {  	_ = 	snop  }
0x2c: {  	[spmem:s8] =	stream.linear.scatter [tilespmem:s16], [sflag:$0x3], $0x4000, $0x38;
	[tilespmem:$0x1E400] =	vst v63  }
0x2d: {  	_ = 	snop  }
0x2e: {  	[spmem:s9] =	stream.linear.scatter [tilespmem:s16], [sflag:$0x3], $0x4000, $0x38;
	[tilespmem:$0x1E400] =	vst v63  }
0x2f: {  	_ = 	snop  }
0x30: {  	[spmem:s10] =	stream.linear.scatter [tilespmem:s16], [sflag:$0x3], $0x4000, $0x38;
	[tilespmem:$0x1E400] =	vst v63  }
0x31: {  	_ = 	snop  }
0x32: {  	[spmem:s11] =	stream.linear.scatter [tilespmem:s16], [sflag:$0x3], $0x3C00, $0x38;
	[tilespmem:$0x1E400] =	vst v63  }
0x33: {  	_ =	swait.ge [sflag:s17], $0x4000  }
0x34: {  	[sflag:s17] =	ssyncset.done $0x0  }
0x35: {  	[sflag:s17] =	ssyncadd.s32 $0xFFFFC000  }
0x36: {  	_ =	swait.ge [sflag:s17], $0x4000  }
0x37: {  	[sflag:s17] =	ssyncset.done $0x0  }
0x38: {  	[sflag:s17] =	ssyncadd.s32 $0xFFFFC000  }
0x39: {  	_ =	swait.ge [sflag:s17], $0x4000  }
0x3a: {  	[sflag:s17] =	ssyncset.done $0x0  }
0x3b: {  	[sflag:s17] =	ssyncadd.s32 $0xFFFFC000  }
0x3c: {  	_ =	swait.ge [sflag:s17], $0x4000  }
0x3d: {  	[sflag:s17] =	ssyncset.done $0x0  }
0x3e: {  	[sflag:s17] =	ssyncadd.s32 $0xFFFFC000  }
.Ltmp3:
0x3f: {  	_ =	swait.ge [sflag:s17], $0x3C00;
	(pc) =	sbr.rel .LBB2_4-.Ltmp3, $4  }
0x40: {  	[sflag:s17] =	ssyncset.done $0x0  }
0x41: {  	[sflag:s17] =	ssyncadd.s32 $0xFFFFC400  }
0x42: {  	[bflag:$0x0] =	sbarrier.arrive $0xFFFF  }
0x43: {  	s29 =	simm.s32 $0x0;
	p0 =	por $0x1, $0x1;
	s30 =	simm.s32 $0x0  }
.LBB2_6:
0x44: {  	s0 =	sadd.s32 $0x380, s31  }
0x45: {  	[spmem:s3] =	stream.indirect.scatter.add.f32 [tilespmem:s20], [sflag:$0x4], $0x80, s0, s18, $0xb8;
	[tilespmem:$0x1E400] =	vst v63  }
.LBB2_8:
.Ltmp4:
0x46: {  	(pc) =	sbr.rel @!p1 .LBB2_9-.Ltmp4, $4  }
0x47: {  	_ = 	snop  }
0x48: {  	_ =	swait.ge [sflag:s26], $0x4000  }
0x49: {  	[sflag:s26] =	ssyncset.done $0x0  }
0x4a: {  	s30 =	simm.s32 $0x28;
	p0 =	por $0x0, $0x0;
	[sflag:s26] =	ssyncadd.s32 $0xFFFFC000  }
.LBB2_4:
0x4b: {  	s30 =	sadd.s32 s12, s30  }
0x4c: {  	p1 =	sgt.u32 s30, $0x99C  }
0x4d: {  	p2 =	sne.s32 @p1 s30, $0x9B0  }
0x4e: {  	p3 =	por !p2, !p1  }
0x4f: {  	p3 =	slt.u32 @!p3 s30, $0x9D8  }
0x50: {  	p3 =	por @p1 p3, !p2  }
0x51: {  	p3 =	por p3, !p1  }
0x52: {  	s31 =	simm.s32 @!p3 $0x0  }
0x53: {  	[tilespmem:s31], [sflag:$0x5] =	stream.linear.gather @!p3 [hbm4b:s13+s31], $0x2800, $0x38;
	[tilespmem:$0x1E400] =	vst v63  }
0x54: {  	s31 =	simm.s32 @!p3 $0x5  }
0x55: {  	_ =	swait.ge @!p3 [sflag:s31], $0x2800  }
0x56: {  	p2 =	por p2, !p1;
	[sflag:s31] =	ssyncset.done @!p3 $0x0  }
0x57: {  	s0 =	simm.s32 @!p2 $0x5;
	[sflag:s31] =	ssyncadd.s32 @!p3 $0xFFFFD800;
	s31 =	simm.s32 @!p2 $0x0  }
0x58: {  	[tilespmem:s31], [sflag:$0x5] =	stream.linear.gather @!p2 [hbm4b:s14+s31], $0x1400, $0x38;
	[tilespmem:$0x1E400] =	vst v63  }
0x59: {  	_ =	swait.ge @!p2 [sflag:s0], $0x1400  }
0x5a: {  	[sflag:s0] =	ssyncset.done @!p2 $0x0  }
0x5b: {  	s4 =	simm.s32 @!p2 $0x1400;
	[sflag:s0] =	ssyncadd.s32 @!p2 $0xFFFFEC00  }
0x5c: {  	[tilespmem:s4], [sflag:$0x5] =	stream.linear.gather @!p2 [hbm4b:s6+s31], $0x1400, $0x38;
	[tilespmem:$0x1E400] =	vst v63  }
0x5d: {  	_ =	swait.ge @!p2 [sflag:s0], $0x1400  }
0x5e: {  	s4 =	sshll.u32 @!p1 s30, $0x5;
	[sflag:s0] =	ssyncset.done @!p2 $0x0  }
0x5f: {  	[sflag:s0] =	ssyncadd.s32 @!p2 $0xFFFFEC00;
	s0 =	sadd.s32 @!p1 s2, s4;
	s4 =	simm.s32 @!p1 $0x0  }
0x60: {  	[tilespmem:s4], [sflag:$0x5] =	stream.linear.gather @!p1 [hbm4b:s0+s4], $0x2800, $0x38;
	[tilespmem:$0x1E400] =	vst v63  }
0x61: {  	s0 =	simm.s32 @!p1 $0x5  }
0x62: {  	_ =	swait.ge @!p1 [sflag:s0], $0x2800  }
0x63: {  	[sflag:s0] =	ssyncset.done @!p1 $0x0  }
0x64: {  	[sflag:s0] =	ssyncadd.s32 @!p1 $0xFFFFD800  }
0x65: {  	[tilespmem:s16], [sflag:$0x1] =	stream.indirect.gather [hbm4b:s1+s18], $0x80, s29, s18, $0xb8;
	[tilespmem:$0x1E400] =	vst v63  }
0x66: {  	_ = 	snop  }
0x67: {  	[tilespmem:s20], [sflag:$0x2] =	stream.indirect.gather [hbm4b:s1+s18], $0x80, s19, s18, $0xb8;
	[tilespmem:$0x1E400] =	vst v63  }
0x68: {  	_ =	swait.ge [sflag:s21], $0x4000  }
0x69: {  	[sflag:s21] =	ssyncset.done $0x0  }
0x6a: {  	[sflag:s21] =	ssyncadd.s32 $0xFFFFC000  }
0x6b: {  	[spmem:s3] =	stream.indirect.scatter.add.f32 [tilespmem:s16], [sflag:$0x3], $0x80, s18, s18, $0xb8;
	[tilespmem:$0x1E400] =	vst v63  }
0x6c: {  	_ =	swait.ge [sflag:s22], $0x4000  }
0x6d: {  	[sflag:s22] =	ssyncset.done $0x0  }
0x6e: {  	[sflag:s22] =	ssyncadd.s32 $0xFFFFC000  }
0x6f: {  	_ =	swait.ge [sflag:s17], $0x4000  }
0x70: {  	[sflag:s17] =	ssyncset.done $0x0  }
0x71: {  	[sflag:s17] =	ssyncadd.s32 $0xFFFFC000  }
0x72: {  	[tilespmem:s16], [sflag:$0x1] =	stream.indirect.gather [hbm4b:s1+s18], $0x80, s23, s18, $0xb8;
	[tilespmem:$0x1E400] =	vst v63  }
0x73: {  	s30 =	simm.s32 $0x0;
	p1 =	por p0, p0  }
0x74: {  	[spmem:s3] =	stream.indirect.scatter.add.f32 [tilespmem:s20], [sflag:$0x4], $0x80, s25, s18, $0xb8;
	[tilespmem:$0x1E400] =	vst v63  }
.LBB2_5:
0x75: {  	_ =	swait.ge [sflag:s26], $0x4000  }
0x76: {  	s31 =	sshra.s32 s30, $0x2;
	[sflag:s26] =	ssyncset.done $0x0  }
0x77: {  	s0 =	sadd.s32 $0x300, s31;
	[sflag:s26] =	ssyncadd.s32 $0xFFFFC000  }
0x78: {  	[tilespmem:s20], [sflag:$0x2] =	stream.indirect.gather [hbm4b:s1+s18], $0x80, s0, s18, $0xb8;
	[tilespmem:$0x1E400] =	vst v63  }
0x79: {  	_ =	swait.ge [sflag:s21], $0x4000  }
0x7a: {  	[sflag:s21] =	ssyncset.done $0x0  }
0x7b: {  	s4 =	sadd.s32 $0x280, s31;
	[sflag:s21] =	ssyncadd.s32 $0xFFFFC000  }
0x7c: {  	[spmem:s3] =	stream.indirect.scatter.add.f32 [tilespmem:s16], [sflag:$0x3], $0x80, s4, s18, $0xb8;
	[tilespmem:$0x1E400] =	vst v63  }
0x7d: {  	p0 =	sne.s32 s30, $0x9000;
	_ =	swait.ge [sflag:s22], $0x4000  }
.Ltmp5:
0x7e: {  	[sflag:s22] =	ssyncset.done $0x0;
	(pc) =	sbr.rel @!p0 .LBB2_6-.Ltmp5, $4  }
0x7f: {  	[sflag:s22] =	ssyncadd.s32 $0xFFFFC000  }
0x80: {  	_ =	swait.ge [sflag:s17], $0x4000  }
0x81: {  	[sflag:s17] =	ssyncset.done $0x0  }
0x82: {  	[sflag:s17] =	ssyncadd.s32 $0xFFFFC000  }
0x83: {  	s30 =	sadd.s32 $0x800, s30  }
0x84: {  	p0 =	sne.s32 s30, $0x9800  }
.Ltmp6:
0x85: {  	_ = 	snop;
	(pc) =	sbr.rel @p0 .LBB2_5-.Ltmp6, $4  }
.Ltmp7:
0x86: {  	s0 =	sadd.s32 $0x400, s31;
	(pc) =	sbr.rel @!p0 .LBB2_8-.Ltmp7, $4  }
0x87: {  	[tilespmem:s16], [sflag:$0x1] =	stream.indirect.gather [hbm4b:s1+s18], $0x80, s0, s18, $0xb8;
	[tilespmem:$0x1E400] =	vst v63  }
0x88: {  	s31 =	sadd.s32 $0x380, s31  }
0x89: {  	[spmem:s3] =	stream.indirect.scatter.add.f32 [tilespmem:s20], [sflag:$0x4], $0x80, s31, s18, $0xb8;
	[tilespmem:$0x1E400] =	vst v63  }
0x8a: {  	_ = 	snop  }
.LBB2_10:
0x8b: {  	_ =	sfence.sel $0x180000  }
0x8c: {  	[bflag:$0x0] =	sbarrier.arrive $0xFFFF  }
0x8d: {  	_ =	strace $0x9000004A  }
0x8e: {  	s0 =	stileid.u32;
	[bflag:$0x2] =	sbarrier.arrive $0xFFFF  }
0x8f: {  	p0 =	sne.s32 s0, $0x0;
	s0 =	rddreg [dreg:$0x4]  }
0x90: {  	s0 =	sadd.s32 @!p0 $0x100000, s0  }
0x91: {  	[sflag:s0] =	ssyncadd.tile.s32 @!p0 $0x1;
	_ =	shalt  }
.Lfunc_end2:
_tile_overlayer_lowered:
.L_overlay_start_2:
0x92: {  	(tag) =	ssettag $0x2  }
0x93: {  	s0 =	rddreg [dreg:$0x0];
	s2 =	stileid.u32  }
0x94: {  	s1 =	rddreg [dreg:$0x1];
	p0 =	sne.s32 s2, $0x0  }
0x95: {  	s3 =	rddreg [dreg:$0x2];
	[bflag:$0x3] =	sbarrier.arrive $0xFFFF;
	s2 =	simm.s32 @!p0 $0x1C05  }
0x96: {  	[timem:s3], [sflag:s2] =	dma.local @!p0 [hbm:s0], s1  }
0x97: {  	s0 =	simm.s32 @!p0 $0x5  }
0x98: {  	_ =	swait.ge @!p0 [sflag:s0], s1  }
0x99: {  	s1 =	ssub.s32 @!p0 $0x0, s1;
	[sflag:s0] =	ssyncset.done @!p0 $0x0  }
0x9a: {  	[sflag:s0] =	ssyncadd.s32 @!p0 s1  }
0x9b: {  	[bflag:$0x3] =	sbarrier.arrive $0xFFFF  }
0x9c: {  	_ =	shalt  }

// kernel: kernel.8.cloned.1.call-start
scs
__scs_entry_jumppad:
0x0: {  	(pc) =	sbr.rel $0x88, $3  }
0x1: {  	(tag) =	ssettag $0x0;
	lr =	simm.s32 $0x1  }
0x2: {  	[smem:$0x3F95] =	sst lr;
	_ =	strace $0xD0000000  }
0x3: {  	_ = 	snop  }
0x4: {  	_ = 	snop  }
0x5: {  	_ = 	snop  }
0x6: {  	_ = 	snop  }
0x7: {  	_ = 	snop  }
__scs_overlays_trampoline_lowered:
0x8: {  	[smem:$0x3FA4] =	sst s0  }
0x9: {  	[smem:$0x3FA5] =	sst s1  }
0xa: {  	[smem:$0x3FA6] =	sst s2  }
0xb: {  	[smem:$0x3FA7] =	sst s3  }
0xc: {  	[smem:$0x3FA8] =	sst s4  }
0xd: {  	[smem:$0x3FA9] =	sst s5  }
0xe: {  	[smem:$0x3FAA] =	sst s6  }
0xf: {  	[smem:$0x3FAB] =	sst s7  }
0x10: {  	[smem:$0x3FAC] =	sst s8  }
0x11: {  	[smem:$0x3FAD] =	sst s9;
	s0 =	simm.s32 @!p0 $0x0  }
0x12: {  	s1 =	sld [smem:$0x3F93];
	s0 =	simm.s32 @p0 $0x1  }
0x13: {  	[smem:$0x3FAE] =	sst s0;
	s0 =	simm.s32 @!p1 $0x0  }
0x14: {  	s2 =	sld [smem:$0x3F92];
	s0 =	simm.s32 @p1 $0x1  }
0x15: {  	[smem:$0x3FAF] =	sst s0;
	s0 =	simm.s32 @!p2 $0x0  }
0x16: {  	s3 =	sld [smem:$0x3FDB];
	s0 =	simm.s32 @p2 $0x1  }
0x17: {  	s4 =	simm.s32 $0x1BF5;
	[smem:$0x3FB1] =	sst s0  }
0x18: {  	s0 =	sld [smem:$0x3F94];
	_ =	swait.ge [sflag:s4], $0x0  }
0x19: {  	s7 =	sld [smem:$0x3F95]  }
0x1a: {  	s8 =	sadd.s32 $0xFFFFE003, lr  }
0x1b: {  	s9 =	sadd.s32 $0xFFFFFEF7, lr;
	s5 =	simm.s32 $0xFFFFFFFF;
	p2 =	slt.u32 s8, $0xFFFFF086  }
0x1c: {  	p1 =	slt.u32 s9, $0xF7A;
	s5 =	simm.s32 @!p2 $0x0  }
0x1d: {  	s5 =	simm.s32 @p1 $0x1;
	p0 =	seq.s32 s7, s2  }
0x1e: {  	s7 =	smul.u32 @!p0 $0xF7A, s2;
	p2 =	seq.s32 @!p0 s5, $0x0  }
0x1f: {  	s9 =	smul.u32 $0xF7A, s1;
	s8 =	simm.s32 @!p0 $0x1BF5;
	p2 =	por !p2, p0  }
0x20: {  	[sflag:s8] =	ssyncset.s32 @!p0 $0xFFFFF086;
	s6 =	sadd.s32 @!p0 s3, s7;
	s7 =	simm.s32 @!p0 $0x108  }
0x21: {  	s3 =	sadd.s32 s3, s9;
	s6 =	sadd.s32 @!p0 $0x88, s6;
	s7 =	simm.s32 @p2 $0x1082  }
0x22: {  	[simem:s7], [sflag:s8] =	dma.local @!p0 [hbm:s6], $0xF7A  }
0x23: {  	s9 =	sor.u32 $0xD0000000, s2;
	s6 =	simm.s32 $0x108;
	_ =	swait.ge @!p0 [sflag:s8], $0x0  }
0x24: {  	s3 =	sadd.s32 $0x88, s3;
	s6 =	simm.s32 @!p1 $0x1082;
	[sflag:s4] =	ssyncset.s32 $0xFFFFF086  }
0x25: {  	[simem:s6], [sflag:s4] =	dma.local [hbm:s3], $0xF7A  }
0x26: {  	[smem:$0x3F95] =	sst s1;
	(tag) =	ssettag s2;
	_ =	strace s9  }
0x27: {  	s1 =	sld [smem:$0x3FA5]  }
0x28: {  	s2 =	sld [smem:$0x3FA6]  }
0x29: {  	s4 =	sld [smem:$0x3FA8]  }
0x2a: {  	p0 =	seq.s32 s5, $0x0;
	s5 =	sld [smem:$0x3FA9]  }
0x2b: {  	s6 =	sld [smem:$0x3FAA]  }
0x2c: {  	s7 =	sld [smem:$0x3FAB]  }
0x2d: {  	s3 =	simm.s32 $0x108;
	s8 =	sld [smem:$0x3FAC]  }
0x2e: {  	s3 =	simm.s32 @!p0 $0x1082;
	s9 =	sld [smem:$0x3FAD]  }
0x2f: {  	lr =	sadd.s32 s0, s3;
	s0 =	sld [smem:$0x3FA4]  }
0x30: {  	s3 =	sld [smem:$0x3FA7]  }
0x31: {  	[smem:$0x3FB0] =	sst s10  }
0x32: {  	s10 =	sld [smem:$0x3FAE];
	_ =	sdelay $0x3  }
0x33: {  	p0 =	seq.s32 s10, $0x1;
	s10 =	sld [smem:$0x3FB0];
	_ =	sdelay $0x3  }
0x34: {  	[smem:$0x3FB0] =	sst s10  }
0x35: {  	s10 =	sld [smem:$0x3FAF];
	_ =	sdelay $0x3  }
0x36: {  	p1 =	seq.s32 s10, $0x1;
	s10 =	sld [smem:$0x3FB0];
	_ =	sdelay $0x3  }
0x37: {  	[smem:$0x3FB0] =	sst s10  }
0x38: {  	s10 =	sld [smem:$0x3FB1]  }
0x39: {  	_ = 	snop;
	(pc) =	sbr.ind lr, $3  }
0x3a: {  	_ = 	snop  }
0x3b: {  	_ = 	snop  }
0x3c: {  	p2 =	seq.s32 s10, $0x1;
	s10 =	sld [smem:$0x3FB0]  }
0x3d: {  	_ =	shalt  }
0x3e: {  	_ =	shalt  }
0x3f: {  	_ =	shalt  }
0x40: {  	_ =	shalt  }
0x41: {  	_ =	shalt  }
0x42: {  	_ =	shalt  }
0x43: {  	_ =	shalt  }
0x44: {  	_ =	shalt  }
0x45: {  	_ =	shalt  }
0x46: {  	_ =	shalt  }
0x47: {  	_ =	shalt  }
0x48: {  	_ =	shalt  }
0x49: {  	_ =	shalt  }
0x4a: {  	_ =	shalt  }
0x4b: {  	_ =	shalt  }
0x4c: {  	_ =	shalt  }
0x4d: {  	_ =	shalt  }
0x4e: {  	_ =	shalt  }
0x4f: {  	_ =	shalt  }
0x50: {  	_ =	shalt  }
0x51: {  	_ =	shalt  }
0x52: {  	_ =	shalt  }
0x53: {  	_ =	shalt  }
0x54: {  	_ =	shalt  }
0x55: {  	_ =	shalt  }
0x56: {  	_ =	shalt  }
0x57: {  	_ =	shalt  }
0x58: {  	_ =	shalt  }
0x59: {  	_ =	shalt  }
0x5a: {  	_ =	shalt  }
0x5b: {  	_ =	shalt  }
0x5c: {  	_ =	shalt  }
0x5d: {  	_ =	shalt  }
0x5e: {  	_ =	shalt  }
0x5f: {  	_ =	shalt  }
0x60: {  	_ =	shalt  }
0x61: {  	_ =	shalt  }
0x62: {  	_ =	shalt  }
0x63: {  	_ =	shalt  }
0x64: {  	_ =	shalt  }
0x65: {  	_ =	shalt  }
0x66: {  	_ =	shalt  }
0x67: {  	_ =	shalt  }
0x68: {  	_ =	shalt  }
0x69: {  	_ =	shalt  }
0x6a: {  	_ =	shalt  }
0x6b: {  	_ =	shalt  }
0x6c: {  	_ =	shalt  }
0x6d: {  	_ =	shalt  }
0x6e: {  	_ =	shalt  }
0x6f: {  	_ =	shalt  }
0x70: {  	_ =	shalt  }
0x71: {  	_ =	shalt  }
0x72: {  	_ =	shalt  }
0x73: {  	_ =	shalt  }
0x74: {  	_ =	shalt  }
0x75: {  	_ =	shalt  }
0x76: {  	_ =	shalt  }
0x77: {  	_ =	shalt  }
0x78: {  	_ =	shalt  }
0x79: {  	_ =	shalt  }
0x7a: {  	_ =	shalt  }
0x7b: {  	_ =	shalt  }
0x7c: {  	_ =	shalt  }
0x7d: {  	_ =	shalt  }
0x7e: {  	_ =	shalt  }
0x7f: {  	_ =	shalt  }
0x80: {  	_ =	shalt  }
0x81: {  	_ =	shalt  }
0x82: {  	_ =	shalt  }
0x83: {  	_ =	shalt  }
0x84: {  	_ =	shalt  }
0x85: {  	_ =	shalt  }
0x86: {  	_ =	shalt  }
0x87: {  	_ =	shalt  }
.Lfunc_end0:
.L_simem_size_0:
called_computation_lowered:
.L_overlay_start_0:
0x88: {  	s2 =	sld [smem:$0x3FD9]  }
0x89: {  	s3 =	sld [smem:$0x3FFE];
	_ =	sdelay $0x1  }
0x8a: {  	s1 =	srdreg.scid  }
0x8b: {  	s0 =	sand.u32 $0x1, s1  }
0x8c: {  	s17 =	sshll.u32 s0, $0xA;
	s2 =	sadd.s32 s3, s2  }
0x8d: {  	s2 =	sadd.s32 s2, s17  }
0x8e: {  	[smem:$0x3FBC] =	sst s2  }
0x8f: {  	_ = 	snop  }
0x90: {  	s2 =	sld [smem:$0x3FC9]  }
0x91: {  	s18 =	sld [smem:$0x3FC8]  }
0x92: {  	s4 =	sld [smem:$0x3FD0];
	(tm) =	ssettm $0x1  }
0x93: {  	s5 =	sld [smem:$0x3FFB];
	_ =	sdelay $0x3  }
0x94: {  	_ =	strace s5  }
0x95: {  	s5 =	sld [smem:$0x3FFC];
	_ =	sdelay $0x3  }
0x96: {  	_ =	strace s5  }
0x97: {  	s5 =	sld [smem:$0x3FFD];
	_ =	sdelay $0x3  }
0x98: {  	_ =	strace s5  }
0x99: {  	_ =	strace $0x8FFFFFFF  }
0x9a: {  	s19 =	sld [smem:$0x3FDB];
	_ =	sdelay $0x1  }
0x9b: {  	s6 =	simm.s32 $_scs_section_size  }
0x9c: {  	s7 =	simm.s32 $_size__tile_overlayer_lowered;
	s8 =	simm.s32 $_tile_overlayer_lowered  }
0x9d: {  	s22 =	simm.s32 $0x1BFF;
	s21 =	sshll.u32 s8, $0x1;
	s5 =	sadd.s32 s6, s19  }
0x9e: {  	s9 =	simm.s32 $0x0;
	s20 =	sshll.u32 s7, $0x1;
	s7 =	sadd.s32 s21, s5  }
0x9f: {  	[timem:s9], [sflag:s22] =	dma.local [hbm:s7], s20  }
0xa0: {  	_ =	swait.ge [sflag:s22], s20  }
0xa1: {  	s6 =	ssub.s32 $0x0, s20;
	[sflag:s22] =	ssyncset.done $0x0  }
0xa2: {  	[sflag:s22] =	ssyncadd.s32 s6;
	_ =	sdelay $0x1  }
0xa3: {  	s23 =	simm.s32 $0x1B8B  }
0xa4: {  	_ =	swait.ge [sflag:s23], $0x1  }
0xa5: {  	[sflag:s23] =	ssyncset.done $0x0  }
0xa6: {  	s25 =	simm.s32 $0x1B8E;
	s24 =	sld [smem:$0x3FFE];
	[sflag:s23] =	ssyncadd.s32 $0xFFFFFFFF  }
0xa7: {  	s26 =	simm.s32 $execute0_lowered;
	[smem:$0x3FD2] =	sst s25  }
0xa8: {  	s7 =	sshll.u32 s26, $0x1;
	_ =	strace $0x80000046;
	[dreg:$0x1] =	wrdreg $0xFFFFFFFF  }
0xa9: {  	s28 =	simm.s32 $_size_execute0_lowered;
	s5 =	sadd.s32 s5, s7;
	[dreg:$0x0] =	wrdreg $0x0  }
0xaa: {  	s7 =	sshll.u32 s28, $0x1;
	[dreg:$0x2] =	wrdreg s5  }
0xab: {  	[dreg:$0x3] =	wrdreg s7  }
0xac: {  	[dreg:$0x4] =	wrdreg $0xC0  }
0xad: {  	_ =	task [dreg:s9], $0x5FFFF  }
0xae: {  	[dreg:$0x1] =	wrdreg $0xFFFFFFFF  }
0xaf: {  	[dreg:$0x0] =	wrdreg $0x60  }
0xb0: {  	[dreg:$0x2] =	wrdreg s2  }
0xb1: {  	[dreg:$0x3] =	wrdreg s18  }
0xb2: {  	[dreg:$0x4] =	wrdreg s24  }
0xb3: {  	[dreg:$0x5] =	wrdreg s4  }
0xb4: {  	[dreg:$0x6] =	wrdreg $0xA8800  }
0xb5: {  	[dreg:$0x7] =	wrdreg $0x1E4800  }
0xb6: {  	[dreg:$0x8] =	wrdreg $0x9  }
0xb7: {  	_ =	task.clear_ibuf [dreg:s9], $0x9FFFF;
	_ =	strace $0x90000046  }
0xb8: {  	s29 =	simm.s32 $0x9;
	_ =	strace $0x80000048  }
0xb9: {  	_ =	swait.ge [sflag:s29], $0x1  }
0xba: {  	[sflag:s29] =	ssyncadd.s32 $0xFFFFFFFF  }
0xbb: {  	_ =	strace $0x90000048  }
0xbc: {  	_ =	sfence  }
0xbd: {  	s30 =	sld [smem:$0x0];
	_ =	sdelay $0x2  }
0xbe: {  	s31 =	sshll.u32 s1, $0xD;
	s1 =	sshrl.u32 s1, $0x2  }
0xbf: {  	s3 =	sand.u32 $0x4000, s31;
	s1 =	sadd.s32 s1, s30  }
0xc0: {  	s0 =	sor.u32 s3, s0;
	s1 =	sshll.u32 s1, $0x11  }
0xc1: {  	s0 =	sor.u32 s1, s0  }
0xc2: {  	s0 =	sadd.s32 $0x8F2B, s0  }
0xc3: {  	[sflag:s0] =	ssyncadd.remote.s32 $0x1  }
0xc4: {  	_ =	sfence.sel $0xFFFF  }
0xc5: {  	[dreg:$0x0] =	wrdreg $0xFFFFFFFF;
	(pc) =	sbr.abs _section_cstart, $3  }
0xc6: {  	[dreg:$0x1] =	wrdreg $0xFFFFFFFF  }
0xc7: {  	_ =	task.clear_ibuf [dreg:s9], $0x2FFFF;
	_ =	strace $0x9FFFFFFF  }
0xc8: {  	(tm) =	ssettm $0x7FFFFFFF  }
0xc9: {  	_ =	shalt  }
tec
execute0_lowered:
.L_overlay_start_1:
0x0: {  	(tag) =	ssettag $0x1  }
0x1: {  	s1 =	rddreg [dreg:$0x0]  }
0x2: {  	s2 =	rddreg [dreg:$0x1]  }
0x3: {  	s0 =	rddreg [dreg:$0x2]  }
0x4: {  	s5 =	rddreg [dreg:$0x3]  }
0x5: {  	s3 =	rddreg [dreg:$0x4]  }
0x6: {  	s4 =	rddreg [dreg:$0x5];
	s6 =	simm.s32 $0x0;
	s14 =	stileid.u32  }
0x7: {  	s7 =	srdreg.scid;
	s28 =	simm.s32 $0x100;
	s8 =	smul.u32 $0x4F000, s14  }
0x8: {  	s29 =	simm.s32 $0x6800;
	s30 =	simm.s32 $0x1;
	s13 =	smul.u32 $0xA00, s14  }
0x9: {  	s31 =	simm.s32 $0xA800;
	[smem:$0x7FF] =	sst s6;
	s25 =	smul.u32 $0x2780, s14  }
0xa: {  	s9 =	sand.u32 $0x1, s7;
	s7 =	sadd.s32 $0x3000, s0;
	s26 =	smul.u32 $0xA0, s14  }
0xb: {  	_ =	strace $0x80000047;
	s10 =	smul.u32 $0x27800, s9;
	s11 =	ssub.s32 $0x2, s9  }
0xc: {  	p0 =	seq.s32 s9, $0x0;
	s9 =	sshll.u32 s9, $0x4;
	s8 =	sshrl.u32 s8, $0x2  }
0xd: {  	s12 =	sshrl.u32 s11, $0x1;
	s19 =	sshrl.u32 s13, $0x2;
	s8 =	sadd.s32 s8, s3  }
0xe: {  	s13 =	smul.u32 $0x50, s14;
	s5 =	sadd.s32 s5, s9;
	s17 =	sadd.s32 $0x4000, s8  }
0xf: {  	s9 =	simm.s32 $0x180;
	s18 =	sadd.s32 $0x8000, s8;
	[dreg:$0x7] =	wrdreg s17  }
0x10: {  	s11 =	ssub.s32 s11, s12;
	s20 =	sadd.s32 $0xC000, s8;
	[dreg:$0x8] =	wrdreg s18  }
0x11: {  	s12 =	sadd.s32 s19, s4;
	s15 =	sadd.s32 $0x10000, s8;
	[dreg:$0x9] =	wrdreg s20  }
0x12: {  	s10 =	sadd.s32 s10, s0;
	s21 =	sadd.s32 $0x80, s12;
	[dreg:$0xa] =	wrdreg s15  }
0x13: {  	s19 =	sadd.s32 $0x3280, s0;
	s22 =	sadd.s32 $0x100, s12;
	[dreg:$0xb] =	wrdreg s21  }
0x14: {  	s0 =	simm.s32 $0x2;
	s23 =	sadd.s32 $0x180, s12;
	[dreg:$0xc] =	wrdreg s22  }
0x15: {  	s24 =	sadd.s32 $0x200, s12;
	s10 =	sadd.s32 $0x4000, s10;
	[dreg:$0xd] =	wrdreg s23  }
0x16: {  	s11 =	smax.u32 s11, $0x1;
	s17 =	sadd.s32 $0x500, s13;
	[dreg:$0xe] =	wrdreg s24  }
0x17: {  	s20 =	sadd.s32 $0x13600, s2;
	[dreg:$0xf] =	wrdreg s11;
	s22 =	sadd.s32 s25, s10  }
0x18: {  	s23 =	simm.s32 $0x2800;
	s24 =	sadd.s32 s26, s5;
	s25 =	simm.s32 $0x3  }
0x19: {  	s26 =	simm.s32 $0x80;
	s5 =	simm.s32 $0x200;
	s10 =	simm.s32 $0x4  }
0x1a: {  	v0 =	vimm.f32 $0.0e+00;
	v1 =	vimm.f32 $1.000000000e+00;
	s11 =	simm.s32 $0x5;
	s17 =	smov.u32 @p0 s13;
	s13 =	simm.s32 $0x6  }
.LBB2_1:
0x1b: {  	s14 =	simm.s32 $0x0;
	s15 =	simm.s32 $0x200  }
.LBB2_2:
0x1c: {  	p0 =	sne.s32 s15, $0xFE00;
	[tilespmem:s14+$0x2870] =	vst v0  }
0x1d: {  	[tilespmem:s14+$0x2800] =	vst v0  }
0x1e: {  	[tilespmem:s14+$0x2810] =	vst v0  }
.Ltmp0:
0x1f: {  	[tilespmem:s14+$0x2820] =	vst v0;
	(pc) =	sbr.rel @p0 .LBB2_2-.Ltmp0, $4  }
0x20: {  	[tilespmem:s14+$0x2830] =	vst v0  }
0x21: {  	[tilespmem:s14+$0x2840] =	vst v0  }
0x22: {  	[tilespmem:s14+$0x2850] =	vst v0  }
0x23: {  	[tilespmem:s14+$0x2860] =	vst v0;
	s14 =	sshra.s32 s15, $0x2;
	s15 =	sadd.s32 $0x200, s15  }
0x24: {  	[tilespmem:s14+$0x2870] =	vst v0  }
0x25: {  	[tilespmem:s14+$0x2800] =	vst v0  }
0x26: {  	[tilespmem:s14+$0x2810] =	vst v0  }
0x27: {  	[tilespmem:s14+$0x2820] =	vst v0  }
0x28: {  	[tilespmem:s14+$0x2830] =	vst v0  }
0x29: {  	[tilespmem:s14+$0x2840] =	vst v0  }
0x2a: {  	[tilespmem:s14+$0x2850] =	vst v0  }
0x2b: {  	[tilespmem:s14+$0x2860] =	vst v0  }
0x2c: {  	[tilespmem:$0xA800] =	vst v1  }
0x2d: {  	[tilespmem:$0xA810] =	vst v1  }
0x2e: {  	[tilespmem:$0xA820] =	vst v1  }
0x2f: {  	[tilespmem:$0xA830] =	vst v1  }
0x30: {  	[tilespmem:$0xA840] =	vst v1  }
0x31: {  	[tilespmem:$0xA850] =	vst v1  }
0x32: {  	[tilespmem:$0xA860] =	vst v1  }
0x33: {  	[tilespmem:$0xA870] =	vst v1  }
0x34: {  	[spmem:s8] =	stream.linear.scatter [tilespmem:s23], [sflag:$0x3], $0x4000, $0x38;
	[tilespmem:$0x1E700] =	vst v63  }
0x35: {  	s15 =	rddreg [dreg:$0x7]  }
0x36: {  	[spmem:s15] =	stream.linear.scatter [tilespmem:s23], [sflag:$0x3], $0x4000, $0x38;
	[tilespmem:$0x1E700] =	vst v63  }
0x37: {  	s16 =	rddreg [dreg:$0x8]  }
0x38: {  	[spmem:s16] =	stream.linear.scatter [tilespmem:s23], [sflag:$0x3], $0x4000, $0x38;
	[tilespmem:$0x1E700] =	vst v63  }
0x39: {  	s18 =	rddreg [dreg:$0x9]  }
0x3a: {  	[spmem:s18] =	stream.linear.scatter [tilespmem:s23], [sflag:$0x3], $0x4000, $0x38;
	[tilespmem:$0x1E700] =	vst v63  }
0x3b: {  	s21 =	rddreg [dreg:$0xa]  }
0x3c: {  	[spmem:s21] =	stream.linear.scatter [tilespmem:s23], [sflag:$0x3], $0x3C00, $0x38;
	[tilespmem:$0x1E700] =	vst v63  }
0x3d: {  	_ = 	snop  }
0x3e: {  	[spmem:s12] =	stream.linear.scatter [tilespmem:s23], [sflag:$0x3], $0x80, $0x38;
	[tilespmem:$0x1E700] =	vst v63  }
0x3f: {  	s15 =	rddreg [dreg:$0xb]  }
0x40: {  	[spmem:s15] =	stream.linear.scatter [tilespmem:s23], [sflag:$0x3], $0x80, $0x38;
	[tilespmem:$0x1E700] =	vst v63  }
0x41: {  	s16 =	rddreg [dreg:$0xc]  }
0x42: {  	[spmem:s16] =	stream.linear.scatter [tilespmem:s23], [sflag:$0x3], $0x80, $0x38;
	[tilespmem:$0x1E700] =	vst v63  }
0x43: {  	s18 =	rddreg [dreg:$0xd]  }
0x44: {  	[spmem:s18] =	stream.linear.scatter [tilespmem:s23], [sflag:$0x3], $0x80, $0x38;
	[tilespmem:$0x1E700] =	vst v63  }
0x45: {  	s21 =	rddreg [dreg:$0xe]  }
0x46: {  	[spmem:s21] =	stream.linear.scatter [tilespmem:s23], [sflag:$0x3], $0x80, $0x38;
	[tilespmem:$0x1E700] =	vst v63  }
0x47: {  	_ =	swait.ge [sflag:s25], $0x4000  }
0x48: {  	[sflag:s25] =	ssyncset.done $0x0  }
0x49: {  	[sflag:s25] =	ssyncadd.s32 $0xFFFFC000  }
0x4a: {  	_ =	swait.ge [sflag:s25], $0x4000  }
0x4b: {  	[sflag:s25] =	ssyncset.done $0x0  }
0x4c: {  	[sflag:s25] =	ssyncadd.s32 $0xFFFFC000  }
0x4d: {  	_ =	swait.ge [sflag:s25], $0x4000  }
0x4e: {  	[sflag:s25] =	ssyncset.done $0x0  }
0x4f: {  	[sflag:s25] =	ssyncadd.s32 $0xFFFFC000  }
0x50: {  	_ =	swait.ge [sflag:s25], $0x4000  }
0x51: {  	[sflag:s25] =	ssyncset.done $0x0  }
0x52: {  	[sflag:s25] =	ssyncadd.s32 $0xFFFFC000  }
0x53: {  	_ =	swait.ge [sflag:s25], $0x3C00  }
0x54: {  	[sflag:s25] =	ssyncset.done $0x0  }
0x55: {  	[sflag:s25] =	ssyncadd.s32 $0xFFFFC400  }
0x56: {  	_ =	swait.ge [sflag:s25], $0x80  }
0x57: {  	[sflag:s25] =	ssyncset.done $0x0  }
0x58: {  	[sflag:s25] =	ssyncadd.s32 $0xFFFFFF80  }
0x59: {  	_ =	swait.ge [sflag:s25], $0x80  }
0x5a: {  	[sflag:s25] =	ssyncset.done $0x0  }
0x5b: {  	[sflag:s25] =	ssyncadd.s32 $0xFFFFFF80  }
0x5c: {  	_ =	swait.ge [sflag:s25], $0x80  }
0x5d: {  	[sflag:s25] =	ssyncset.done $0x0  }
0x5e: {  	[sflag:s25] =	ssyncadd.s32 $0xFFFFFF80  }
0x5f: {  	_ =	swait.ge [sflag:s25], $0x80  }
0x60: {  	[sflag:s25] =	ssyncset.done $0x0  }
0x61: {  	[sflag:s25] =	ssyncadd.s32 $0xFFFFFF80  }
0x62: {  	_ =	swait.ge [sflag:s25], $0x80  }
0x63: {  	[sflag:s25] =	ssyncset.done $0x0  }
0x64: {  	s14 =	simm.s32 $0x0;
	[sflag:s25] =	ssyncadd.s32 $0xFFFFFF80  }
0x65: {  	p1 =	por $0x1, $0x1;
	s15 =	simm.s32 $0x0;
	[bflag:$0x0] =	sbarrier.arrive $0xFFFF  }
.LBB2_4:
0x66: {  	s15 =	sadd.s32 s17, s15  }
0x67: {  	p0 =	sgt.u32 s15, $0x99C  }
0x68: {  	p2 =	sne.s32 @p0 s15, $0x9B0  }
0x69: {  	p3 =	por !p2, !p0  }
0x6a: {  	p3 =	slt.u32 @!p3 s15, $0x9D8  }
0x6b: {  	p3 =	por @p0 p3, !p2  }
0x6c: {  	p3 =	por p3, !p0  }
0x6d: {  	s16 =	simm.s32 @!p3 $0x0  }
0x6e: {  	[tilespmem:s16], [sflag:$0x6] =	stream.linear.gather @!p3 [hbm4b:s19+s16], $0x2800, $0x38;
	[tilespmem:$0x1E700] =	vst v63  }
0x6f: {  	s16 =	simm.s32 @!p3 $0x6  }
0x70: {  	_ =	swait.ge @!p3 [sflag:s16], $0x2800  }
0x71: {  	p2 =	por p2, !p0;
	[sflag:s16] =	ssyncset.done @!p3 $0x0  }
0x72: {  	s18 =	simm.s32 @!p2 $0x6;
	[sflag:s16] =	ssyncadd.s32 @!p3 $0xFFFFD800;
	s16 =	simm.s32 @!p2 $0x0  }
0x73: {  	[tilespmem:s16], [sflag:$0x6] =	stream.linear.gather @!p2 [hbm4b:s20+s16], $0x1400, $0x38;
	[tilespmem:$0x1E700] =	vst v63  }
0x74: {  	_ =	swait.ge @!p2 [sflag:s18], $0x1400  }
0x75: {  	[sflag:s18] =	ssyncset.done @!p2 $0x0  }
0x76: {  	s21 =	simm.s32 @!p2 $0x1400;
	[sflag:s18] =	ssyncadd.s32 @!p2 $0xFFFFEC00  }
0x77: {  	[tilespmem:s21], [sflag:$0x6] =	stream.linear.gather @!p2 [hbm4b:s7+s16], $0x1400, $0x38;
	[tilespmem:$0x1E700] =	vst v63  }
0x78: {  	_ =	swait.ge @!p2 [sflag:s18], $0x1400  }
0x79: {  	s15 =	sshll.u32 @!p0 s15, $0x5;
	[sflag:s18] =	ssyncset.done @!p2 $0x0  }
0x7a: {  	s15 =	sadd.s32 @!p0 s2, s15;
	s16 =	simm.s32 @!p0 $0x0;
	[sflag:s18] =	ssyncadd.s32 @!p2 $0xFFFFEC00  }
0x7b: {  	[tilespmem:s16], [sflag:$0x6] =	stream.linear.gather @!p0 [hbm4b:s15+s16], $0x2800, $0x38;
	[tilespmem:$0x1E700] =	vst v63  }
0x7c: {  	s15 =	simm.s32 @!p0 $0x6  }
0x7d: {  	_ =	swait.ge @!p0 [sflag:s15], $0x2800  }
0x7e: {  	[sflag:s15] =	ssyncset.done @!p0 $0x0  }
0x7f: {  	[sflag:s15] =	ssyncadd.s32 @!p0 $0xFFFFD800  }
0x80: {  	[tilespmem:s23], [sflag:$0x1] =	stream.indirect.gather [hbm4b:s1+s26], $0x80, s14, s26, $0xb8;
	[tilespmem:$0x1E700] =	vst v63  }
0x81: {  	_ = 	snop  }
0x82: {  	[tilespmem:s29], [sflag:$0x2] =	stream.indirect.gather [hbm4b:s1+s26], $0x80, s28, s26, $0xb8;
	[tilespmem:$0x1E700] =	vst v63  }
0x83: {  	_ =	swait.ge [sflag:s30], $0x4000  }
0x84: {  	[sflag:s30] =	ssyncset.done $0x0  }
0x85: {  	[sflag:s30] =	ssyncadd.s32 $0xFFFFC000  }
0x86: {  	[spmem:s3] =	stream.indirect.scatter.add.f32 [tilespmem:s23], [sflag:$0x3], $0x80, s26, s26, $0xb8;
	[tilespmem:$0x1E700] =	vst v63  }
0x87: {  	_ = 	snop  }
0x88: {  	[spmem:s4] =	stream.indirect.scatter.add.f32 [tilespmem:s31], [sflag:$0x5], $0x1, s26, s26, $0xb8;
	[tilespmem:$0x1E700] =	vst v63  }
0x89: {  	_ =	swait.ge [sflag:s0], $0x4000  }
0x8a: {  	[sflag:s0] =	ssyncset.done $0x0  }
0x8b: {  	[sflag:s0] =	ssyncadd.s32 $0xFFFFC000  }
0x8c: {  	_ =	swait.ge [sflag:s25], $0x4000  }
0x8d: {  	[sflag:s25] =	ssyncset.done $0x0  }
0x8e: {  	[sflag:s25] =	ssyncadd.s32 $0xFFFFC000  }
0x8f: {  	[tilespmem:s23], [sflag:$0x1] =	stream.indirect.gather [hbm4b:s1+s26], $0x80, s5, s26, $0xb8;
	[tilespmem:$0x1E700] =	vst v63  }
0x90: {  	_ = 	snop  }
0x91: {  	[spmem:s3] =	stream.indirect.scatter.add.f32 [tilespmem:s29], [sflag:$0x4], $0x80, s9, s26, $0xb8;
	[tilespmem:$0x1E700] =	vst v63  }
0x92: {  	p0 =	por p1, p1;
	s15 =	simm.s32 $0x0  }
0x93: {  	[spmem:s4] =	stream.indirect.scatter.add.f32 [tilespmem:s31], [sflag:$0x5], $0x1, s9, s26, $0xb8;
	[tilespmem:$0x1E700] =	vst v63  }
.LBB2_5:
0x94: {  	_ =	swait.ge [sflag:s10], $0x4000  }
0x95: {  	s16 =	sshra.s32 s15, $0x2;
	[sflag:s10] =	ssyncset.done $0x0  }
0x96: {  	s18 =	sadd.s32 $0x300, s16;
	[sflag:s10] =	ssyncadd.s32 $0xFFFFC000  }
0x97: {  	[tilespmem:s29], [sflag:$0x2] =	stream.indirect.gather [hbm4b:s1+s26], $0x80, s18, s26, $0xb8;
	[tilespmem:$0x1E700] =	vst v63  }
0x98: {  	_ =	swait.ge [sflag:s30], $0x4000  }
0x99: {  	[sflag:s30] =	ssyncset.done $0x0  }
0x9a: {  	s21 =	sadd.s32 $0x280, s16;
	[sflag:s30] =	ssyncadd.s32 $0xFFFFC000  }
0x9b: {  	[spmem:s3] =	stream.indirect.scatter.add.f32 [tilespmem:s23], [sflag:$0x3], $0x80, s21, s26, $0xb8;
	[tilespmem:$0x1E700] =	vst v63  }
0x9c: {  	_ = 	snop  }
0x9d: {  	[spmem:s4] =	stream.indirect.scatter.add.f32 [tilespmem:s31], [sflag:$0x5], $0x1, s21, s26, $0xb8;
	[tilespmem:$0x1E700] =	vst v63  }
0x9e: {  	p1 =	sne.s32 s15, $0x9000;
	_ =	swait.ge [sflag:s0], $0x4000  }
.Ltmp1:
0x9f: {  	[sflag:s0] =	ssyncset.done $0x0;
	(pc) =	sbr.rel @!p1 .LBB2_6-.Ltmp1, $4  }
0xa0: {  	[sflag:s0] =	ssyncadd.s32 $0xFFFFC000  }
0xa1: {  	_ =	swait.ge [sflag:s25], $0x4000  }
0xa2: {  	[sflag:s25] =	ssyncset.done $0x0  }
0xa3: {  	[sflag:s25] =	ssyncadd.s32 $0xFFFFC000  }
0xa4: {  	s18 =	sadd.s32 $0x400, s16;
	s15 =	sadd.s32 $0x800, s15  }
0xa5: {  	[tilespmem:s23], [sflag:$0x1] =	stream.indirect.gather [hbm4b:s1+s26], $0x80, s18, s26, $0xb8;
	[tilespmem:$0x1E700] =	vst v63  }
0xa6: {  	p1 =	sne.s32 s15, $0x9800  }
.Ltmp2:
0xa7: {  	_ = 	snop;
	(pc) =	sbr.rel @p1 .LBB2_5-.Ltmp2, $4  }
.Ltmp3:
0xa8: {  	s21 =	sadd.s32 $0x380, s16;
	(pc) =	sbr.rel @!p1 .LBB2_8-.Ltmp3, $4  }
0xa9: {  	[spmem:s3] =	stream.indirect.scatter.add.f32 [tilespmem:s29], [sflag:$0x4], $0x80, s21, s26, $0xb8;
	[tilespmem:$0x1E700] =	vst v63  }
0xaa: {  	_ = 	snop  }
0xab: {  	[spmem:s4] =	stream.indirect.scatter.add.f32 [tilespmem:s31], [sflag:$0x5], $0x1, s21, s26, $0xb8;
	[tilespmem:$0x1E700] =	vst v63  }
0xac: {  	_ = 	snop  }
.LBB2_6:
0xad: {  	s15 =	sadd.s32 $0x380, s16  }
0xae: {  	[spmem:s3] =	stream.indirect.scatter.add.f32 [tilespmem:s29], [sflag:$0x4], $0x80, s15, s26, $0xb8;
	[tilespmem:$0x1E700] =	vst v63  }
0xaf: {  	_ = 	snop  }
0xb0: {  	[spmem:s4] =	stream.indirect.scatter.add.f32 [tilespmem:s31], [sflag:$0x5], $0x1, s15, s26, $0xb8;
	[tilespmem:$0x1E700] =	vst v63  }
.LBB2_8:
0xb1: {  	_ =	swait.ge [sflag:s10], $0x4000  }
0xb2: {  	[sflag:s10] =	ssyncset.done $0x0  }
0xb3: {  	[sflag:s10] =	ssyncadd.s32 $0xFFFFC000  }
0xb4: {  	_ =	swait.ge [sflag:s11], $0x80  }
0xb5: {  	s15 =	simm.s32 $0x27;
	[sflag:s11] =	ssyncset.done $0x0  }
.LBB2_9:
0xb6: {  	p1 =	sne.s32 s15, $0x1;
	s15 =	sadd.s32 $0xFFFFFFFF, s15;
	[sflag:s11] =	ssyncadd.s32 $0xFFFFFF80  }
.Ltmp4:
0xb7: {  	(pc) =	sbr.rel @p1 .LBB2_9-.Ltmp4, $3  }
0xb8: {  	_ =	sdelay $0x1  }
0xb9: {  	_ =	swait.ge [sflag:s11], $0x80  }
0xba: {  	[sflag:s11] =	ssyncset.done $0x0  }
.Ltmp5:
0xbb: {  	(pc) =	sbr.rel @p0 .LBB2_4-.Ltmp5, $2  }
0xbc: {  	_ =	sdelay $0x2  }
0xbd: {  	[sflag:s11] =	ssyncadd.s32 $0xFFFFFF80;
	s15 =	simm.s32 $0x28;
	p1 =	por $0x0, $0x0  }
0xbe: {  	s14 =	stileid.u32  }
0xbf: {  	s14 =	sshll.u32 s14, $0x6  }
0xc0: {  	[bflag:$0x0] =	sbarrier.arrive $0xFFFF;
	s15 =	sshrl.u32 s8, $0x3;
	s14 =	sor.u32 $0x1C06, s14  }
0xc1: {  	[hbm:s22], [sflag:s14] =	dma.local [spmem:s15], $0x2780  }
0xc2: {  	_ =	swait.ge [sflag:s13], $0x2780  }
0xc3: {  	s21 =	sshrl.u32 s12, $0x3;
	[sflag:s13] =	ssyncset.done $0x0  }
0xc4: {  	s16 =	simm.s32 $0x20;
	s18 =	simm.s32 $0x10;
	[sflag:s13] =	ssyncadd.s32 $0xFFFFD880  }
0xc5: {  	[hbm:s24@s16], [sflag:s14] =	dma.strided [spmem:s21@s18], $0x50, s30, $0x10   }
0xc6: {  	_ =	swait.ge [sflag:s13], $0x50  }
0xc7: {  	s6 =	sadd.s32 $0x1, s6;
	s21 =	rddreg [dreg:$0xf]  }
0xc8: {  	p0 =	sne.s32 s6, s21  }
.Ltmp6:
0xc9: {  	_ = 	snop;
	(pc) =	sbr.rel @p0 .LBB2_1-.Ltmp6, $3  }
0xca: {  	_ =	sdelay $0x1  }
0xcb: {  	[sflag:s13] =	ssyncset.done $0x0  }
0xcc: {  	[sflag:s13] =	ssyncadd.s32 $0xFFFFFFB0  }
0xcd: {  	_ =	sfence.sel $0x180000  }
0xce: {  	[bflag:$0x0] =	sbarrier.arrive $0xFFFF  }
0xcf: {  	_ =	strace $0x90000047  }
0xd0: {  	s0 =	stileid.u32;
	[bflag:$0x2] =	sbarrier.arrive $0xFFFF  }
0xd1: {  	p0 =	sne.s32 s0, $0x0;
	s0 =	rddreg [dreg:$0x6]  }
0xd2: {  	s0 =	sadd.s32 @!p0 $0x100000, s0  }
0xd3: {  	[sflag:s0] =	ssyncadd.tile.s32 @!p0 $0x1;
	_ =	shalt  }
.Lfunc_end2:
_tile_overlayer_lowered:
.L_overlay_start_2:
0xd4: {  	(tag) =	ssettag $0x2  }
0xd5: {  	s0 =	rddreg [dreg:$0x0];
	s2 =	stileid.u32  }
0xd6: {  	s1 =	rddreg [dreg:$0x1];
	p0 =	sne.s32 s2, $0x0  }
0xd7: {  	s3 =	rddreg [dreg:$0x2];
	[bflag:$0x3] =	sbarrier.arrive $0xFFFF;
	s2 =	simm.s32 @!p0 $0x1C06  }
0xd8: {  	[timem:s3], [sflag:s2] =	dma.local @!p0 [hbm:s0], s1  }
0xd9: {  	s0 =	simm.s32 @!p0 $0x6  }
0xda: {  	_ =	swait.ge @!p0 [sflag:s0], s1  }
0xdb: {  	s1 =	ssub.s32 @!p0 $0x0, s1;
	[sflag:s0] =	ssyncset.done @!p0 $0x0  }
0xdc: {  	[sflag:s0] =	ssyncadd.s32 @!p0 s1  }
0xdd: {  	[bflag:$0x3] =	sbarrier.arrive $0xFFFF  }
0xde: {  	_ =	shalt  }

</sc_bundles>
